<compile_context>
chip_gen: v7x
topology: tpu7x:2x2x1
jax: 0.10.2.dev20260603
libtpu: 0.0.44.dev20260713+nightly
codegen_flags: <defaults>
</compile_context>

<pallas_src>
import functools

import jax
import jax.numpy as jnp
from jax import lax
from jax.experimental import pallas as pl
from jax.experimental.pallas import tpu as pltpu
from jax.experimental.pallas import tpu_sc as plsc

_N = 10000
_E = 320000
_FEAT = 128
_HID = 128
_OUT = 64
_G = 16

_NC = 2
_NS = 16
_NW = _NC * _NS
_EPW = _E // _NW
_K = 80
_CPW = _EPW // _K
_ROFF = 624
_RSZ = 640


@functools.partial(
    pl.kernel,
    out_type=jax.ShapeDtypeStruct((_NC, _N, _HID), jnp.float32),
    mesh=plsc.VectorSubcoreMesh(core_axis_name="c", subcore_axis_name="s"),
    scratch_types=[
        pltpu.VMEM((_EPW,), jnp.int32),
        pltpu.VMEM((_EPW,), jnp.int32),
        pltpu.VMEM((_K,), jnp.int32),
        pltpu.VMEM((_K, _HID), jnp.float32),
        pltpu.VMEM((_K, _HID), jnp.float32),
        pltpu.VMEM((_K, _HID), jnp.float32),
        pltpu.VMEM_SHARED((_N, _HID), jnp.float32),
        pltpu.SemaphoreType.DMA,
        pltpu.SemaphoreType.DMA,
        pltpu.SemaphoreType.DMA,
        pltpu.SemaphoreType.DMA,
        pltpu.SemaphoreType.DMA,
        pltpu.SemaphoreType.DMA,
    ],
)
def _sc_edge_agg(h_hbm, src_hbm, dst_hbm, out_hbm, src_v, dst_v,
                 cur, r0, r1, r2, acc, sg0, sg1, sg2, sp, sp2, sp3):
    c = lax.axis_index("c")
    s = lax.axis_index("s")
    wid = s * _NC + c
    row0 = pl.multiple_of(s * _ROFF, 8)
    base = pl.multiple_of(wid * _EPW, 8)
    pltpu.async_copy(src_hbm.at[pl.ds(base, _EPW)], src_v, sp)
    pltpu.async_copy(dst_hbm.at[pl.ds(base, _EPW)], dst_v, sp2)
    pltpu.async_copy(h_hbm.at[pl.ds(row0, _RSZ)], acc.at[pl.ds(row0, _RSZ)],
                     sp3)

    def _src(i):
        return src_v.at[pl.ds(i * _K, _K)]

    def _g_start(i, buf, sem):
        pltpu.async_copy(h_hbm.at[_src(i)], buf, sem)

    def _g_wait(i, buf, sem):
        pltpu.make_async_copy(h_hbm.at[_src(i)], buf, sem).wait()

    def _stage_dst(i):
        off = pl.multiple_of(i * _K, 16)
        for j in range(_K // 16):
            cur[pl.ds(16 * j, 16)] = dst_v[pl.ds(off + 16 * j, 16)]

    def _chunk(i, buf, sem, start_i, start_buf, start_sem):
        if start_i is not None:
            _g_start(start_i, start_buf, start_sem)
        _stage_dst(i)
        _g_wait(i, buf, sem)
        pltpu.sync_copy(buf, acc.at[cur], add=True)

    pltpu.make_async_copy(src_hbm.at[pl.ds(base, _EPW)], src_v, sp).wait()
    _g_start(0, r0, sg0)
    _g_start(1, r1, sg1)
    pltpu.make_async_copy(dst_hbm.at[pl.ds(base, _EPW)], dst_v, sp2).wait()
    pltpu.make_async_copy(h_hbm.at[pl.ds(row0, _RSZ)],
                          acc.at[pl.ds(row0, _RSZ)], sp3).wait()
    plsc.subcore_barrier()

    def body(k, carry):
        i0 = 3 * k
        _chunk(i0, r0, sg0, i0 + 2, r2, sg2)
        _chunk(i0 + 1, r1, sg1, i0 + 3, r0, sg0)
        _chunk(i0 + 2, r2, sg2, i0 + 4, r1, sg1)
        return carry

    lax.fori_loop(0, (_CPW - 2) // 3, body, 0)
    _chunk(_CPW - 2, r0, sg0, None, None, None)
    _chunk(_CPW - 1, r1, sg1, None, None, None)
    plsc.subcore_barrier()
    pltpu.sync_copy(acc.at[pl.ds(row0, _RSZ)],
                    out_hbm.at[c, pl.ds(row0, _RSZ)])


def _mlp_bn(z, w1, b1, w2, b2, g, bt):
    a = jnp.maximum(jnp.dot(z, w1, preferred_element_type=jnp.float32) + b1,
                    0.0)
    z2 = jnp.dot(a, w2, preferred_element_type=jnp.float32) + b2
    mu = jnp.mean(z2, axis=0, keepdims=True)
    zc = z2 - mu
    var = jnp.mean(zc * zc, axis=0, keepdims=True)
    zn = zc * lax.rsqrt(var + 1e-5) * g + bt
    return jnp.maximum(zn, 0.0)


def _tc_layer_body(p_ref, h_ref, w1_ref, b1_ref, w2_ref, b2_ref, g_ref,
                   bt_ref, o_ref):
    z = p_ref[0] + p_ref[1] - h_ref[...]
    o_ref[...] = _mlp_bn(z, w1_ref[...], b1_ref[...], w2_ref[...],
                         b2_ref[...], g_ref[...], bt_ref[...])


_tc_layer = pl.pallas_call(
    _tc_layer_body,
    out_shape=jax.ShapeDtypeStruct((_N, _HID), jnp.float32),
)


def _tc_final_body(p_ref, h_ref, w1_ref, b1_ref, w2_ref, b2_ref, g_ref,
                   bt_ref, batch_ref, wf1_ref, bf1_ref, wf2_ref, bf2_ref,
                   o_ref):
    z = p_ref[0] + p_ref[1] - h_ref[...]
    hl = _mlp_bn(z, w1_ref[...], b1_ref[...], w2_ref[...], b2_ref[...],
                 g_ref[...], bt_ref[...])
    onehot_t = (lax.broadcasted_iota(jnp.int32, (_G, _N), 0)
                == batch_ref[...]).astype(jnp.float32)
    pooled = jnp.dot(onehot_t, hl, preferred_element_type=jnp.float32)
    f1 = jnp.maximum(
        jnp.dot(pooled, wf1_ref[...], preferred_element_type=jnp.float32)
        + bf1_ref[...], 0.0)
    o_ref[...] = (jnp.dot(f1, wf2_ref[...],
                          preferred_element_type=jnp.float32)
                  + bf2_ref[...])


_tc_final = pl.pallas_call(
    _tc_final_body,
    out_shape=jax.ShapeDtypeStruct((_G, _OUT), jnp.float32),
)


def kernel(x, edge_index, batch, params):
    ei = jnp.asarray(edge_index, jnp.int32)
    src = ei[0]
    dst = ei[1]
    batch2d = jnp.asarray(batch, jnp.int32).reshape(1, _N)
    h = x
    n_layers = len(params["layers"])
    for i, lp in enumerate(params["layers"]):
        p = _sc_edge_agg(h, src, dst)
        w1 = lp["W1"]
        b1 = lp["b1"].reshape(1, _HID)
        w2 = lp["W2"]
        b2 = lp["b2"].reshape(1, _HID)
        g = lp["gamma"].reshape(1, _HID)
        bt = lp["beta"].reshape(1, _HID)
        if i < n_layers - 1:
            h = _tc_layer(p, h, w1, b1, w2, b2, g, bt)
        else:
            fc = params["fc"]
            out = _tc_final(p, h, w1, b1, w2, b2, g, bt, batch2d,
                            fc["Wf1"], fc["bf1"].reshape(1, _HID),
                            fc["Wf2"], fc["bf2"].reshape(1, _OUT))
    return out

# --- scband reference (transcript-rebuilt; emitter-appended) ---
"""Pipeline reference for scband-gin-72937134621131 (READ-ONLY COPY).

The authoritative reference and input builder live on the scoring server;
editing this copy changes nothing except your own understanding.
"""

import jax, jax.numpy as jnp
import numpy as np

N = 10000
E = 320000
FEAT = 128
HID = 128
OUT = 64
L = 3
G = 16


def _init_linear(key, fan_in, fan_out):
    k1, k2 = jax.random.split(key)
    bound = 1.0 / np.sqrt(fan_in)
    W = jax.random.uniform(k1, (fan_in, fan_out), minval=-bound, maxval=bound, dtype=jnp.float32)
    b = jax.random.uniform(k2, (fan_out,), minval=-bound, maxval=bound, dtype=jnp.float32)
    return W, b


def setup_inputs(seed: int = 0):
    key = jax.random.key(seed)
    ks = jax.random.split(key, 5 + 2 * L)
    x = jax.random.normal(ks[0], (N, FEAT), dtype=jnp.float32)
    edge_index = jax.random.randint(ks[1], (2, E), 0, N, dtype=jnp.int32).astype(jnp.int64)
    batch = jnp.sort(jax.random.randint(ks[2], (N,), 0, G, dtype=jnp.int32)).astype(jnp.int64)
    layers = []
    for i in range(L):
        fin = FEAT if i == 0 else HID
        W1, b1 = _init_linear(ks[3 + 2 * i], fin, HID)
        W2, b2 = _init_linear(ks[4 + 2 * i], HID, HID)
        layers.append({"W1": W1, "b1": b1, "W2": W2, "b2": b2,
                       "gamma": jnp.ones((HID,), jnp.float32), "beta": jnp.zeros((HID,), jnp.float32)})
    Wf1, bf1 = _init_linear(ks[3 + 2 * L], HID, HID)
    Wf2, bf2 = _init_linear(ks[4 + 2 * L], HID, OUT)
    params = {"layers": layers, "fc": {"Wf1": Wf1, "bf1": bf1, "Wf2": Wf2, "bf2": bf2}}
    return {"x": x, "edge_index": edge_index, "batch": batch, "params": params}


def _forward(x, params, edge_index, batch):
    src = edge_index[0]
    dst = edge_index[1]
    h = x
    for lp in params["layers"]:
        # GINConv with eps=0: h_i' = nn((1+eps)*h_i + sum_{j in N(i)} h_j)
        agg = jax.ops.segment_sum(h[src], dst, num_segments=N)
        z = h + agg
        z = jnp.maximum(z @ lp["W1"] + lp["b1"], 0.0) @ lp["W2"] + lp["b2"]
        # BatchNorm1d (training-mode batch statistics, biased variance)
        mean = jnp.mean(z, axis=0)
        var = jnp.var(z, axis=0)
        z = (z - mean) / jnp.sqrt(var + 1e-5) * lp["gamma"] + lp["beta"]
        h = jnp.maximum(z, 0.0)
    pooled = jax.ops.segment_sum(h, batch, num_segments=G)
    fc = params["fc"]
    out = jnp.maximum(pooled @ fc["Wf1"] + fc["bf1"], 0.0) @ fc["Wf2"] + fc["bf2"]
    return out


def reference(x, edge_index, batch, params):
    return _forward(x, params, edge_index, batch)

if __name__ == "__main__":
    import jax
    _d = setup_inputs()
    print(jax.jit(kernel)(*tuple(_d.values())))

</pallas_src>

<mosaic_0001>
#map = affine_map<(d0, d1) -> (0, 0)>
#map1 = affine_map<(d0, d1) -> (0)>
#map2 = affine_map<(d0, d1) -> (0, 0, 0)>
module attributes {stable_mosaic.version = 14 : i64} {
  func.func @_sc_edge_agg(%arg0: i32, %arg1: i32, %arg2: memref<10000x128xf32, #tpu.memory_space<hbm>>, %arg3: memref<320000xi32, #tpu.memory_space<hbm>>, %arg4: memref<320000xi32, #tpu.memory_space<hbm>>, %arg5: memref<2x10000x128xf32, #tpu.memory_space<hbm>>, %arg6: memref<10000xi32, #tpu.memory_space<vmem>>, %arg7: memref<10000xi32, #tpu.memory_space<vmem>>, %arg8: memref<80xi32, #tpu.memory_space<vmem>>, %arg9: memref<80x128xf32, #tpu.memory_space<vmem>>, %arg10: memref<80x128xf32, #tpu.memory_space<vmem>>, %arg11: memref<80x128xf32, #tpu.memory_space<vmem>>, %arg12: memref<10000x128xf32, #tpu.memory_space<vmem_shared>>, %arg13: memref<!tpu.dma_semaphore, #tpu.memory_space<semaphore_mem>>, %arg14: memref<!tpu.dma_semaphore, #tpu.memory_space<semaphore_mem>>, %arg15: memref<!tpu.dma_semaphore, #tpu.memory_space<semaphore_mem>>, %arg16: memref<!tpu.dma_semaphore, #tpu.memory_space<semaphore_mem>>, %arg17: memref<!tpu.dma_semaphore, #tpu.memory_space<semaphore_mem>>, %arg18: memref<!tpu.dma_semaphore, #tpu.memory_space<semaphore_mem>>) attributes {dimension_semantics = [#tpu.dimension_semantics<core_parallel>, #tpu.dimension_semantics<subcore_parallel>], iteration_bounds = array<i64: 2, 16>, scalar_prefetch = 0 : i64, scratch_operands = 13 : i64, tpu.core_type = #tpu.core_type<sc_vector_subcore>, window_params = [{transform_indices = #map}, {transform_indices = #map1}, {transform_indices = #map1}, {transform_indices = #map2}]} {
    %mul3A = arith.constant 2 : i32
    %mul3A_0 = arith.muli %arg1, %mul3A : i32
    %add3A = arith.addi %mul3A_0, %arg0 : i32
    %mul3A_1 = arith.constant 624 : i32
    %mul3A_2 = arith.muli %arg1, %mul3A_1 : i32
    %multiple_of3A = tpu.assume_multiple %mul3A_2, 8 : i32
    %mul3A_3 = arith.constant 10000 : i32
    %mul3A_4 = arith.muli %add3A, %mul3A_3 : i32
    %multiple_of3A_5 = tpu.assume_multiple %mul3A_4, 8 : i32
    %dma_start3A = tpu.memref_slice %arg3[%multiple_of3A_5] : memref<320000xi32, #tpu.memory_space<hbm>> -> memref<10000xi32, #tpu.memory_space<hbm>>
    %dma_start3A_6 = tpu.memref_slice %arg3[%multiple_of3A_5] : memref<320000xi32, #tpu.memory_space<hbm>> -> memref<10000xi32, #tpu.memory_space<hbm>>
    tpu.enqueue_dma source(%dma_start3A_6 : memref<10000xi32, #tpu.memory_space<hbm>>) target(%arg6 : memref<10000xi32, #tpu.memory_space<vmem>>) target_semaphore(%arg16 : memref<!tpu.dma_semaphore, #tpu.memory_space<semaphore_mem>>)
    %dma_start3A_7 = tpu.memref_slice %arg4[%multiple_of3A_5] : memref<320000xi32, #tpu.memory_space<hbm>> -> memref<10000xi32, #tpu.memory_space<hbm>>
    %dma_start3A_8 = tpu.memref_slice %arg4[%multiple_of3A_5] : memref<320000xi32, #tpu.memory_space<hbm>> -> memref<10000xi32, #tpu.memory_space<hbm>>
    tpu.enqueue_dma source(%dma_start3A_8 : memref<10000xi32, #tpu.memory_space<hbm>>) target(%arg7 : memref<10000xi32, #tpu.memory_space<vmem>>) target_semaphore(%arg17 : memref<!tpu.dma_semaphore, #tpu.memory_space<semaphore_mem>>)
    %dma_start3A_9 = arith.constant 0 : i32
    %dma_start3A_10 = tpu.memref_slice %arg12[%multiple_of3A, %dma_start3A_9] : memref<10000x128xf32, #tpu.memory_space<vmem_shared>> -> memref<640x128xf32, #tpu.memory_space<vmem_shared>>
    %dma_start3A_11 = arith.constant 0 : i32
    %dma_start3A_12 = tpu.memref_slice %arg2[%multiple_of3A, %dma_start3A_11] : memref<10000x128xf32, #tpu.memory_space<hbm>> -> memref<640x128xf32, #tpu.memory_space<hbm>>
    tpu.enqueue_dma source(%dma_start3A_12 : memref<640x128xf32, #tpu.memory_space<hbm>>) target(%dma_start3A_10 : memref<640x128xf32, #tpu.memory_space<vmem_shared>>) target_semaphore(%arg18 : memref<!tpu.dma_semaphore, #tpu.memory_space<semaphore_mem>>)
    %dma_wait3A = tpu.memref_slice %arg3[%multiple_of3A_5] : memref<320000xi32, #tpu.memory_space<hbm>> -> memref<10000xi32, #tpu.memory_space<hbm>>
    %dma_wait3A_13 = tpu.memref_slice %arg3[%multiple_of3A_5] : memref<320000xi32, #tpu.memory_space<hbm>> -> memref<10000xi32, #tpu.memory_space<hbm>>
    tpu.wait_dma2 semaphore(%arg16 : memref<!tpu.dma_semaphore, #tpu.memory_space<semaphore_mem>>) src(%dma_wait3A_13 : memref<10000xi32, #tpu.memory_space<hbm>>) dst(%arg6 : memref<10000xi32, #tpu.memory_space<vmem>>)
    %dma_start3A_14 = arith.constant 0 : i32
    %dma_start3A_15 = tpu.memref_slice %arg6[%dma_start3A_14] : memref<10000xi32, #tpu.memory_space<vmem>> -> memref<80xi32, #tpu.memory_space<vmem>>
    %dma_start3A_16 = arith.constant 0 : i32
    %dma_start3A_17 = arith.constant 0 : i32
    %dma_start3A_18 = tpu.memref_slice %arg2[%dma_start3A_16, %dma_start3A_17] : memref<10000x128xf32, #tpu.memory_space<hbm>> -> memref<10000x128xf32, #tpu.memory_space<hbm>>
    tpu.enqueue_indirect_dma source(%dma_start3A_18 : memref<10000x128xf32, #tpu.memory_space<hbm>>) target(%arg9 : memref<80x128xf32, #tpu.memory_space<vmem>>) offsets(%dma_start3A_15 : memref<80xi32, #tpu.memory_space<vmem>>) semaphore(%arg13 : memref<!tpu.dma_semaphore, #tpu.memory_space<semaphore_mem>>)
    %dma_start3A_19 = arith.constant 80 : i32
    %dma_start3A_20 = tpu.memref_slice %arg6[%dma_start3A_19] : memref<10000xi32, #tpu.memory_space<vmem>> -> memref<80xi32, #tpu.memory_space<vmem>>
    %dma_start3A_21 = arith.constant 0 : i32
    %dma_start3A_22 = arith.constant 0 : i32
    %dma_start3A_23 = tpu.memref_slice %arg2[%dma_start3A_21, %dma_start3A_22] : memref<10000x128xf32, #tpu.memory_space<hbm>> -> memref<10000x128xf32, #tpu.memory_space<hbm>>
    tpu.enqueue_indirect_dma source(%dma_start3A_23 : memref<10000x128xf32, #tpu.memory_space<hbm>>) target(%arg10 : memref<80x128xf32, #tpu.memory_space<vmem>>) offsets(%dma_start3A_20 : memref<80xi32, #tpu.memory_space<vmem>>) semaphore(%arg14 : memref<!tpu.dma_semaphore, #tpu.memory_space<semaphore_mem>>)
    %dma_wait3A_24 = tpu.memref_slice %arg4[%multiple_of3A_5] : memref<320000xi32, #tpu.memory_space<hbm>> -> memref<10000xi32, #tpu.memory_space<hbm>>
    %dma_wait3A_25 = tpu.memref_slice %arg4[%multiple_of3A_5] : memref<320000xi32, #tpu.memory_space<hbm>> -> memref<10000xi32, #tpu.memory_space<hbm>>
    tpu.wait_dma2 semaphore(%arg17 : memref<!tpu.dma_semaphore, #tpu.memory_space<semaphore_mem>>) src(%dma_wait3A_25 : memref<10000xi32, #tpu.memory_space<hbm>>) dst(%arg7 : memref<10000xi32, #tpu.memory_space<vmem>>)
    %dma_wait3A_26 = arith.constant 0 : i32
    %dma_wait3A_27 = tpu.memref_slice %arg12[%multiple_of3A, %dma_wait3A_26] : memref<10000x128xf32, #tpu.memory_space<vmem_shared>> -> memref<640x128xf32, #tpu.memory_space<vmem_shared>>
    %dma_wait3A_28 = arith.constant 0 : i32
    %dma_wait3A_29 = tpu.memref_slice %arg2[%multiple_of3A, %dma_wait3A_28] : memref<10000x128xf32, #tpu.memory_space<hbm>> -> memref<640x128xf32, #tpu.memory_space<hbm>>
    tpu.wait_dma2 semaphore(%arg18 : memref<!tpu.dma_semaphore, #tpu.memory_space<semaphore_mem>>) src(%dma_wait3A_29 : memref<640x128xf32, #tpu.memory_space<hbm>>) dst(%dma_wait3A_27 : memref<640x128xf32, #tpu.memory_space<vmem_shared>>)
    %barrier3A = arith.constant 0 : index
    tpu.barrier barrier_id(%barrier3A)
    %scan3A = arith.constant 0 : i32
    %scan3A_30 = arith.constant 0 : i32
    %scan3A_31 = arith.constant 41 : i32
    %scan3A_32 = arith.addi %scan3A_30, %scan3A_31 : i32
    %scan3A_33 = arith.constant 1 : i32
    scf.for %scan3A_138 = %scan3A_30 to %scan3A_32 step %scan3A_33  : i32 {
      %mul3A_139 = arith.constant 3 : i32
      %mul3A_140 = arith.muli %mul3A_139, %scan3A_138 : i32
      %add3A_141 = arith.constant 2 : i32
      %add3A_142 = arith.addi %mul3A_140, %add3A_141 : i32
      %mul3A_143 = arith.constant 80 : i32
      %mul3A_144 = arith.muli %add3A_142, %mul3A_143 : i32
      %dma_start3A_145 = tpu.memref_slice %arg6[%mul3A_144] : memref<10000xi32, #tpu.memory_space<vmem>> -> memref<80xi32, #tpu.memory_space<vmem>>
      %dma_start3A_146 = arith.constant 0 : i32
      %dma_start3A_147 = arith.constant 0 : i32
      %dma_start3A_148 = tpu.memref_slice %arg2[%dma_start3A_146, %dma_start3A_147] : memref<10000x128xf32, #tpu.memory_space<hbm>> -> memref<10000x128xf32, #tpu.memory_space<hbm>>
      tpu.enqueue_indirect_dma source(%dma_start3A_148 : memref<10000x128xf32, #tpu.memory_space<hbm>>) target(%arg11 : memref<80x128xf32, #tpu.memory_space<vmem>>) offsets(%dma_start3A_145 : memref<80xi32, #tpu.memory_space<vmem>>) semaphore(%arg15 : memref<!tpu.dma_semaphore, #tpu.memory_space<semaphore_mem>>)
      %mul3A_149 = arith.constant 80 : i32
      %mul3A_150 = arith.muli %mul3A_140, %mul3A_149 : i32
      %multiple_of3A_151 = tpu.assume_multiple %mul3A_150, 16 : i32
      %add3A_152 = arith.constant 0 : i32
      %add3A_153 = arith.addi %multiple_of3A_151, %add3A_152 : i32
      %get3A_154 = arith.index_cast %add3A_153 : i32 to index
      %get3A_155 = tpu.vector_load %arg7[%get3A_154] {strides = array<i32>} : memref<10000xi32, #tpu.memory_space<vmem>>, vector<16xi32>,
      %get3A_156 = vector.shape_cast %get3A_155 : vector<16xi32> to vector<16xi32>
      %swap3A_157 = arith.constant 0 : index
      %swap3A_158 = tpu.vector_load %arg8[%swap3A_157] {strides = array<i32>} : memref<80xi32, #tpu.memory_space<vmem>>, vector<16xi32>,
      %swap3A_159 = vector.shape_cast %swap3A_158 : vector<16xi32> to vector<16xi32>
      %swap3A_160 = vector.shape_cast %get3A_156 : vector<16xi32> to vector<16xi32>
      tpu.vector_store %arg8[%swap3A_157], %swap3A_160 {strides = array<i32>} : memref<80xi32, #tpu.memory_space<vmem>>, vector<16xi32>,
      %add3A_161 = arith.constant 16 : i32
      %add3A_162 = arith.addi %multiple_of3A_151, %add3A_161 : i32
      %get3A_163 = arith.index_cast %add3A_162 : i32 to index
      %get3A_164 = tpu.vector_load %arg7[%get3A_163] {strides = array<i32>} : memref<10000xi32, #tpu.memory_space<vmem>>, vector<16xi32>,
      %get3A_165 = vector.shape_cast %get3A_164 : vector<16xi32> to vector<16xi32>
      %swap3A_166 = arith.constant 16 : index
      %swap3A_167 = tpu.vector_load %arg8[%swap3A_166] {strides = array<i32>} : memref<80xi32, #tpu.memory_space<vmem>>, vector<16xi32>,
      %swap3A_168 = vector.shape_cast %swap3A_167 : vector<16xi32> to vector<16xi32>
      %swap3A_169 = vector.shape_cast %get3A_165 : vector<16xi32> to vector<16xi32>
      tpu.vector_store %arg8[%swap3A_166], %swap3A_169 {strides = array<i32>} : memref<80xi32, #tpu.memory_space<vmem>>, vector<16xi32>,
      %add3A_170 = arith.constant 32 : i32
      %add3A_171 = arith.addi %multiple_of3A_151, %add3A_170 : i32
      %get3A_172 = arith.index_cast %add3A_171 : i32 to index
      %get3A_173 = tpu.vector_load %arg7[%get3A_172] {strides = array<i32>} : memref<10000xi32, #tpu.memory_space<vmem>>, vector<16xi32>,
      %get3A_174 = vector.shape_cast %get3A_173 : vector<16xi32> to vector<16xi32>
      %swap3A_175 = arith.constant 32 : index
      %swap3A_176 = tpu.vector_load %arg8[%swap3A_175] {strides = array<i32>} : memref<80xi32, #tpu.memory_space<vmem>>, vector<16xi32>,
      %swap3A_177 = vector.shape_cast %swap3A_176 : vector<16xi32> to vector<16xi32>
      %swap3A_178 = vector.shape_cast %get3A_174 : vector<16xi32> to vector<16xi32>
      tpu.vector_store %arg8[%swap3A_175], %swap3A_178 {strides = array<i32>} : memref<80xi32, #tpu.memory_space<vmem>>, vector<16xi32>,
      %add3A_179 = arith.constant 48 : i32
      %add3A_180 = arith.addi %multiple_of3A_151, %add3A_179 : i32
      %get3A_181 = arith.index_cast %add3A_180 : i32 to index
      %get3A_182 = tpu.vector_load %arg7[%get3A_181] {strides = array<i32>} : memref<10000xi32, #tpu.memory_space<vmem>>, vector<16xi32>,
      %get3A_183 = vector.shape_cast %get3A_182 : vector<16xi32> to vector<16xi32>
      %swap3A_184 = arith.constant 48 : index
      %swap3A_185 = tpu.vector_load %arg8[%swap3A_184] {strides = array<i32>} : memref<80xi32, #tpu.memory_space<vmem>>, vector<16xi32>,
      %swap3A_186 = vector.shape_cast %swap3A_185 : vector<16xi32> to vector<16xi32>
      %swap3A_187 = vector.shape_cast %get3A_183 : vector<16xi32> to vector<16xi32>
      tpu.vector_store %arg8[%swap3A_184], %swap3A_187 {strides = array<i32>} : memref<80xi32, #tpu.memory_space<vmem>>, vector<16xi32>,
      %add3A_188 = arith.constant 64 : i32
      %add3A_189 = arith.addi %multiple_of3A_151, %add3A_188 : i32
      %get3A_190 = arith.index_cast %add3A_189 : i32 to index
      %get3A_191 = tpu.vector_load %arg7[%get3A_190] {strides = array<i32>} : memref<10000xi32, #tpu.memory_space<vmem>>, vector<16xi32>,
      %get3A_192 = vector.shape_cast %get3A_191 : vector<16xi32> to vector<16xi32>
      %swap3A_193 = arith.constant 64 : index
      %swap3A_194 = tpu.vector_load %arg8[%swap3A_193] {strides = array<i32>} : memref<80xi32, #tpu.memory_space<vmem>>, vector<16xi32>,
      %swap3A_195 = vector.shape_cast %swap3A_194 : vector<16xi32> to vector<16xi32>
      %swap3A_196 = vector.shape_cast %get3A_192 : vector<16xi32> to vector<16xi32>
      tpu.vector_store %arg8[%swap3A_193], %swap3A_196 {strides = array<i32>} : memref<80xi32, #tpu.memory_space<vmem>>, vector<16xi32>,
      %mul3A_197 = arith.constant 80 : i32
      %mul3A_198 = arith.muli %mul3A_140, %mul3A_197 : i32
      %dma_wait3A_199 = tpu.memref_slice %arg6[%mul3A_198] : memref<10000xi32, #tpu.memory_space<vmem>> -> memref<80xi32, #tpu.memory_space<vmem>>
      %dma_wait3A_200 = arith.constant 0 : i32
      %dma_wait3A_201 = arith.constant 0 : i32
      %dma_wait3A_202 = tpu.memref_slice %arg2[%dma_wait3A_200, %dma_wait3A_201] : memref<10000x128xf32, #tpu.memory_space<hbm>> -> memref<10000x128xf32, #tpu.memory_space<hbm>>
      tpu.wait_indirect_dma semaphore(%arg13 : memref<!tpu.dma_semaphore, #tpu.memory_space<semaphore_mem>>) src(%dma_wait3A_202 : memref<10000x128xf32, #tpu.memory_space<hbm>>) dst(%arg9 : memref<80x128xf32, #tpu.memory_space<vmem>>)
      "tpu.region"() ({
        %run_scoped3A = tpu.sem_alloc : memref<!tpu.dma_semaphore, #tpu.memory_space<semaphore_mem>>
        %dma_start3A_331 = arith.constant 0 : i32
        %dma_start3A_332 = arith.constant 0 : i32
        %dma_start3A_333 = tpu.memref_slice %arg12[%dma_start3A_331, %dma_start3A_332] : memref<10000x128xf32, #tpu.memory_space<vmem_shared>> -> memref<10000x128xf32, #tpu.memory_space<vmem_shared>>
        tpu.enqueue_indirect_dma source(%arg9 : memref<80x128xf32, #tpu.memory_space<vmem>>) target(%dma_start3A_333 : memref<10000x128xf32, #tpu.memory_space<vmem_shared>>) offsets(%arg8 : memref<80xi32, #tpu.memory_space<vmem>>) semaphore(%run_scoped3A : memref<!tpu.dma_semaphore, #tpu.memory_space<semaphore_mem>>) {add = true}
        %dma_wait3A_334 = arith.constant 0 : i32
        %dma_wait3A_335 = arith.constant 0 : i32
        %dma_wait3A_336 = tpu.memref_slice %arg12[%dma_wait3A_334, %dma_wait3A_335] : memref<10000x128xf32, #tpu.memory_space<vmem_shared>> -> memref<10000x128xf32, #tpu.memory_space<vmem_shared>>
        tpu.wait_indirect_dma semaphore(%run_scoped3A : memref<!tpu.dma_semaphore, #tpu.memory_space<semaphore_mem>>) src(%arg9 : memref<80x128xf32, #tpu.memory_space<vmem>>) dst(%dma_wait3A_336 : memref<10000x128xf32, #tpu.memory_space<vmem_shared>>)
        tpu.yield
      }) : () -> ()
      %add3A_203 = arith.constant 1 : i32
      %add3A_204 = arith.addi %mul3A_140, %add3A_203 : i32
      %add3A_205 = arith.constant 3 : i32
      %add3A_206 = arith.addi %mul3A_140, %add3A_205 : i32
      %mul3A_207 = arith.constant 80 : i32
      %mul3A_208 = arith.muli %add3A_206, %mul3A_207 : i32
      %dma_start3A_209 = tpu.memref_slice %arg6[%mul3A_208] : memref<10000xi32, #tpu.memory_space<vmem>> -> memref<80xi32, #tpu.memory_space<vmem>>
      %dma_start3A_210 = arith.constant 0 : i32
      %dma_start3A_211 = arith.constant 0 : i32
      %dma_start3A_212 = tpu.memref_slice %arg2[%dma_start3A_210, %dma_start3A_211] : memref<10000x128xf32, #tpu.memory_space<hbm>> -> memref<10000x128xf32, #tpu.memory_space<hbm>>
      tpu.enqueue_indirect_dma source(%dma_start3A_212 : memref<10000x128xf32, #tpu.memory_space<hbm>>) target(%arg9 : memref<80x128xf32, #tpu.memory_space<vmem>>) offsets(%dma_start3A_209 : memref<80xi32, #tpu.memory_space<vmem>>) semaphore(%arg13 : memref<!tpu.dma_semaphore, #tpu.memory_space<semaphore_mem>>)
      %mul3A_213 = arith.constant 80 : i32
      %mul3A_214 = arith.muli %add3A_204, %mul3A_213 : i32
      %multiple_of3A_215 = tpu.assume_multiple %mul3A_214, 16 : i32
      %add3A_216 = arith.constant 0 : i32
      %add3A_217 = arith.addi %multiple_of3A_215, %add3A_216 : i32
      %get3A_218 = arith.index_cast %add3A_217 : i32 to index
      %get3A_219 = tpu.vector_load %arg7[%get3A_218] {strides = array<i32>} : memref<10000xi32, #tpu.memory_space<vmem>>, vector<16xi32>,
      %get3A_220 = vector.shape_cast %get3A_219 : vector<16xi32> to vector<16xi32>
      %swap3A_221 = arith.constant 0 : index
      %swap3A_222 = tpu.vector_load %arg8[%swap3A_221] {strides = array<i32>} : memref<80xi32, #tpu.memory_space<vmem>>, vector<16xi32>,
      %swap3A_223 = vector.shape_cast %swap3A_222 : vector<16xi32> to vector<16xi32>
      %swap3A_224 = vector.shape_cast %get3A_220 : vector<16xi32> to vector<16xi32>
      tpu.vector_store %arg8[%swap3A_221], %swap3A_224 {strides = array<i32>} : memref<80xi32, #tpu.memory_space<vmem>>, vector<16xi32>,
      %add3A_225 = arith.constant 16 : i32
      %add3A_226 = arith.addi %multiple_of3A_215, %add3A_225 : i32
      %get3A_227 = arith.index_cast %add3A_226 : i32 to index
      %get3A_228 = tpu.vector_load %arg7[%get3A_227] {strides = array<i32>} : memref<10000xi32, #tpu.memory_space<vmem>>, vector<16xi32>,
      %get3A_229 = vector.shape_cast %get3A_228 : vector<16xi32> to vector<16xi32>
      %swap3A_230 = arith.constant 16 : index
      %swap3A_231 = tpu.vector_load %arg8[%swap3A_230] {strides = array<i32>} : memref<80xi32, #tpu.memory_space<vmem>>, vector<16xi32>,
      %swap3A_232 = vector.shape_cast %swap3A_231 : vector<16xi32> to vector<16xi32>
      %swap3A_233 = vector.shape_cast %get3A_229 : vector<16xi32> to vector<16xi32>
      tpu.vector_store %arg8[%swap3A_230], %swap3A_233 {strides = array<i32>} : memref<80xi32, #tpu.memory_space<vmem>>, vector<16xi32>,
      %add3A_234 = arith.constant 32 : i32
      %add3A_235 = arith.addi %multiple_of3A_215, %add3A_234 : i32
      %get3A_236 = arith.index_cast %add3A_235 : i32 to index
      %get3A_237 = tpu.vector_load %arg7[%get3A_236] {strides = array<i32>} : memref<10000xi32, #tpu.memory_space<vmem>>, vector<16xi32>,
      %get3A_238 = vector.shape_cast %get3A_237 : vector<16xi32> to vector<16xi32>
      %swap3A_239 = arith.constant 32 : index
      %swap3A_240 = tpu.vector_load %arg8[%swap3A_239] {strides = array<i32>} : memref<80xi32, #tpu.memory_space<vmem>>, vector<16xi32>,
      %swap3A_241 = vector.shape_cast %swap3A_240 : vector<16xi32> to vector<16xi32>
      %swap3A_242 = vector.shape_cast %get3A_238 : vector<16xi32> to vector<16xi32>
      tpu.vector_store %arg8[%swap3A_239], %swap3A_242 {strides = array<i32>} : memref<80xi32, #tpu.memory_space<vmem>>, vector<16xi32>,
      %add3A_243 = arith.constant 48 : i32
      %add3A_244 = arith.addi %multiple_of3A_215, %add3A_243 : i32
      %get3A_245 = arith.index_cast %add3A_244 : i32 to index
      %get3A_246 = tpu.vector_load %arg7[%get3A_245] {strides = array<i32>} : memref<10000xi32, #tpu.memory_space<vmem>>, vector<16xi32>,
      %get3A_247 = vector.shape_cast %get3A_246 : vector<16xi32> to vector<16xi32>
      %swap3A_248 = arith.constant 48 : index
      %swap3A_249 = tpu.vector_load %arg8[%swap3A_248] {strides = array<i32>} : memref<80xi32, #tpu.memory_space<vmem>>, vector<16xi32>,
      %swap3A_250 = vector.shape_cast %swap3A_249 : vector<16xi32> to vector<16xi32>
      %swap3A_251 = vector.shape_cast %get3A_247 : vector<16xi32> to vector<16xi32>
      tpu.vector_store %arg8[%swap3A_248], %swap3A_251 {strides = array<i32>} : memref<80xi32, #tpu.memory_space<vmem>>, vector<16xi32>,
      %add3A_252 = arith.constant 64 : i32
      %add3A_253 = arith.addi %multiple_of3A_215, %add3A_252 : i32
      %get3A_254 = arith.index_cast %add3A_253 : i32 to index
      %get3A_255 = tpu.vector_load %arg7[%get3A_254] {strides = array<i32>} : memref<10000xi32, #tpu.memory_space<vmem>>, vector<16xi32>,
      %get3A_256 = vector.shape_cast %get3A_255 : vector<16xi32> to vector<16xi32>
      %swap3A_257 = arith.constant 64 : index
      %swap3A_258 = tpu.vector_load %arg8[%swap3A_257] {strides = array<i32>} : memref<80xi32, #tpu.memory_space<vmem>>, vector<16xi32>,
      %swap3A_259 = vector.shape_cast %swap3A_258 : vector<16xi32> to vector<16xi32>
      %swap3A_260 = vector.shape_cast %get3A_256 : vector<16xi32> to vector<16xi32>
      tpu.vector_store %arg8[%swap3A_257], %swap3A_260 {strides = array<i32>} : memref<80xi32, #tpu.memory_space<vmem>>, vector<16xi32>,
      %mul3A_261 = arith.constant 80 : i32
      %mul3A_262 = arith.muli %add3A_204, %mul3A_261 : i32
      %dma_wait3A_263 = tpu.memref_slice %arg6[%mul3A_262] : memref<10000xi32, #tpu.memory_space<vmem>> -> memref<80xi32, #tpu.memory_space<vmem>>
      %dma_wait3A_264 = arith.constant 0 : i32
      %dma_wait3A_265 = arith.constant 0 : i32
      %dma_wait3A_266 = tpu.memref_slice %arg2[%dma_wait3A_264, %dma_wait3A_265] : memref<10000x128xf32, #tpu.memory_space<hbm>> -> memref<10000x128xf32, #tpu.memory_space<hbm>>
      tpu.wait_indirect_dma semaphore(%arg14 : memref<!tpu.dma_semaphore, #tpu.memory_space<semaphore_mem>>) src(%dma_wait3A_266 : memref<10000x128xf32, #tpu.memory_space<hbm>>) dst(%arg10 : memref<80x128xf32, #tpu.memory_space<vmem>>)
      "tpu.region"() ({
        %run_scoped3A = tpu.sem_alloc : memref<!tpu.dma_semaphore, #tpu.memory_space<semaphore_mem>>
        %dma_start3A_331 = arith.constant 0 : i32
        %dma_start3A_332 = arith.constant 0 : i32
        %dma_start3A_333 = tpu.memref_slice %arg12[%dma_start3A_331, %dma_start3A_332] : memref<10000x128xf32, #tpu.memory_space<vmem_shared>> -> memref<10000x128xf32, #tpu.memory_space<vmem_shared>>
        tpu.enqueue_indirect_dma source(%arg10 : memref<80x128xf32, #tpu.memory_space<vmem>>) target(%dma_start3A_333 : memref<10000x128xf32, #tpu.memory_space<vmem_shared>>) offsets(%arg8 : memref<80xi32, #tpu.memory_space<vmem>>) semaphore(%run_scoped3A : memref<!tpu.dma_semaphore, #tpu.memory_space<semaphore_mem>>) {add = true}
        %dma_wait3A_334 = arith.constant 0 : i32
        %dma_wait3A_335 = arith.constant 0 : i32
        %dma_wait3A_336 = tpu.memref_slice %arg12[%dma_wait3A_334, %dma_wait3A_335] : memref<10000x128xf32, #tpu.memory_space<vmem_shared>> -> memref<10000x128xf32, #tpu.memory_space<vmem_shared>>
        tpu.wait_indirect_dma semaphore(%run_scoped3A : memref<!tpu.dma_semaphore, #tpu.memory_space<semaphore_mem>>) src(%arg10 : memref<80x128xf32, #tpu.memory_space<vmem>>) dst(%dma_wait3A_336 : memref<10000x128xf32, #tpu.memory_space<vmem_shared>>)
        tpu.yield
      }) : () -> ()
      %add3A_267 = arith.constant 2 : i32
      %add3A_268 = arith.addi %mul3A_140, %add3A_267 : i32
      %add3A_269 = arith.constant 4 : i32
      %add3A_270 = arith.addi %mul3A_140, %add3A_269 : i32
      %mul3A_271 = arith.constant 80 : i32
      %mul3A_272 = arith.muli %add3A_270, %mul3A_271 : i32
      %dma_start3A_273 = tpu.memref_slice %arg6[%mul3A_272] : memref<10000xi32, #tpu.memory_space<vmem>> -> memref<80xi32, #tpu.memory_space<vmem>>
      %dma_start3A_274 = arith.constant 0 : i32
      %dma_start3A_275 = arith.constant 0 : i32
      %dma_start3A_276 = tpu.memref_slice %arg2[%dma_start3A_274, %dma_start3A_275] : memref<10000x128xf32, #tpu.memory_space<hbm>> -> memref<10000x128xf32, #tpu.memory_space<hbm>>
      tpu.enqueue_indirect_dma source(%dma_start3A_276 : memref<10000x128xf32, #tpu.memory_space<hbm>>) target(%arg10 : memref<80x128xf32, #tpu.memory_space<vmem>>) offsets(%dma_start3A_273 : memref<80xi32, #tpu.memory_space<vmem>>) semaphore(%arg14 : memref<!tpu.dma_semaphore, #tpu.memory_space<semaphore_mem>>)
      %mul3A_277 = arith.constant 80 : i32
      %mul3A_278 = arith.muli %add3A_268, %mul3A_277 : i32
      %multiple_of3A_279 = tpu.assume_multiple %mul3A_278, 16 : i32
      %add3A_280 = arith.constant 0 : i32
      %add3A_281 = arith.addi %multiple_of3A_279, %add3A_280 : i32
      %get3A_282 = arith.index_cast %add3A_281 : i32 to index
      %get3A_283 = tpu.vector_load %arg7[%get3A_282] {strides = array<i32>} : memref<10000xi32, #tpu.memory_space<vmem>>, vector<16xi32>,
      %get3A_284 = vector.shape_cast %get3A_283 : vector<16xi32> to vector<16xi32>
      %swap3A_285 = arith.constant 0 : index
      %swap3A_286 = tpu.vector_load %arg8[%swap3A_285] {strides = array<i32>} : memref<80xi32, #tpu.memory_space<vmem>>, vector<16xi32>,
      %swap3A_287 = vector.shape_cast %swap3A_286 : vector<16xi32> to vector<16xi32>
      %swap3A_288 = vector.shape_cast %get3A_284 : vector<16xi32> to vector<16xi32>
      tpu.vector_store %arg8[%swap3A_285], %swap3A_288 {strides = array<i32>} : memref<80xi32, #tpu.memory_space<vmem>>, vector<16xi32>,
      %add3A_289 = arith.constant 16 : i32
      %add3A_290 = arith.addi %multiple_of3A_279, %add3A_289 : i32
      %get3A_291 = arith.index_cast %add3A_290 : i32 to index
      %get3A_292 = tpu.vector_load %arg7[%get3A_291] {strides = array<i32>} : memref<10000xi32, #tpu.memory_space<vmem>>, vector<16xi32>,
      %get3A_293 = vector.shape_cast %get3A_292 : vector<16xi32> to vector<16xi32>
      %swap3A_294 = arith.constant 16 : index
      %swap3A_295 = tpu.vector_load %arg8[%swap3A_294] {strides = array<i32>} : memref<80xi32, #tpu.memory_space<vmem>>, vector<16xi32>,
      %swap3A_296 = vector.shape_cast %swap3A_295 : vector<16xi32> to vector<16xi32>
      %swap3A_297 = vector.shape_cast %get3A_293 : vector<16xi32> to vector<16xi32>
      tpu.vector_store %arg8[%swap3A_294], %swap3A_297 {strides = array<i32>} : memref<80xi32, #tpu.memory_space<vmem>>, vector<16xi32>,
      %add3A_298 = arith.constant 32 : i32
      %add3A_299 = arith.addi %multiple_of3A_279, %add3A_298 : i32
      %get3A_300 = arith.index_cast %add3A_299 : i32 to index
      %get3A_301 = tpu.vector_load %arg7[%get3A_300] {strides = array<i32>} : memref<10000xi32, #tpu.memory_space<vmem>>, vector<16xi32>,
      %get3A_302 = vector.shape_cast %get3A_301 : vector<16xi32> to vector<16xi32>
      %swap3A_303 = arith.constant 32 : index
      %swap3A_304 = tpu.vector_load %arg8[%swap3A_303] {strides = array<i32>} : memref<80xi32, #tpu.memory_space<vmem>>, vector<16xi32>,
      %swap3A_305 = vector.shape_cast %swap3A_304 : vector<16xi32> to vector<16xi32>
      %swap3A_306 = vector.shape_cast %get3A_302 : vector<16xi32> to vector<16xi32>
      tpu.vector_store %arg8[%swap3A_303], %swap3A_306 {strides = array<i32>} : memref<80xi32, #tpu.memory_space<vmem>>, vector<16xi32>,
      %add3A_307 = arith.constant 48 : i32
      %add3A_308 = arith.addi %multiple_of3A_279, %add3A_307 : i32
      %get3A_309 = arith.index_cast %add3A_308 : i32 to index
      %get3A_310 = tpu.vector_load %arg7[%get3A_309] {strides = array<i32>} : memref<10000xi32, #tpu.memory_space<vmem>>, vector<16xi32>,
      %get3A_311 = vector.shape_cast %get3A_310 : vector<16xi32> to vector<16xi32>
      %swap3A_312 = arith.constant 48 : index
      %swap3A_313 = tpu.vector_load %arg8[%swap3A_312] {strides = array<i32>} : memref<80xi32, #tpu.memory_space<vmem>>, vector<16xi32>,
      %swap3A_314 = vector.shape_cast %swap3A_313 : vector<16xi32> to vector<16xi32>
      %swap3A_315 = vector.shape_cast %get3A_311 : vector<16xi32> to vector<16xi32>
      tpu.vector_store %arg8[%swap3A_312], %swap3A_315 {strides = array<i32>} : memref<80xi32, #tpu.memory_space<vmem>>, vector<16xi32>,
      %add3A_316 = arith.constant 64 : i32
      %add3A_317 = arith.addi %multiple_of3A_279, %add3A_316 : i32
      %get3A_318 = arith.index_cast %add3A_317 : i32 to index
      %get3A_319 = tpu.vector_load %arg7[%get3A_318] {strides = array<i32>} : memref<10000xi32, #tpu.memory_space<vmem>>, vector<16xi32>,
      %get3A_320 = vector.shape_cast %get3A_319 : vector<16xi32> to vector<16xi32>
      %swap3A_321 = arith.constant 64 : index
      %swap3A_322 = tpu.vector_load %arg8[%swap3A_321] {strides = array<i32>} : memref<80xi32, #tpu.memory_space<vmem>>, vector<16xi32>,
      %swap3A_323 = vector.shape_cast %swap3A_322 : vector<16xi32> to vector<16xi32>
      %swap3A_324 = vector.shape_cast %get3A_320 : vector<16xi32> to vector<16xi32>
      tpu.vector_store %arg8[%swap3A_321], %swap3A_324 {strides = array<i32>} : memref<80xi32, #tpu.memory_space<vmem>>, vector<16xi32>,
      %mul3A_325 = arith.constant 80 : i32
      %mul3A_326 = arith.muli %add3A_268, %mul3A_325 : i32
      %dma_wait3A_327 = tpu.memref_slice %arg6[%mul3A_326] : memref<10000xi32, #tpu.memory_space<vmem>> -> memref<80xi32, #tpu.memory_space<vmem>>
      %dma_wait3A_328 = arith.constant 0 : i32
      %dma_wait3A_329 = arith.constant 0 : i32
      %dma_wait3A_330 = tpu.memref_slice %arg2[%dma_wait3A_328, %dma_wait3A_329] : memref<10000x128xf32, #tpu.memory_space<hbm>> -> memref<10000x128xf32, #tpu.memory_space<hbm>>
      tpu.wait_indirect_dma semaphore(%arg15 : memref<!tpu.dma_semaphore, #tpu.memory_space<semaphore_mem>>) src(%dma_wait3A_330 : memref<10000x128xf32, #tpu.memory_space<hbm>>) dst(%arg11 : memref<80x128xf32, #tpu.memory_space<vmem>>)
      "tpu.region"() ({
        %run_scoped3A = tpu.sem_alloc : memref<!tpu.dma_semaphore, #tpu.memory_space<semaphore_mem>>
        %dma_start3A_331 = arith.constant 0 : i32
        %dma_start3A_332 = arith.constant 0 : i32
        %dma_start3A_333 = tpu.memref_slice %arg12[%dma_start3A_331, %dma_start3A_332] : memref<10000x128xf32, #tpu.memory_space<vmem_shared>> -> memref<10000x128xf32, #tpu.memory_space<vmem_shared>>
        tpu.enqueue_indirect_dma source(%arg11 : memref<80x128xf32, #tpu.memory_space<vmem>>) target(%dma_start3A_333 : memref<10000x128xf32, #tpu.memory_space<vmem_shared>>) offsets(%arg8 : memref<80xi32, #tpu.memory_space<vmem>>) semaphore(%run_scoped3A : memref<!tpu.dma_semaphore, #tpu.memory_space<semaphore_mem>>) {add = true}
        %dma_wait3A_334 = arith.constant 0 : i32
        %dma_wait3A_335 = arith.constant 0 : i32
        %dma_wait3A_336 = tpu.memref_slice %arg12[%dma_wait3A_334, %dma_wait3A_335] : memref<10000x128xf32, #tpu.memory_space<vmem_shared>> -> memref<10000x128xf32, #tpu.memory_space<vmem_shared>>
        tpu.wait_indirect_dma semaphore(%run_scoped3A : memref<!tpu.dma_semaphore, #tpu.memory_space<semaphore_mem>>) src(%arg11 : memref<80x128xf32, #tpu.memory_space<vmem>>) dst(%dma_wait3A_336 : memref<10000x128xf32, #tpu.memory_space<vmem_shared>>)
        tpu.yield
      }) : () -> ()
    }
    %scan3A_34 = arith.constant 41 : i32
    %multiple_of3A_35 = arith.constant 9840 : i32
    %multiple_of3A_36 = tpu.assume_multiple %multiple_of3A_35, 16 : i32
    %add3A_37 = arith.constant 0 : i32
    %add3A_38 = arith.addi %multiple_of3A_36, %add3A_37 : i32
    %get3A = arith.index_cast %add3A_38 : i32 to index
    %get3A_39 = tpu.vector_load %arg7[%get3A] {strides = array<i32>} : memref<10000xi32, #tpu.memory_space<vmem>>, vector<16xi32>,
    %get3A_40 = vector.shape_cast %get3A_39 : vector<16xi32> to vector<16xi32>
    %swap3A = arith.constant 0 : index
    %swap3A_41 = tpu.vector_load %arg8[%swap3A] {strides = array<i32>} : memref<80xi32, #tpu.memory_space<vmem>>, vector<16xi32>,
    %swap3A_42 = vector.shape_cast %swap3A_41 : vector<16xi32> to vector<16xi32>
    %swap3A_43 = vector.shape_cast %get3A_40 : vector<16xi32> to vector<16xi32>
    tpu.vector_store %arg8[%swap3A], %swap3A_43 {strides = array<i32>} : memref<80xi32, #tpu.memory_space<vmem>>, vector<16xi32>,
    %add3A_44 = arith.constant 16 : i32
    %add3A_45 = arith.addi %multiple_of3A_36, %add3A_44 : i32
    %get3A_46 = arith.index_cast %add3A_45 : i32 to index
    %get3A_47 = tpu.vector_load %arg7[%get3A_46] {strides = array<i32>} : memref<10000xi32, #tpu.memory_space<vmem>>, vector<16xi32>,
    %get3A_48 = vector.shape_cast %get3A_47 : vector<16xi32> to vector<16xi32>
    %swap3A_49 = arith.constant 16 : index
    %swap3A_50 = tpu.vector_load %arg8[%swap3A_49] {strides = array<i32>} : memref<80xi32, #tpu.memory_space<vmem>>, vector<16xi32>,
    %swap3A_51 = vector.shape_cast %swap3A_50 : vector<16xi32> to vector<16xi32>
    %swap3A_52 = vector.shape_cast %get3A_48 : vector<16xi32> to vector<16xi32>
    tpu.vector_store %arg8[%swap3A_49], %swap3A_52 {strides = array<i32>} : memref<80xi32, #tpu.memory_space<vmem>>, vector<16xi32>,
    %add3A_53 = arith.constant 32 : i32
    %add3A_54 = arith.addi %multiple_of3A_36, %add3A_53 : i32
    %get3A_55 = arith.index_cast %add3A_54 : i32 to index
    %get3A_56 = tpu.vector_load %arg7[%get3A_55] {strides = array<i32>} : memref<10000xi32, #tpu.memory_space<vmem>>, vector<16xi32>,
    %get3A_57 = vector.shape_cast %get3A_56 : vector<16xi32> to vector<16xi32>
    %swap3A_58 = arith.constant 32 : index
    %swap3A_59 = tpu.vector_load %arg8[%swap3A_58] {strides = array<i32>} : memref<80xi32, #tpu.memory_space<vmem>>, vector<16xi32>,
    %swap3A_60 = vector.shape_cast %swap3A_59 : vector<16xi32> to vector<16xi32>
    %swap3A_61 = vector.shape_cast %get3A_57 : vector<16xi32> to vector<16xi32>
    tpu.vector_store %arg8[%swap3A_58], %swap3A_61 {strides = array<i32>} : memref<80xi32, #tpu.memory_space<vmem>>, vector<16xi32>,
    %add3A_62 = arith.constant 48 : i32
    %add3A_63 = arith.addi %multiple_of3A_36, %add3A_62 : i32
    %get3A_64 = arith.index_cast %add3A_63 : i32 to index
    %get3A_65 = tpu.vector_load %arg7[%get3A_64] {strides = array<i32>} : memref<10000xi32, #tpu.memory_space<vmem>>, vector<16xi32>,
    %get3A_66 = vector.shape_cast %get3A_65 : vector<16xi32> to vector<16xi32>
    %swap3A_67 = arith.constant 48 : index
    %swap3A_68 = tpu.vector_load %arg8[%swap3A_67] {strides = array<i32>} : memref<80xi32, #tpu.memory_space<vmem>>, vector<16xi32>,
    %swap3A_69 = vector.shape_cast %swap3A_68 : vector<16xi32> to vector<16xi32>
    %swap3A_70 = vector.shape_cast %get3A_66 : vector<16xi32> to vector<16xi32>
    tpu.vector_store %arg8[%swap3A_67], %swap3A_70 {strides = array<i32>} : memref<80xi32, #tpu.memory_space<vmem>>, vector<16xi32>,
    %add3A_71 = arith.constant 64 : i32
    %add3A_72 = arith.addi %multiple_of3A_36, %add3A_71 : i32
    %get3A_73 = arith.index_cast %add3A_72 : i32 to index
    %get3A_74 = tpu.vector_load %arg7[%get3A_73] {strides = array<i32>} : memref<10000xi32, #tpu.memory_space<vmem>>, vector<16xi32>,
    %get3A_75 = vector.shape_cast %get3A_74 : vector<16xi32> to vector<16xi32>
    %swap3A_76 = arith.constant 64 : index
    %swap3A_77 = tpu.vector_load %arg8[%swap3A_76] {strides = array<i32>} : memref<80xi32, #tpu.memory_space<vmem>>, vector<16xi32>,
    %swap3A_78 = vector.shape_cast %swap3A_77 : vector<16xi32> to vector<16xi32>
    %swap3A_79 = vector.shape_cast %get3A_75 : vector<16xi32> to vector<16xi32>
    tpu.vector_store %arg8[%swap3A_76], %swap3A_79 {strides = array<i32>} : memref<80xi32, #tpu.memory_space<vmem>>, vector<16xi32>,
    %dma_wait3A_80 = arith.constant 9840 : i32
    %dma_wait3A_81 = tpu.memref_slice %arg6[%dma_wait3A_80] : memref<10000xi32, #tpu.memory_space<vmem>> -> memref<80xi32, #tpu.memory_space<vmem>>
    %dma_wait3A_82 = arith.constant 0 : i32
    %dma_wait3A_83 = arith.constant 0 : i32
    %dma_wait3A_84 = tpu.memref_slice %arg2[%dma_wait3A_82, %dma_wait3A_83] : memref<10000x128xf32, #tpu.memory_space<hbm>> -> memref<10000x128xf32, #tpu.memory_space<hbm>>
    tpu.wait_indirect_dma semaphore(%arg13 : memref<!tpu.dma_semaphore, #tpu.memory_space<semaphore_mem>>) src(%dma_wait3A_84 : memref<10000x128xf32, #tpu.memory_space<hbm>>) dst(%arg9 : memref<80x128xf32, #tpu.memory_space<vmem>>)
    "tpu.region"() ({
      %run_scoped3A = tpu.sem_alloc : memref<!tpu.dma_semaphore, #tpu.memory_space<semaphore_mem>>
      %dma_start3A_138 = arith.constant 0 : i32
      %dma_start3A_139 = arith.constant 0 : i32
      %dma_start3A_140 = tpu.memref_slice %arg12[%dma_start3A_138, %dma_start3A_139] : memref<10000x128xf32, #tpu.memory_space<vmem_shared>> -> memref<10000x128xf32, #tpu.memory_space<vmem_shared>>
      tpu.enqueue_indirect_dma source(%arg9 : memref<80x128xf32, #tpu.memory_space<vmem>>) target(%dma_start3A_140 : memref<10000x128xf32, #tpu.memory_space<vmem_shared>>) offsets(%arg8 : memref<80xi32, #tpu.memory_space<vmem>>) semaphore(%run_scoped3A : memref<!tpu.dma_semaphore, #tpu.memory_space<semaphore_mem>>) {add = true}
      %dma_wait3A_141 = arith.constant 0 : i32
      %dma_wait3A_142 = arith.constant 0 : i32
      %dma_wait3A_143 = tpu.memref_slice %arg12[%dma_wait3A_141, %dma_wait3A_142] : memref<10000x128xf32, #tpu.memory_space<vmem_shared>> -> memref<10000x128xf32, #tpu.memory_space<vmem_shared>>
      tpu.wait_indirect_dma semaphore(%run_scoped3A : memref<!tpu.dma_semaphore, #tpu.memory_space<semaphore_mem>>) src(%arg9 : memref<80x128xf32, #tpu.memory_space<vmem>>) dst(%dma_wait3A_143 : memref<10000x128xf32, #tpu.memory_space<vmem_shared>>)
      tpu.yield
    }) : () -> ()
    %multiple_of3A_85 = arith.constant 9920 : i32
    %multiple_of3A_86 = tpu.assume_multiple %multiple_of3A_85, 16 : i32
    %add3A_87 = arith.constant 0 : i32
    %add3A_88 = arith.addi %multiple_of3A_86, %add3A_87 : i32
    %get3A_89 = arith.index_cast %add3A_88 : i32 to index
    %get3A_90 = tpu.vector_load %arg7[%get3A_89] {strides = array<i32>} : memref<10000xi32, #tpu.memory_space<vmem>>, vector<16xi32>,
    %get3A_91 = vector.shape_cast %get3A_90 : vector<16xi32> to vector<16xi32>
    %swap3A_92 = arith.constant 0 : index
    %swap3A_93 = tpu.vector_load %arg8[%swap3A_92] {strides = array<i32>} : memref<80xi32, #tpu.memory_space<vmem>>, vector<16xi32>,
    %swap3A_94 = vector.shape_cast %swap3A_93 : vector<16xi32> to vector<16xi32>
    %swap3A_95 = vector.shape_cast %get3A_91 : vector<16xi32> to vector<16xi32>
    tpu.vector_store %arg8[%swap3A_92], %swap3A_95 {strides = array<i32>} : memref<80xi32, #tpu.memory_space<vmem>>, vector<16xi32>,
    %add3A_96 = arith.constant 16 : i32
    %add3A_97 = arith.addi %multiple_of3A_86, %add3A_96 : i32
    %get3A_98 = arith.index_cast %add3A_97 : i32 to index
    %get3A_99 = tpu.vector_load %arg7[%get3A_98] {strides = array<i32>} : memref<10000xi32, #tpu.memory_space<vmem>>, vector<16xi32>,
    %get3A_100 = vector.shape_cast %get3A_99 : vector<16xi32> to vector<16xi32>
    %swap3A_101 = arith.constant 16 : index
    %swap3A_102 = tpu.vector_load %arg8[%swap3A_101] {strides = array<i32>} : memref<80xi32, #tpu.memory_space<vmem>>, vector<16xi32>,
    %swap3A_103 = vector.shape_cast %swap3A_102 : vector<16xi32> to vector<16xi32>
    %swap3A_104 = vector.shape_cast %get3A_100 : vector<16xi32> to vector<16xi32>
    tpu.vector_store %arg8[%swap3A_101], %swap3A_104 {strides = array<i32>} : memref<80xi32, #tpu.memory_space<vmem>>, vector<16xi32>,
    %add3A_105 = arith.constant 32 : i32
    %add3A_106 = arith.addi %multiple_of3A_86, %add3A_105 : i32
    %get3A_107 = arith.index_cast %add3A_106 : i32 to index
    %get3A_108 = tpu.vector_load %arg7[%get3A_107] {strides = array<i32>} : memref<10000xi32, #tpu.memory_space<vmem>>, vector<16xi32>,
    %get3A_109 = vector.shape_cast %get3A_108 : vector<16xi32> to vector<16xi32>
    %swap3A_110 = arith.constant 32 : index
    %swap3A_111 = tpu.vector_load %arg8[%swap3A_110] {strides = array<i32>} : memref<80xi32, #tpu.memory_space<vmem>>, vector<16xi32>,
    %swap3A_112 = vector.shape_cast %swap3A_111 : vector<16xi32> to vector<16xi32>
    %swap3A_113 = vector.shape_cast %get3A_109 : vector<16xi32> to vector<16xi32>
    tpu.vector_store %arg8[%swap3A_110], %swap3A_113 {strides = array<i32>} : memref<80xi32, #tpu.memory_space<vmem>>, vector<16xi32>,
    %add3A_114 = arith.constant 48 : i32
    %add3A_115 = arith.addi %multiple_of3A_86, %add3A_114 : i32
    %get3A_116 = arith.index_cast %add3A_115 : i32 to index
    %get3A_117 = tpu.vector_load %arg7[%get3A_116] {strides = array<i32>} : memref<10000xi32, #tpu.memory_space<vmem>>, vector<16xi32>,
    %get3A_118 = vector.shape_cast %get3A_117 : vector<16xi32> to vector<16xi32>
    %swap3A_119 = arith.constant 48 : index
    %swap3A_120 = tpu.vector_load %arg8[%swap3A_119] {strides = array<i32>} : memref<80xi32, #tpu.memory_space<vmem>>, vector<16xi32>,
    %swap3A_121 = vector.shape_cast %swap3A_120 : vector<16xi32> to vector<16xi32>
    %swap3A_122 = vector.shape_cast %get3A_118 : vector<16xi32> to vector<16xi32>
    tpu.vector_store %arg8[%swap3A_119], %swap3A_122 {strides = array<i32>} : memref<80xi32, #tpu.memory_space<vmem>>, vector<16xi32>,
    %add3A_123 = arith.constant 64 : i32
    %add3A_124 = arith.addi %multiple_of3A_86, %add3A_123 : i32
    %get3A_125 = arith.index_cast %add3A_124 : i32 to index
    %get3A_126 = tpu.vector_load %arg7[%get3A_125] {strides = array<i32>} : memref<10000xi32, #tpu.memory_space<vmem>>, vector<16xi32>,
    %get3A_127 = vector.shape_cast %get3A_126 : vector<16xi32> to vector<16xi32>
    %swap3A_128 = arith.constant 64 : index
    %swap3A_129 = tpu.vector_load %arg8[%swap3A_128] {strides = array<i32>} : memref<80xi32, #tpu.memory_space<vmem>>, vector<16xi32>,
    %swap3A_130 = vector.shape_cast %swap3A_129 : vector<16xi32> to vector<16xi32>
    %swap3A_131 = vector.shape_cast %get3A_127 : vector<16xi32> to vector<16xi32>
    tpu.vector_store %arg8[%swap3A_128], %swap3A_131 {strides = array<i32>} : memref<80xi32, #tpu.memory_space<vmem>>, vector<16xi32>,
    %dma_wait3A_132 = arith.constant 9920 : i32
    %dma_wait3A_133 = tpu.memref_slice %arg6[%dma_wait3A_132] : memref<10000xi32, #tpu.memory_space<vmem>> -> memref<80xi32, #tpu.memory_space<vmem>>
    %dma_wait3A_134 = arith.constant 0 : i32
    %dma_wait3A_135 = arith.constant 0 : i32
    %dma_wait3A_136 = tpu.memref_slice %arg2[%dma_wait3A_134, %dma_wait3A_135] : memref<10000x128xf32, #tpu.memory_space<hbm>> -> memref<10000x128xf32, #tpu.memory_space<hbm>>
    tpu.wait_indirect_dma semaphore(%arg14 : memref<!tpu.dma_semaphore, #tpu.memory_space<semaphore_mem>>) src(%dma_wait3A_136 : memref<10000x128xf32, #tpu.memory_space<hbm>>) dst(%arg10 : memref<80x128xf32, #tpu.memory_space<vmem>>)
    "tpu.region"() ({
      %run_scoped3A = tpu.sem_alloc : memref<!tpu.dma_semaphore, #tpu.memory_space<semaphore_mem>>
      %dma_start3A_138 = arith.constant 0 : i32
      %dma_start3A_139 = arith.constant 0 : i32
      %dma_start3A_140 = tpu.memref_slice %arg12[%dma_start3A_138, %dma_start3A_139] : memref<10000x128xf32, #tpu.memory_space<vmem_shared>> -> memref<10000x128xf32, #tpu.memory_space<vmem_shared>>
      tpu.enqueue_indirect_dma source(%arg10 : memref<80x128xf32, #tpu.memory_space<vmem>>) target(%dma_start3A_140 : memref<10000x128xf32, #tpu.memory_space<vmem_shared>>) offsets(%arg8 : memref<80xi32, #tpu.memory_space<vmem>>) semaphore(%run_scoped3A : memref<!tpu.dma_semaphore, #tpu.memory_space<semaphore_mem>>) {add = true}
      %dma_wait3A_141 = arith.constant 0 : i32
      %dma_wait3A_142 = arith.constant 0 : i32
      %dma_wait3A_143 = tpu.memref_slice %arg12[%dma_wait3A_141, %dma_wait3A_142] : memref<10000x128xf32, #tpu.memory_space<vmem_shared>> -> memref<10000x128xf32, #tpu.memory_space<vmem_shared>>
      tpu.wait_indirect_dma semaphore(%run_scoped3A : memref<!tpu.dma_semaphore, #tpu.memory_space<semaphore_mem>>) src(%arg10 : memref<80x128xf32, #tpu.memory_space<vmem>>) dst(%dma_wait3A_143 : memref<10000x128xf32, #tpu.memory_space<vmem_shared>>)
      tpu.yield
    }) : () -> ()
    %barrier3A_137 = arith.constant 0 : index
    tpu.barrier barrier_id(%barrier3A_137)
    "tpu.region"() ({
      %run_scoped3A = tpu.sem_alloc : memref<!tpu.dma_semaphore, #tpu.memory_space<semaphore_mem>>
      %dma_start3A_138 = arith.constant 0 : i32
      %dma_start3A_139 = tpu.memref_slice %arg5[%arg0, %multiple_of3A, %dma_start3A_138] : memref<2x10000x128xf32, #tpu.memory_space<hbm>> -> memref<1x640x128xf32, #tpu.memory_space<hbm>>
      %dma_start3A_140 = tpu.memref_squeeze %dma_start3A_139 : memref<1x640x128xf32, #tpu.memory_space<hbm>> -> memref<640x128xf32, #tpu.memory_space<hbm>>
      %dma_start3A_141 = arith.constant 0 : i32
      %dma_start3A_142 = tpu.memref_slice %arg12[%multiple_of3A, %dma_start3A_141] : memref<10000x128xf32, #tpu.memory_space<vmem_shared>> -> memref<640x128xf32, #tpu.memory_space<vmem_shared>>
      tpu.enqueue_dma source(%dma_start3A_142 : memref<640x128xf32, #tpu.memory_space<vmem_shared>>) target(%dma_start3A_140 : memref<640x128xf32, #tpu.memory_space<hbm>>) target_semaphore(%run_scoped3A : memref<!tpu.dma_semaphore, #tpu.memory_space<semaphore_mem>>)
      %dma_wait3A_143 = arith.constant 0 : i32
      %dma_wait3A_144 = tpu.memref_slice %arg5[%arg0, %multiple_of3A, %dma_wait3A_143] : memref<2x10000x128xf32, #tpu.memory_space<hbm>> -> memref<1x640x128xf32, #tpu.memory_space<hbm>>
      %dma_wait3A_145 = tpu.memref_squeeze %dma_wait3A_144 : memref<1x640x128xf32, #tpu.memory_space<hbm>> -> memref<640x128xf32, #tpu.memory_space<hbm>>
      %dma_wait3A_146 = arith.constant 0 : i32
      %dma_wait3A_147 = tpu.memref_slice %arg12[%multiple_of3A, %dma_wait3A_146] : memref<10000x128xf32, #tpu.memory_space<vmem_shared>> -> memref<640x128xf32, #tpu.memory_space<vmem_shared>>
      tpu.wait_dma2 semaphore(%run_scoped3A : memref<!tpu.dma_semaphore, #tpu.memory_space<semaphore_mem>>) src(%dma_wait3A_147 : memref<640x128xf32, #tpu.memory_space<vmem_shared>>) dst(%dma_wait3A_145 : memref<640x128xf32, #tpu.memory_space<hbm>>)
      tpu.yield
    }) : () -> ()
    return
  }
}

#map = affine_map<(d0, d1) -> (0, 0)>
#map1 = affine_map<(d0, d1) -> (0)>
#map2 = affine_map<(d0, d1) -> (0, 0, 0)>
module attributes {stable_mosaic.version = 14 : i64} {
  func.func @_sc_edge_agg(%arg0: i32, %arg1: i32, %arg2: memref<10000x128xf32, #tpu.memory_space<hbm>>, %arg3: memref<320000xi32, #tpu.memory_space<hbm>>, %arg4: memref<320000xi32, #tpu.memory_space<hbm>>, %arg5: memref<2x10000x128xf32, #tpu.memory_space<hbm>>, %arg6: memref<10000xi32, #tpu.memory_space<vmem>>, %arg7: memref<10000xi32, #tpu.memory_space<vmem>>, %arg8: memref<80xi32, #tpu.memory_space<vmem>>, %arg9: memref<80x128xf32, #tpu.memory_space<vmem>>, %arg10: memref<80x128xf32, #tpu.memory_space<vmem>>, %arg11: memref<80x128xf32, #tpu.memory_space<vmem>>, %arg12: memref<10000x128xf32, #tpu.memory_space<vmem_shared>>, %arg13: memref<!tpu.dma_semaphore, #tpu.memory_space<semaphore_mem>>, %arg14: memref<!tpu.dma_semaphore, #tpu.memory_space<semaphore_mem>>, %arg15: memref<!tpu.dma_semaphore, #tpu.memory_space<semaphore_mem>>, %arg16: memref<!tpu.dma_semaphore, #tpu.memory_space<semaphore_mem>>, %arg17: memref<!tpu.dma_semaphore, #tpu.memory_space<semaphore_mem>>, %arg18: memref<!tpu.dma_semaphore, #tpu.memory_space<semaphore_mem>>) attributes {dimension_semantics = [#tpu.dimension_semantics<core_parallel>, #tpu.dimension_semantics<subcore_parallel>], iteration_bounds = array<i64: 2, 16>, scalar_prefetch = 0 : i64, scratch_operands = 13 : i64, tpu.core_type = #tpu.core_type<sc_vector_subcore>, window_params = [{transform_indices = #map}, {transform_indices = #map1}, {transform_indices = #map1}, {transform_indices = #map2}]} {
    %mul3A = arith.constant 2 : i32
    %mul3A_0 = arith.muli %arg1, %mul3A : i32
    %add3A = arith.addi %mul3A_0, %arg0 : i32
    %mul3A_1 = arith.constant 624 : i32
    %mul3A_2 = arith.muli %arg1, %mul3A_1 : i32
    %multiple_of3A = tpu.assume_multiple %mul3A_2, 8 : i32
    %mul3A_3 = arith.constant 10000 : i32
    %mul3A_4 = arith.muli %add3A, %mul3A_3 : i32
    %multiple_of3A_5 = tpu.assume_multiple %mul3A_4, 8 : i32
    %dma_start3A = tpu.memref_slice %arg3[%multiple_of3A_5] : memref<320000xi32, #tpu.memory_space<hbm>> -> memref<10000xi32, #tpu.memory_space<hbm>>
    %dma_start3A_6 = tpu.memref_slice %arg3[%multiple_of3A_5] : memref<320000xi32, #tpu.memory_space<hbm>> -> memref<10000xi32, #tpu.memory_space<hbm>>
    tpu.enqueue_dma source(%dma_start3A_6 : memref<10000xi32, #tpu.memory_space<hbm>>) target(%arg6 : memref<10000xi32, #tpu.memory_space<vmem>>) target_semaphore(%arg16 : memref<!tpu.dma_semaphore, #tpu.memory_space<semaphore_mem>>)
    %dma_start3A_7 = tpu.memref_slice %arg4[%multiple_of3A_5] : memref<320000xi32, #tpu.memory_space<hbm>> -> memref<10000xi32, #tpu.memory_space<hbm>>
    %dma_start3A_8 = tpu.memref_slice %arg4[%multiple_of3A_5] : memref<320000xi32, #tpu.memory_space<hbm>> -> memref<10000xi32, #tpu.memory_space<hbm>>
    tpu.enqueue_dma source(%dma_start3A_8 : memref<10000xi32, #tpu.memory_space<hbm>>) target(%arg7 : memref<10000xi32, #tpu.memory_space<vmem>>) target_semaphore(%arg17 : memref<!tpu.dma_semaphore, #tpu.memory_space<semaphore_mem>>)
    %dma_start3A_9 = arith.constant 0 : i32
    %dma_start3A_10 = tpu.memref_slice %arg12[%multiple_of3A, %dma_start3A_9] : memref<10000x128xf32, #tpu.memory_space<vmem_shared>> -> memref<640x128xf32, #tpu.memory_space<vmem_shared>>
    %dma_start3A_11 = arith.constant 0 : i32
    %dma_start3A_12 = tpu.memref_slice %arg2[%multiple_of3A, %dma_start3A_11] : memref<10000x128xf32, #tpu.memory_space<hbm>> -> memref<640x128xf32, #tpu.memory_space<hbm>>
    tpu.enqueue_dma source(%dma_start3A_12 : memref<640x128xf32, #tpu.memory_space<hbm>>) target(%dma_start3A_10 : memref<640x128xf32, #tpu.memory_space<vmem_shared>>) target_semaphore(%arg18 : memref<!tpu.dma_semaphore, #tpu.memory_space<semaphore_mem>>)
    %dma_wait3A = tpu.memref_slice %arg3[%multiple_of3A_5] : memref<320000xi32, #tpu.memory_space<hbm>> -> memref<10000xi32, #tpu.memory_space<hbm>>
    %dma_wait3A_13 = tpu.memref_slice %arg3[%multiple_of3A_5] : memref<320000xi32, #tpu.memory_space<hbm>> -> memref<10000xi32, #tpu.memory_space<hbm>>
    tpu.wait_dma2 semaphore(%arg16 : memref<!tpu.dma_semaphore, #tpu.memory_space<semaphore_mem>>) src(%dma_wait3A_13 : memref<10000xi32, #tpu.memory_space<hbm>>) dst(%arg6 : memref<10000xi32, #tpu.memory_space<vmem>>)
    %dma_start3A_14 = arith.constant 0 : i32
    %dma_start3A_15 = tpu.memref_slice %arg6[%dma_start3A_14] : memref<10000xi32, #tpu.memory_space<vmem>> -> memref<80xi32, #tpu.memory_space<vmem>>
    %dma_start3A_16 = arith.constant 0 : i32
    %dma_start3A_17 = arith.constant 0 : i32
    %dma_start3A_18 = tpu.memref_slice %arg2[%dma_start3A_16, %dma_start3A_17] : memref<10000x128xf32, #tpu.memory_space<hbm>> -> memref<10000x128xf32, #tpu.memory_space<hbm>>
    tpu.enqueue_indirect_dma source(%dma_start3A_18 : memref<10000x128xf32, #tpu.memory_space<hbm>>) target(%arg9 : memref<80x128xf32, #tpu.memory_space<vmem>>) offsets(%dma_start3A_15 : memref<80xi32, #tpu.memory_space<vmem>>) semaphore(%arg13 : memref<!tpu.dma_semaphore, #tpu.memory_space<semaphore_mem>>)
    %dma_start3A_19 = arith.constant 80 : i32
    %dma_start3A_20 = tpu.memref_slice %arg6[%dma_start3A_19] : memref<10000xi32, #tpu.memory_space<vmem>> -> memref<80xi32, #tpu.memory_space<vmem>>
    %dma_start3A_21 = arith.constant 0 : i32
    %dma_start3A_22 = arith.constant 0 : i32
    %dma_start3A_23 = tpu.memref_slice %arg2[%dma_start3A_21, %dma_start3A_22] : memref<10000x128xf32, #tpu.memory_space<hbm>> -> memref<10000x128xf32, #tpu.memory_space<hbm>>
    tpu.enqueue_indirect_dma source(%dma_start3A_23 : memref<10000x128xf32, #tpu.memory_space<hbm>>) target(%arg10 : memref<80x128xf32, #tpu.memory_space<vmem>>) offsets(%dma_start3A_20 : memref<80xi32, #tpu.memory_space<vmem>>) semaphore(%arg14 : memref<!tpu.dma_semaphore, #tpu.memory_space<semaphore_mem>>)
    %dma_wait3A_24 = tpu.memref_slice %arg4[%multiple_of3A_5] : memref<320000xi32, #tpu.memory_space<hbm>> -> memref<10000xi32, #tpu.memory_space<hbm>>
    %dma_wait3A_25 = tpu.memref_slice %arg4[%multiple_of3A_5] : memref<320000xi32, #tpu.memory_space<hbm>> -> memref<10000xi32, #tpu.memory_space<hbm>>
    tpu.wait_dma2 semaphore(%arg17 : memref<!tpu.dma_semaphore, #tpu.memory_space<semaphore_mem>>) src(%dma_wait3A_25 : memref<10000xi32, #tpu.memory_space<hbm>>) dst(%arg7 : memref<10000xi32, #tpu.memory_space<vmem>>)
    %dma_wait3A_26 = arith.constant 0 : i32
    %dma_wait3A_27 = tpu.memref_slice %arg12[%multiple_of3A, %dma_wait3A_26] : memref<10000x128xf32, #tpu.memory_space<vmem_shared>> -> memref<640x128xf32, #tpu.memory_space<vmem_shared>>
    %dma_wait3A_28 = arith.constant 0 : i32
    %dma_wait3A_29 = tpu.memref_slice %arg2[%multiple_of3A, %dma_wait3A_28] : memref<10000x128xf32, #tpu.memory_space<hbm>> -> memref<640x128xf32, #tpu.memory_space<hbm>>
    tpu.wait_dma2 semaphore(%arg18 : memref<!tpu.dma_semaphore, #tpu.memory_space<semaphore_mem>>) src(%dma_wait3A_29 : memref<640x128xf32, #tpu.memory_space<hbm>>) dst(%dma_wait3A_27 : memref<640x128xf32, #tpu.memory_space<vmem_shared>>)
    %barrier3A = arith.constant 0 : index
    tpu.barrier barrier_id(%barrier3A)
    %scan3A = arith.constant 0 : i32
    %scan3A_30 = arith.constant 0 : i32
    %scan3A_31 = arith.constant 41 : i32
    %scan3A_32 = arith.addi %scan3A_30, %scan3A_31 : i32
    %scan3A_33 = arith.constant 1 : i32
    scf.for %scan3A_138 = %scan3A_30 to %scan3A_32 step %scan3A_33  : i32 {
      %mul3A_139 = arith.constant 3 : i32
      %mul3A_140 = arith.muli %mul3A_139, %scan3A_138 : i32
      %add3A_141 = arith.constant 2 : i32
      %add3A_142 = arith.addi %mul3A_140, %add3A_141 : i32
      %mul3A_143 = arith.constant 80 : i32
      %mul3A_144 = arith.muli %add3A_142, %mul3A_143 : i32
      %dma_start3A_145 = tpu.memref_slice %arg6[%mul3A_144] : memref<10000xi32, #tpu.memory_space<vmem>> -> memref<80xi32, #tpu.memory_space<vmem>>
      %dma_start3A_146 = arith.constant 0 : i32
      %dma_start3A_147 = arith.constant 0 : i32
      %dma_start3A_148 = tpu.memref_slice %arg2[%dma_start3A_146, %dma_start3A_147] : memref<10000x128xf32, #tpu.memory_space<hbm>> -> memref<10000x128xf32, #tpu.memory_space<hbm>>
      tpu.enqueue_indirect_dma source(%dma_start3A_148 : memref<10000x128xf32, #tpu.memory_space<hbm>>) target(%arg11 : memref<80x128xf32, #tpu.memory_space<vmem>>) offsets(%dma_start3A_145 : memref<80xi32, #tpu.memory_space<vmem>>) semaphore(%arg15 : memref<!tpu.dma_semaphore, #tpu.memory_space<semaphore_mem>>)
      %mul3A_149 = arith.constant 80 : i32
      %mul3A_150 = arith.muli %mul3A_140, %mul3A_149 : i32
      %multiple_of3A_151 = tpu.assume_multiple %mul3A_150, 16 : i32
      %add3A_152 = arith.constant 0 : i32
      %add3A_153 = arith.addi %multiple_of3A_151, %add3A_152 : i32
      %get3A_154 = arith.index_cast %add3A_153 : i32 to index
      %get3A_155 = tpu.vector_load %arg7[%get3A_154] {strides = array<i32>} : memref<10000xi32, #tpu.memory_space<vmem>>, vector<16xi32>,
      %get3A_156 = vector.shape_cast %get3A_155 : vector<16xi32> to vector<16xi32>
      %swap3A_157 = arith.constant 0 : index
      %swap3A_158 = tpu.vector_load %arg8[%swap3A_157] {strides = array<i32>} : memref<80xi32, #tpu.memory_space<vmem>>, vector<16xi32>,
      %swap3A_159 = vector.shape_cast %swap3A_158 : vector<16xi32> to vector<16xi32>
      %swap3A_160 = vector.shape_cast %get3A_156 : vector<16xi32> to vector<16xi32>
      tpu.vector_store %arg8[%swap3A_157], %swap3A_160 {strides = array<i32>} : memref<80xi32, #tpu.memory_space<vmem>>, vector<16xi32>,
      %add3A_161 = arith.constant 16 : i32
      %add3A_162 = arith.addi %multiple_of3A_151, %add3A_161 : i32
      %get3A_163 = arith.index_cast %add3A_162 : i32 to index
      %get3A_164 = tpu.vector_load %arg7[%get3A_163] {strides = array<i32>} : memref<10000xi32, #tpu.memory_space<vmem>>, vector<16xi32>,
      %get3A_165 = vector.shape_cast %get3A_164 : vector<16xi32> to vector<16xi32>
      %swap3A_166 = arith.constant 16 : index
      %swap3A_167 = tpu.vector_load %arg8[%swap3A_166] {strides = array<i32>} : memref<80xi32, #tpu.memory_space<vmem>>, vector<16xi32>,
      %swap3A_168 = vector.shape_cast %swap3A_167 : vector<16xi32> to vector<16xi32>
      %swap3A_169 = vector.shape_cast %get3A_165 : vector<16xi32> to vector<16xi32>
      tpu.vector_store %arg8[%swap3A_166], %swap3A_169 {strides = array<i32>} : memref<80xi32, #tpu.memory_space<vmem>>, vector<16xi32>,
      %add3A_170 = arith.constant 32 : i32
      %add3A_171 = arith.addi %multiple_of3A_151, %add3A_170 : i32
      %get3A_172 = arith.index_cast %add3A_171 : i32 to index
      %get3A_173 = tpu.vector_load %arg7[%get3A_172] {strides = array<i32>} : memref<10000xi32, #tpu.memory_space<vmem>>, vector<16xi32>,
      %get3A_174 = vector.shape_cast %get3A_173 : vector<16xi32> to vector<16xi32>
      %swap3A_175 = arith.constant 32 : index
      %swap3A_176 = tpu.vector_load %arg8[%swap3A_175] {strides = array<i32>} : memref<80xi32, #tpu.memory_space<vmem>>, vector<16xi32>,
      %swap3A_177 = vector.shape_cast %swap3A_176 : vector<16xi32> to vector<16xi32>
      %swap3A_178 = vector.shape_cast %get3A_174 : vector<16xi32> to vector<16xi32>
      tpu.vector_store %arg8[%swap3A_175], %swap3A_178 {strides = array<i32>} : memref<80xi32, #tpu.memory_space<vmem>>, vector<16xi32>,
      %add3A_179 = arith.constant 48 : i32
      %add3A_180 = arith.addi %multiple_of3A_151, %add3A_179 : i32
      %get3A_181 = arith.index_cast %add3A_180 : i32 to index
      %get3A_182 = tpu.vector_load %arg7[%get3A_181] {strides = array<i32>} : memref<10000xi32, #tpu.memory_space<vmem>>, vector<16xi32>,
      %get3A_183 = vector.shape_cast %get3A_182 : vector<16xi32> to vector<16xi32>
      %swap3A_184 = arith.constant 48 : index
      %swap3A_185 = tpu.vector_load %arg8[%swap3A_184] {strides = array<i32>} : memref<80xi32, #tpu.memory_space<vmem>>, vector<16xi32>,
      %swap3A_186 = vector.shape_cast %swap3A_185 : vector<16xi32> to vector<16xi32>
      %swap3A_187 = vector.shape_cast %get3A_183 : vector<16xi32> to vector<16xi32>
      tpu.vector_store %arg8[%swap3A_184], %swap3A_187 {strides = array<i32>} : memref<80xi32, #tpu.memory_space<vmem>>, vector<16xi32>,
      %add3A_188 = arith.constant 64 : i32
      %add3A_189 = arith.addi %multiple_of3A_151, %add3A_188 : i32
      %get3A_190 = arith.index_cast %add3A_189 : i32 to index
      %get3A_191 = tpu.vector_load %arg7[%get3A_190] {strides = array<i32>} : memref<10000xi32, #tpu.memory_space<vmem>>, vector<16xi32>,
      %get3A_192 = vector.shape_cast %get3A_191 : vector<16xi32> to vector<16xi32>
      %swap3A_193 = arith.constant 64 : index
      %swap3A_194 = tpu.vector_load %arg8[%swap3A_193] {strides = array<i32>} : memref<80xi32, #tpu.memory_space<vmem>>, vector<16xi32>,
      %swap3A_195 = vector.shape_cast %swap3A_194 : vector<16xi32> to vector<16xi32>
      %swap3A_196 = vector.shape_cast %get3A_192 : vector<16xi32> to vector<16xi32>
      tpu.vector_store %arg8[%swap3A_193], %swap3A_196 {strides = array<i32>} : memref<80xi32, #tpu.memory_space<vmem>>, vector<16xi32>,
      %mul3A_197 = arith.constant 80 : i32
      %mul3A_198 = arith.muli %mul3A_140, %mul3A_197 : i32
      %dma_wait3A_199 = tpu.memref_slice %arg6[%mul3A_198] : memref<10000xi32, #tpu.memory_space<vmem>> -> memref<80xi32, #tpu.memory_space<vmem>>
      %dma_wait3A_200 = arith.constant 0 : i32
      %dma_wait3A_201 = arith.constant 0 : i32
      %dma_wait3A_202 = tpu.memref_slice %arg2[%dma_wait3A_200, %dma_wait3A_201] : memref<10000x128xf32, #tpu.memory_space<hbm>> -> memref<10000x128xf32, #tpu.memory_space<hbm>>
      tpu.wait_indirect_dma semaphore(%arg13 : memref<!tpu.dma_semaphore, #tpu.memory_space<semaphore_mem>>) src(%dma_wait3A_202 : memref<10000x128xf32, #tpu.memory_space<hbm>>) dst(%arg9 : memref<80x128xf32, #tpu.memory_space<vmem>>)
      "tpu.region"() ({
        %run_scoped3A = tpu.sem_alloc : memref<!tpu.dma_semaphore, #tpu.memory_space<semaphore_mem>>
        %dma_start3A_331 = arith.constant 0 : i32
        %dma_start3A_332 = arith.constant 0 : i32
        %dma_start3A_333 = tpu.memref_slice %arg12[%dma_start3A_331, %dma_start3A_332] : memref<10000x128xf32, #tpu.memory_space<vmem_shared>> -> memref<10000x128xf32, #tpu.memory_space<vmem_shared>>
        tpu.enqueue_indirect_dma source(%arg9 : memref<80x128xf32, #tpu.memory_space<vmem>>) target(%dma_start3A_333 : memref<10000x128xf32, #tpu.memory_space<vmem_shared>>) offsets(%arg8 : memref<80xi32, #tpu.memory_space<vmem>>) semaphore(%run_scoped3A : memref<!tpu.dma_semaphore, #tpu.memory_space<semaphore_mem>>) {add = true}
        %dma_wait3A_334 = arith.constant 0 : i32
        %dma_wait3A_335 = arith.constant 0 : i32
        %dma_wait3A_336 = tpu.memref_slice %arg12[%dma_wait3A_334, %dma_wait3A_335] : memref<10000x128xf32, #tpu.memory_space<vmem_shared>> -> memref<10000x128xf32, #tpu.memory_space<vmem_shared>>
        tpu.wait_indirect_dma semaphore(%run_scoped3A : memref<!tpu.dma_semaphore, #tpu.memory_space<semaphore_mem>>) src(%arg9 : memref<80x128xf32, #tpu.memory_space<vmem>>) dst(%dma_wait3A_336 : memref<10000x128xf32, #tpu.memory_space<vmem_shared>>)
        tpu.yield
      }) : () -> ()
      %add3A_203 = arith.constant 1 : i32
      %add3A_204 = arith.addi %mul3A_140, %add3A_203 : i32
      %add3A_205 = arith.constant 3 : i32
      %add3A_206 = arith.addi %mul3A_140, %add3A_205 : i32
      %mul3A_207 = arith.constant 80 : i32
      %mul3A_208 = arith.muli %add3A_206, %mul3A_207 : i32
      %dma_start3A_209 = tpu.memref_slice %arg6[%mul3A_208] : memref<10000xi32, #tpu.memory_space<vmem>> -> memref<80xi32, #tpu.memory_space<vmem>>
      %dma_start3A_210 = arith.constant 0 : i32
      %dma_start3A_211 = arith.constant 0 : i32
      %dma_start3A_212 = tpu.memref_slice %arg2[%dma_start3A_210, %dma_start3A_211] : memref<10000x128xf32, #tpu.memory_space<hbm>> -> memref<10000x128xf32, #tpu.memory_space<hbm>>
      tpu.enqueue_indirect_dma source(%dma_start3A_212 : memref<10000x128xf32, #tpu.memory_space<hbm>>) target(%arg9 : memref<80x128xf32, #tpu.memory_space<vmem>>) offsets(%dma_start3A_209 : memref<80xi32, #tpu.memory_space<vmem>>) semaphore(%arg13 : memref<!tpu.dma_semaphore, #tpu.memory_space<semaphore_mem>>)
      %mul3A_213 = arith.constant 80 : i32
      %mul3A_214 = arith.muli %add3A_204, %mul3A_213 : i32
      %multiple_of3A_215 = tpu.assume_multiple %mul3A_214, 16 : i32
      %add3A_216 = arith.constant 0 : i32
      %add3A_217 = arith.addi %multiple_of3A_215, %add3A_216 : i32
      %get3A_218 = arith.index_cast %add3A_217 : i32 to index
      %get3A_219 = tpu.vector_load %arg7[%get3A_218] {strides = array<i32>} : memref<10000xi32, #tpu.memory_space<vmem>>, vector<16xi32>,
      %get3A_220 = vector.shape_cast %get3A_219 : vector<16xi32> to vector<16xi32>
      %swap3A_221 = arith.constant 0 : index
      %swap3A_222 = tpu.vector_load %arg8[%swap3A_221] {strides = array<i32>} : memref<80xi32, #tpu.memory_space<vmem>>, vector<16xi32>,
      %swap3A_223 = vector.shape_cast %swap3A_222 : vector<16xi32> to vector<16xi32>
      %swap3A_224 = vector.shape_cast %get3A_220 : vector<16xi32> to vector<16xi32>
      tpu.vector_store %arg8[%swap3A_221], %swap3A_224 {strides = array<i32>} : memref<80xi32, #tpu.memory_space<vmem>>, vector<16xi32>,
      %add3A_225 = arith.constant 16 : i32
      %add3A_226 = arith.addi %multiple_of3A_215, %add3A_225 : i32
      %get3A_227 = arith.index_cast %add3A_226 : i32 to index
      %get3A_228 = tpu.vector_load %arg7[%get3A_227] {strides = array<i32>} : memref<10000xi32, #tpu.memory_space<vmem>>, vector<16xi32>,
      %get3A_229 = vector.shape_cast %get3A_228 : vector<16xi32> to vector<16xi32>
      %swap3A_230 = arith.constant 16 : index
      %swap3A_231 = tpu.vector_load %arg8[%swap3A_230] {strides = array<i32>} : memref<80xi32, #tpu.memory_space<vmem>>, vector<16xi32>,
      %swap3A_232 = vector.shape_cast %swap3A_231 : vector<16xi32> to vector<16xi32>
      %swap3A_233 = vector.shape_cast %get3A_229 : vector<16xi32> to vector<16xi32>
      tpu.vector_store %arg8[%swap3A_230], %swap3A_233 {strides = array<i32>} : memref<80xi32, #tpu.memory_space<vmem>>, vector<16xi32>,
      %add3A_234 = arith.constant 32 : i32
      %add3A_235 = arith.addi %multiple_of3A_215, %add3A_234 : i32
      %get3A_236 = arith.index_cast %add3A_235 : i32 to index
      %get3A_237 = tpu.vector_load %arg7[%get3A_236] {strides = array<i32>} : memref<10000xi32, #tpu.memory_space<vmem>>, vector<16xi32>,
      %get3A_238 = vector.shape_cast %get3A_237 : vector<16xi32> to vector<16xi32>
      %swap3A_239 = arith.constant 32 : index
      %swap3A_240 = tpu.vector_load %arg8[%swap3A_239] {strides = array<i32>} : memref<80xi32, #tpu.memory_space<vmem>>, vector<16xi32>,
      %swap3A_241 = vector.shape_cast %swap3A_240 : vector<16xi32> to vector<16xi32>
      %swap3A_242 = vector.shape_cast %get3A_238 : vector<16xi32> to vector<16xi32>
      tpu.vector_store %arg8[%swap3A_239], %swap3A_242 {strides = array<i32>} : memref<80xi32, #tpu.memory_space<vmem>>, vector<16xi32>,
      %add3A_243 = arith.constant 48 : i32
      %add3A_244 = arith.addi %multiple_of3A_215, %add3A_243 : i32
      %get3A_245 = arith.index_cast %add3A_244 : i32 to index
      %get3A_246 = tpu.vector_load %arg7[%get3A_245] {strides = array<i32>} : memref<10000xi32, #tpu.memory_space<vmem>>, vector<16xi32>,
      %get3A_247 = vector.shape_cast %get3A_246 : vector<16xi32> to vector<16xi32>
      %swap3A_248 = arith.constant 48 : index
      %swap3A_249 = tpu.vector_load %arg8[%swap3A_248] {strides = array<i32>} : memref<80xi32, #tpu.memory_space<vmem>>, vector<16xi32>,
      %swap3A_250 = vector.shape_cast %swap3A_249 : vector<16xi32> to vector<16xi32>
      %swap3A_251 = vector.shape_cast %get3A_247 : vector<16xi32> to vector<16xi32>
      tpu.vector_store %arg8[%swap3A_248], %swap3A_251 {strides = array<i32>} : memref<80xi32, #tpu.memory_space<vmem>>, vector<16xi32>,
      %add3A_252 = arith.constant 64 : i32
      %add3A_253 = arith.addi %multiple_of3A_215, %add3A_252 : i32
      %get3A_254 = arith.index_cast %add3A_253 : i32 to index
      %get3A_255 = tpu.vector_load %arg7[%get3A_254] {strides = array<i32>} : memref<10000xi32, #tpu.memory_space<vmem>>, vector<16xi32>,
      %get3A_256 = vector.shape_cast %get3A_255 : vector<16xi32> to vector<16xi32>
      %swap3A_257 = arith.constant 64 : index
      %swap3A_258 = tpu.vector_load %arg8[%swap3A_257] {strides = array<i32>} : memref<80xi32, #tpu.memory_space<vmem>>, vector<16xi32>,
      %swap3A_259 = vector.shape_cast %swap3A_258 : vector<16xi32> to vector<16xi32>
      %swap3A_260 = vector.shape_cast %get3A_256 : vector<16xi32> to vector<16xi32>
      tpu.vector_store %arg8[%swap3A_257], %swap3A_260 {strides = array<i32>} : memref<80xi32, #tpu.memory_space<vmem>>, vector<16xi32>,
      %mul3A_261 = arith.constant 80 : i32
      %mul3A_262 = arith.muli %add3A_204, %mul3A_261 : i32
      %dma_wait3A_263 = tpu.memref_slice %arg6[%mul3A_262] : memref<10000xi32, #tpu.memory_space<vmem>> -> memref<80xi32, #tpu.memory_space<vmem>>
      %dma_wait3A_264 = arith.constant 0 : i32
      %dma_wait3A_265 = arith.constant 0 : i32
      %dma_wait3A_266 = tpu.memref_slice %arg2[%dma_wait3A_264, %dma_wait3A_265] : memref<10000x128xf32, #tpu.memory_space<hbm>> -> memref<10000x128xf32, #tpu.memory_space<hbm>>
      tpu.wait_indirect_dma semaphore(%arg14 : memref<!tpu.dma_semaphore, #tpu.memory_space<semaphore_mem>>) src(%dma_wait3A_266 : memref<10000x128xf32, #tpu.memory_space<hbm>>) dst(%arg10 : memref<80x128xf32, #tpu.memory_space<vmem>>)
      "tpu.region"() ({
        %run_scoped3A = tpu.sem_alloc : memref<!tpu.dma_semaphore, #tpu.memory_space<semaphore_mem>>
        %dma_start3A_331 = arith.constant 0 : i32
        %dma_start3A_332 = arith.constant 0 : i32
        %dma_start3A_333 = tpu.memref_slice %arg12[%dma_start3A_331, %dma_start3A_332] : memref<10000x128xf32, #tpu.memory_space<vmem_shared>> -> memref<10000x128xf32, #tpu.memory_space<vmem_shared>>
        tpu.enqueue_indirect_dma source(%arg10 : memref<80x128xf32, #tpu.memory_space<vmem>>) target(%dma_start3A_333 : memref<10000x128xf32, #tpu.memory_space<vmem_shared>>) offsets(%arg8 : memref<80xi32, #tpu.memory_space<vmem>>) semaphore(%run_scoped3A : memref<!tpu.dma_semaphore, #tpu.memory_space<semaphore_mem>>) {add = true}
        %dma_wait3A_334 = arith.constant 0 : i32
        %dma_wait3A_335 = arith.constant 0 : i32
        %dma_wait3A_336 = tpu.memref_slice %arg12[%dma_wait3A_334, %dma_wait3A_335] : memref<10000x128xf32, #tpu.memory_space<vmem_shared>> -> memref<10000x128xf32, #tpu.memory_space<vmem_shared>>
        tpu.wait_indirect_dma semaphore(%run_scoped3A : memref<!tpu.dma_semaphore, #tpu.memory_space<semaphore_mem>>) src(%arg10 : memref<80x128xf32, #tpu.memory_space<vmem>>) dst(%dma_wait3A_336 : memref<10000x128xf32, #tpu.memory_space<vmem_shared>>)
        tpu.yield
      }) : () -> ()
      %add3A_267 = arith.constant 2 : i32
      %add3A_268 = arith.addi %mul3A_140, %add3A_267 : i32
      %add3A_269 = arith.constant 4 : i32
      %add3A_270 = arith.addi %mul3A_140, %add3A_269 : i32
      %mul3A_271 = arith.constant 80 : i32
      %mul3A_272 = arith.muli %add3A_270, %mul3A_271 : i32
      %dma_start3A_273 = tpu.memref_slice %arg6[%mul3A_272] : memref<10000xi32, #tpu.memory_space<vmem>> -> memref<80xi32, #tpu.memory_space<vmem>>
      %dma_start3A_274 = arith.constant 0 : i32
      %dma_start3A_275 = arith.constant 0 : i32
      %dma_start3A_276 = tpu.memref_slice %arg2[%dma_start3A_274, %dma_start3A_275] : memref<10000x128xf32, #tpu.memory_space<hbm>> -> memref<10000x128xf32, #tpu.memory_space<hbm>>
      tpu.enqueue_indirect_dma source(%dma_start3A_276 : memref<10000x128xf32, #tpu.memory_space<hbm>>) target(%arg10 : memref<80x128xf32, #tpu.memory_space<vmem>>) offsets(%dma_start3A_273 : memref<80xi32, #tpu.memory_space<vmem>>) semaphore(%arg14 : memref<!tpu.dma_semaphore, #tpu.memory_space<semaphore_mem>>)
      %mul3A_277 = arith.constant 80 : i32
      %mul3A_278 = arith.muli %add3A_268, %mul3A_277 : i32
      %multiple_of3A_279 = tpu.assume_multiple %mul3A_278, 16 : i32
      %add3A_280 = arith.constant 0 : i32
      %add3A_281 = arith.addi %multiple_of3A_279, %add3A_280 : i32
      %get3A_282 = arith.index_cast %add3A_281 : i32 to index
      %get3A_283 = tpu.vector_load %arg7[%get3A_282] {strides = array<i32>} : memref<10000xi32, #tpu.memory_space<vmem>>, vector<16xi32>,
      %get3A_284 = vector.shape_cast %get3A_283 : vector<16xi32> to vector<16xi32>
      %swap3A_285 = arith.constant 0 : index
      %swap3A_286 = tpu.vector_load %arg8[%swap3A_285] {strides = array<i32>} : memref<80xi32, #tpu.memory_space<vmem>>, vector<16xi32>,
      %swap3A_287 = vector.shape_cast %swap3A_286 : vector<16xi32> to vector<16xi32>
      %swap3A_288 = vector.shape_cast %get3A_284 : vector<16xi32> to vector<16xi32>
      tpu.vector_store %arg8[%swap3A_285], %swap3A_288 {strides = array<i32>} : memref<80xi32, #tpu.memory_space<vmem>>, vector<16xi32>,
      %add3A_289 = arith.constant 16 : i32
      %add3A_290 = arith.addi %multiple_of3A_279, %add3A_289 : i32
      %get3A_291 = arith.index_cast %add3A_290 : i32 to index
      %get3A_292 = tpu.vector_load %arg7[%get3A_291] {strides = array<i32>} : memref<10000xi32, #tpu.memory_space<vmem>>, vector<16xi32>,
      %get3A_293 = vector.shape_cast %get3A_292 : vector<16xi32> to vector<16xi32>
      %swap3A_294 = arith.constant 16 : index
      %swap3A_295 = tpu.vector_load %arg8[%swap3A_294] {strides = array<i32>} : memref<80xi32, #tpu.memory_space<vmem>>, vector<16xi32>,
      %swap3A_296 = vector.shape_cast %swap3A_295 : vector<16xi32> to vector<16xi32>
      %swap3A_297 = vector.shape_cast %get3A_293 : vector<16xi32> to vector<16xi32>
      tpu.vector_store %arg8[%swap3A_294], %swap3A_297 {strides = array<i32>} : memref<80xi32, #tpu.memory_space<vmem>>, vector<16xi32>,
      %add3A_298 = arith.constant 32 : i32
      %add3A_299 = arith.addi %multiple_of3A_279, %add3A_298 : i32
      %get3A_300 = arith.index_cast %add3A_299 : i32 to index
      %get3A_301 = tpu.vector_load %arg7[%get3A_300] {strides = array<i32>} : memref<10000xi32, #tpu.memory_space<vmem>>, vector<16xi32>,
      %get3A_302 = vector.shape_cast %get3A_301 : vector<16xi32> to vector<16xi32>
      %swap3A_303 = arith.constant 32 : index
      %swap3A_304 = tpu.vector_load %arg8[%swap3A_303] {strides = array<i32>} : memref<80xi32, #tpu.memory_space<vmem>>, vector<16xi32>,
      %swap3A_305 = vector.shape_cast %swap3A_304 : vector<16xi32> to vector<16xi32>
      %swap3A_306 = vector.shape_cast %get3A_302 : vector<16xi32> to vector<16xi32>
      tpu.vector_store %arg8[%swap3A_303], %swap3A_306 {strides = array<i32>} : memref<80xi32, #tpu.memory_space<vmem>>, vector<16xi32>,
      %add3A_307 = arith.constant 48 : i32
      %add3A_308 = arith.addi %multiple_of3A_279, %add3A_307 : i32
      %get3A_309 = arith.index_cast %add3A_308 : i32 to index
      %get3A_310 = tpu.vector_load %arg7[%get3A_309] {strides = array<i32>} : memref<10000xi32, #tpu.memory_space<vmem>>, vector<16xi32>,
      %get3A_311 = vector.shape_cast %get3A_310 : vector<16xi32> to vector<16xi32>
      %swap3A_312 = arith.constant 48 : index
      %swap3A_313 = tpu.vector_load %arg8[%swap3A_312] {strides = array<i32>} : memref<80xi32, #tpu.memory_space<vmem>>, vector<16xi32>,
      %swap3A_314 = vector.shape_cast %swap3A_313 : vector<16xi32> to vector<16xi32>
      %swap3A_315 = vector.shape_cast %get3A_311 : vector<16xi32> to vector<16xi32>
      tpu.vector_store %arg8[%swap3A_312], %swap3A_315 {strides = array<i32>} : memref<80xi32, #tpu.memory_space<vmem>>, vector<16xi32>,
      %add3A_316 = arith.constant 64 : i32
      %add3A_317 = arith.addi %multiple_of3A_279, %add3A_316 : i32
      %get3A_318 = arith.index_cast %add3A_317 : i32 to index
      %get3A_319 = tpu.vector_load %arg7[%get3A_318] {strides = array<i32>} : memref<10000xi32, #tpu.memory_space<vmem>>, vector<16xi32>,
      %get3A_320 = vector.shape_cast %get3A_319 : vector<16xi32> to vector<16xi32>
      %swap3A_321 = arith.constant 64 : index
      %swap3A_322 = tpu.vector_load %arg8[%swap3A_321] {strides = array<i32>} : memref<80xi32, #tpu.memory_space<vmem>>, vector<16xi32>,
      %swap3A_323 = vector.shape_cast %swap3A_322 : vector<16xi32> to vector<16xi32>
      %swap3A_324 = vector.shape_cast %get3A_320 : vector<16xi32> to vector<16xi32>
      tpu.vector_store %arg8[%swap3A_321], %swap3A_324 {strides = array<i32>} : memref<80xi32, #tpu.memory_space<vmem>>, vector<16xi32>,
      %mul3A_325 = arith.constant 80 : i32
      %mul3A_326 = arith.muli %add3A_268, %mul3A_325 : i32
      %dma_wait3A_327 = tpu.memref_slice %arg6[%mul3A_326] : memref<10000xi32, #tpu.memory_space<vmem>> -> memref<80xi32, #tpu.memory_space<vmem>>
      %dma_wait3A_328 = arith.constant 0 : i32
      %dma_wait3A_329 = arith.constant 0 : i32
      %dma_wait3A_330 = tpu.memref_slice %arg2[%dma_wait3A_328, %dma_wait3A_329] : memref<10000x128xf32, #tpu.memory_space<hbm>> -> memref<10000x128xf32, #tpu.memory_space<hbm>>
      tpu.wait_indirect_dma semaphore(%arg15 : memref<!tpu.dma_semaphore, #tpu.memory_space<semaphore_mem>>) src(%dma_wait3A_330 : memref<10000x128xf32, #tpu.memory_space<hbm>>) dst(%arg11 : memref<80x128xf32, #tpu.memory_space<vmem>>)
      "tpu.region"() ({
        %run_scoped3A = tpu.sem_alloc : memref<!tpu.dma_semaphore, #tpu.memory_space<semaphore_mem>>
        %dma_start3A_331 = arith.constant 0 : i32
        %dma_start3A_332 = arith.constant 0 : i32
        %dma_start3A_333 = tpu.memref_slice %arg12[%dma_start3A_331, %dma_start3A_332] : memref<10000x128xf32, #tpu.memory_space<vmem_shared>> -> memref<10000x128xf32, #tpu.memory_space<vmem_shared>>
        tpu.enqueue_indirect_dma source(%arg11 : memref<80x128xf32, #tpu.memory_space<vmem>>) target(%dma_start3A_333 : memref<10000x128xf32, #tpu.memory_space<vmem_shared>>) offsets(%arg8 : memref<80xi32, #tpu.memory_space<vmem>>) semaphore(%run_scoped3A : memref<!tpu.dma_semaphore, #tpu.memory_space<semaphore_mem>>) {add = true}
        %dma_wait3A_334 = arith.constant 0 : i32
        %dma_wait3A_335 = arith.constant 0 : i32
        %dma_wait3A_336 = tpu.memref_slice %arg12[%dma_wait3A_334, %dma_wait3A_335] : memref<10000x128xf32, #tpu.memory_space<vmem_shared>> -> memref<10000x128xf32, #tpu.memory_space<vmem_shared>>
        tpu.wait_indirect_dma semaphore(%run_scoped3A : memref<!tpu.dma_semaphore, #tpu.memory_space<semaphore_mem>>) src(%arg11 : memref<80x128xf32, #tpu.memory_space<vmem>>) dst(%dma_wait3A_336 : memref<10000x128xf32, #tpu.memory_space<vmem_shared>>)
        tpu.yield
      }) : () -> ()
    }
    %scan3A_34 = arith.constant 41 : i32
    %multiple_of3A_35 = arith.constant 9840 : i32
    %multiple_of3A_36 = tpu.assume_multiple %multiple_of3A_35, 16 : i32
    %add3A_37 = arith.constant 0 : i32
    %add3A_38 = arith.addi %multiple_of3A_36, %add3A_37 : i32
    %get3A = arith.index_cast %add3A_38 : i32 to index
    %get3A_39 = tpu.vector_load %arg7[%get3A] {strides = array<i32>} : memref<10000xi32, #tpu.memory_space<vmem>>, vector<16xi32>,
    %get3A_40 = vector.shape_cast %get3A_39 : vector<16xi32> to vector<16xi32>
    %swap3A = arith.constant 0 : index
    %swap3A_41 = tpu.vector_load %arg8[%swap3A] {strides = array<i32>} : memref<80xi32, #tpu.memory_space<vmem>>, vector<16xi32>,
    %swap3A_42 = vector.shape_cast %swap3A_41 : vector<16xi32> to vector<16xi32>
    %swap3A_43 = vector.shape_cast %get3A_40 : vector<16xi32> to vector<16xi32>
    tpu.vector_store %arg8[%swap3A], %swap3A_43 {strides = array<i32>} : memref<80xi32, #tpu.memory_space<vmem>>, vector<16xi32>,
    %add3A_44 = arith.constant 16 : i32
    %add3A_45 = arith.addi %multiple_of3A_36, %add3A_44 : i32
    %get3A_46 = arith.index_cast %add3A_45 : i32 to index
    %get3A_47 = tpu.vector_load %arg7[%get3A_46] {strides = array<i32>} : memref<10000xi32, #tpu.memory_space<vmem>>, vector<16xi32>,
    %get3A_48 = vector.shape_cast %get3A_47 : vector<16xi32> to vector<16xi32>
    %swap3A_49 = arith.constant 16 : index
    %swap3A_50 = tpu.vector_load %arg8[%swap3A_49] {strides = array<i32>} : memref<80xi32, #tpu.memory_space<vmem>>, vector<16xi32>,
    %swap3A_51 = vector.shape_cast %swap3A_50 : vector<16xi32> to vector<16xi32>
    %swap3A_52 = vector.shape_cast %get3A_48 : vector<16xi32> to vector<16xi32>
    tpu.vector_store %arg8[%swap3A_49], %swap3A_52 {strides = array<i32>} : memref<80xi32, #tpu.memory_space<vmem>>, vector<16xi32>,
    %add3A_53 = arith.constant 32 : i32
    %add3A_54 = arith.addi %multiple_of3A_36, %add3A_53 : i32
    %get3A_55 = arith.index_cast %add3A_54 : i32 to index
    %get3A_56 = tpu.vector_load %arg7[%get3A_55] {strides = array<i32>} : memref<10000xi32, #tpu.memory_space<vmem>>, vector<16xi32>,
    %get3A_57 = vector.shape_cast %get3A_56 : vector<16xi32> to vector<16xi32>
    %swap3A_58 = arith.constant 32 : index
    %swap3A_59 = tpu.vector_load %arg8[%swap3A_58] {strides = array<i32>} : memref<80xi32, #tpu.memory_space<vmem>>, vector<16xi32>,
    %swap3A_60 = vector.shape_cast %swap3A_59 : vector<16xi32> to vector<16xi32>
    %swap3A_61 = vector.shape_cast %get3A_57 : vector<16xi32> to vector<16xi32>
    tpu.vector_store %arg8[%swap3A_58], %swap3A_61 {strides = array<i32>} : memref<80xi32, #tpu.memory_space<vmem>>, vector<16xi32>,
    %add3A_62 = arith.constant 48 : i32
    %add3A_63 = arith.addi %multiple_of3A_36, %add3A_62 : i32
    %get3A_64 = arith.index_cast %add3A_63 : i32 to index
    %get3A_65 = tpu.vector_load %arg7[%get3A_64] {strides = array<i32>} : memref<10000xi32, #tpu.memory_space<vmem>>, vector<16xi32>,
    %get3A_66 = vector.shape_cast %get3A_65 : vector<16xi32> to vector<16xi32>
    %swap3A_67 = arith.constant 48 : index
    %swap3A_68 = tpu.vector_load %arg8[%swap3A_67] {strides = array<i32>} : memref<80xi32, #tpu.memory_space<vmem>>, vector<16xi32>,
    %swap3A_69 = vector.shape_cast %swap3A_68 : vector<16xi32> to vector<16xi32>
    %swap3A_70 = vector.shape_cast %get3A_66 : vector<16xi32> to vector<16xi32>
    tpu.vector_store %arg8[%swap3A_67], %swap3A_70 {strides = array<i32>} : memref<80xi32, #tpu.memory_space<vmem>>, vector<16xi32>,
    %add3A_71 = arith.constant 64 : i32
    %add3A_72 = arith.addi %multiple_of3A_36, %add3A_71 : i32
    %get3A_73 = arith.index_cast %add3A_72 : i32 to index
    %get3A_74 = tpu.vector_load %arg7[%get3A_73] {strides = array<i32>} : memref<10000xi32, #tpu.memory_space<vmem>>, vector<16xi32>,
    %get3A_75 = vector.shape_cast %get3A_74 : vector<16xi32> to vector<16xi32>
    %swap3A_76 = arith.constant 64 : index
    %swap3A_77 = tpu.vector_load %arg8[%swap3A_76] {strides = array<i32>} : memref<80xi32, #tpu.memory_space<vmem>>, vector<16xi32>,
    %swap3A_78 = vector.shape_cast %swap3A_77 : vector<16xi32> to vector<16xi32>
    %swap3A_79 = vector.shape_cast %get3A_75 : vector<16xi32> to vector<16xi32>
    tpu.vector_store %arg8[%swap3A_76], %swap3A_79 {strides = array<i32>} : memref<80xi32, #tpu.memory_space<vmem>>, vector<16xi32>,
    %dma_wait3A_80 = arith.constant 9840 : i32
    %dma_wait3A_81 = tpu.memref_slice %arg6[%dma_wait3A_80] : memref<10000xi32, #tpu.memory_space<vmem>> -> memref<80xi32, #tpu.memory_space<vmem>>
    %dma_wait3A_82 = arith.constant 0 : i32
    %dma_wait3A_83 = arith.constant 0 : i32
    %dma_wait3A_84 = tpu.memref_slice %arg2[%dma_wait3A_82, %dma_wait3A_83] : memref<10000x128xf32, #tpu.memory_space<hbm>> -> memref<10000x128xf32, #tpu.memory_space<hbm>>
    tpu.wait_indirect_dma semaphore(%arg13 : memref<!tpu.dma_semaphore, #tpu.memory_space<semaphore_mem>>) src(%dma_wait3A_84 : memref<10000x128xf32, #tpu.memory_space<hbm>>) dst(%arg9 : memref<80x128xf32, #tpu.memory_space<vmem>>)
    "tpu.region"() ({
      %run_scoped3A = tpu.sem_alloc : memref<!tpu.dma_semaphore, #tpu.memory_space<semaphore_mem>>
      %dma_start3A_138 = arith.constant 0 : i32
      %dma_start3A_139 = arith.constant 0 : i32
      %dma_start3A_140 = tpu.memref_slice %arg12[%dma_start3A_138, %dma_start3A_139] : memref<10000x128xf32, #tpu.memory_space<vmem_shared>> -> memref<10000x128xf32, #tpu.memory_space<vmem_shared>>
      tpu.enqueue_indirect_dma source(%arg9 : memref<80x128xf32, #tpu.memory_space<vmem>>) target(%dma_start3A_140 : memref<10000x128xf32, #tpu.memory_space<vmem_shared>>) offsets(%arg8 : memref<80xi32, #tpu.memory_space<vmem>>) semaphore(%run_scoped3A : memref<!tpu.dma_semaphore, #tpu.memory_space<semaphore_mem>>) {add = true}
      %dma_wait3A_141 = arith.constant 0 : i32
      %dma_wait3A_142 = arith.constant 0 : i32
      %dma_wait3A_143 = tpu.memref_slice %arg12[%dma_wait3A_141, %dma_wait3A_142] : memref<10000x128xf32, #tpu.memory_space<vmem_shared>> -> memref<10000x128xf32, #tpu.memory_space<vmem_shared>>
      tpu.wait_indirect_dma semaphore(%run_scoped3A : memref<!tpu.dma_semaphore, #tpu.memory_space<semaphore_mem>>) src(%arg9 : memref<80x128xf32, #tpu.memory_space<vmem>>) dst(%dma_wait3A_143 : memref<10000x128xf32, #tpu.memory_space<vmem_shared>>)
      tpu.yield
    }) : () -> ()
    %multiple_of3A_85 = arith.constant 9920 : i32
    %multiple_of3A_86 = tpu.assume_multiple %multiple_of3A_85, 16 : i32
    %add3A_87 = arith.constant 0 : i32
    %add3A_88 = arith.addi %multiple_of3A_86, %add3A_87 : i32
    %get3A_89 = arith.index_cast %add3A_88 : i32 to index
    %get3A_90 = tpu.vector_load %arg7[%get3A_89] {strides = array<i32>} : memref<10000xi32, #tpu.memory_space<vmem>>, vector<16xi32>,
    %get3A_91 = vector.shape_cast %get3A_90 : vector<16xi32> to vector<16xi32>
    %swap3A_92 = arith.constant 0 : index
    %swap3A_93 = tpu.vector_load %arg8[%swap3A_92] {strides = array<i32>} : memref<80xi32, #tpu.memory_space<vmem>>, vector<16xi32>,
    %swap3A_94 = vector.shape_cast %swap3A_93 : vector<16xi32> to vector<16xi32>
    %swap3A_95 = vector.shape_cast %get3A_91 : vector<16xi32> to vector<16xi32>
    tpu.vector_store %arg8[%swap3A_92], %swap3A_95 {strides = array<i32>} : memref<80xi32, #tpu.memory_space<vmem>>, vector<16xi32>,
    %add3A_96 = arith.constant 16 : i32
    %add3A_97 = arith.addi %multiple_of3A_86, %add3A_96 : i32
    %get3A_98 = arith.index_cast %add3A_97 : i32 to index
    %get3A_99 = tpu.vector_load %arg7[%get3A_98] {strides = array<i32>} : memref<10000xi32, #tpu.memory_space<vmem>>, vector<16xi32>,
    %get3A_100 = vector.shape_cast %get3A_99 : vector<16xi32> to vector<16xi32>
    %swap3A_101 = arith.constant 16 : index
    %swap3A_102 = tpu.vector_load %arg8[%swap3A_101] {strides = array<i32>} : memref<80xi32, #tpu.memory_space<vmem>>, vector<16xi32>,
    %swap3A_103 = vector.shape_cast %swap3A_102 : vector<16xi32> to vector<16xi32>
    %swap3A_104 = vector.shape_cast %get3A_100 : vector<16xi32> to vector<16xi32>
    tpu.vector_store %arg8[%swap3A_101], %swap3A_104 {strides = array<i32>} : memref<80xi32, #tpu.memory_space<vmem>>, vector<16xi32>,
    %add3A_105 = arith.constant 32 : i32
    %add3A_106 = arith.addi %multiple_of3A_86, %add3A_105 : i32
    %get3A_107 = arith.index_cast %add3A_106 : i32 to index
    %get3A_108 = tpu.vector_load %arg7[%get3A_107] {strides = array<i32>} : memref<10000xi32, #tpu.memory_space<vmem>>, vector<16xi32>,
    %get3A_109 = vector.shape_cast %get3A_108 : vector<16xi32> to vector<16xi32>
    %swap3A_110 = arith.constant 32 : index
    %swap3A_111 = tpu.vector_load %arg8[%swap3A_110] {strides = array<i32>} : memref<80xi32, #tpu.memory_space<vmem>>, vector<16xi32>,
    %swap3A_112 = vector.shape_cast %swap3A_111 : vector<16xi32> to vector<16xi32>
    %swap3A_113 = vector.shape_cast %get3A_109 : vector<16xi32> to vector<16xi32>
    tpu.vector_store %arg8[%swap3A_110], %swap3A_113 {strides = array<i32>} : memref<80xi32, #tpu.memory_space<vmem>>, vector<16xi32>,
    %add3A_114 = arith.constant 48 : i32
    %add3A_115 = arith.addi %multiple_of3A_86, %add3A_114 : i32
    %get3A_116 = arith.index_cast %add3A_115 : i32 to index
    %get3A_117 = tpu.vector_load %arg7[%get3A_116] {strides = array<i32>} : memref<10000xi32, #tpu.memory_space<vmem>>, vector<16xi32>,
    %get3A_118 = vector.shape_cast %get3A_117 : vector<16xi32> to vector<16xi32>
    %swap3A_119 = arith.constant 48 : index
    %swap3A_120 = tpu.vector_load %arg8[%swap3A_119] {strides = array<i32>} : memref<80xi32, #tpu.memory_space<vmem>>, vector<16xi32>,
    %swap3A_121 = vector.shape_cast %swap3A_120 : vector<16xi32> to vector<16xi32>
    %swap3A_122 = vector.shape_cast %get3A_118 : vector<16xi32> to vector<16xi32>
    tpu.vector_store %arg8[%swap3A_119], %swap3A_122 {strides = array<i32>} : memref<80xi32, #tpu.memory_space<vmem>>, vector<16xi32>,
    %add3A_123 = arith.constant 64 : i32
    %add3A_124 = arith.addi %multiple_of3A_86, %add3A_123 : i32
    %get3A_125 = arith.index_cast %add3A_124 : i32 to index
    %get3A_126 = tpu.vector_load %arg7[%get3A_125] {strides = array<i32>} : memref<10000xi32, #tpu.memory_space<vmem>>, vector<16xi32>,
    %get3A_127 = vector.shape_cast %get3A_126 : vector<16xi32> to vector<16xi32>
    %swap3A_128 = arith.constant 64 : index
    %swap3A_129 = tpu.vector_load %arg8[%swap3A_128] {strides = array<i32>} : memref<80xi32, #tpu.memory_space<vmem>>, vector<16xi32>,
    %swap3A_130 = vector.shape_cast %swap3A_129 : vector<16xi32> to vector<16xi32>
    %swap3A_131 = vector.shape_cast %get3A_127 : vector<16xi32> to vector<16xi32>
    tpu.vector_store %arg8[%swap3A_128], %swap3A_131 {strides = array<i32>} : memref<80xi32, #tpu.memory_space<vmem>>, vector<16xi32>,
    %dma_wait3A_132 = arith.constant 9920 : i32
    %dma_wait3A_133 = tpu.memref_slice %arg6[%dma_wait3A_132] : memref<10000xi32, #tpu.memory_space<vmem>> -> memref<80xi32, #tpu.memory_space<vmem>>
    %dma_wait3A_134 = arith.constant 0 : i32
    %dma_wait3A_135 = arith.constant 0 : i32
    %dma_wait3A_136 = tpu.memref_slice %arg2[%dma_wait3A_134, %dma_wait3A_135] : memref<10000x128xf32, #tpu.memory_space<hbm>> -> memref<10000x128xf32, #tpu.memory_space<hbm>>
    tpu.wait_indirect_dma semaphore(%arg14 : memref<!tpu.dma_semaphore, #tpu.memory_space<semaphore_mem>>) src(%dma_wait3A_136 : memref<10000x128xf32, #tpu.memory_space<hbm>>) dst(%arg10 : memref<80x128xf32, #tpu.memory_space<vmem>>)
    "tpu.region"() ({
      %run_scoped3A = tpu.sem_alloc : memref<!tpu.dma_semaphore, #tpu.memory_space<semaphore_mem>>
      %dma_start3A_138 = arith.constant 0 : i32
      %dma_start3A_139 = arith.constant 0 : i32
      %dma_start3A_140 = tpu.memref_slice %arg12[%dma_start3A_138, %dma_start3A_139] : memref<10000x128xf32, #tpu.memory_space<vmem_shared>> -> memref<10000x128xf32, #tpu.memory_space<vmem_shared>>
      tpu.enqueue_indirect_dma source(%arg10 : memref<80x128xf32, #tpu.memory_space<vmem>>) target(%dma_start3A_140 : memref<10000x128xf32, #tpu.memory_space<vmem_shared>>) offsets(%arg8 : memref<80xi32, #tpu.memory_space<vmem>>) semaphore(%run_scoped3A : memref<!tpu.dma_semaphore, #tpu.memory_space<semaphore_mem>>) {add = true}
      %dma_wait3A_141 = arith.constant 0 : i32
      %dma_wait3A_142 = arith.constant 0 : i32
      %dma_wait3A_143 = tpu.memref_slice %arg12[%dma_wait3A_141, %dma_wait3A_142] : memref<10000x128xf32, #tpu.memory_space<vmem_shared>> -> memref<10000x128xf32, #tpu.memory_space<vmem_shared>>
      tpu.wait_indirect_dma semaphore(%run_scoped3A : memref<!tpu.dma_semaphore, #tpu.memory_space<semaphore_mem>>) src(%arg10 : memref<80x128xf32, #tpu.memory_space<vmem>>) dst(%dma_wait3A_143 : memref<10000x128xf32, #tpu.memory_space<vmem_shared>>)
      tpu.yield
    }) : () -> ()
    %barrier3A_137 = arith.constant 0 : index
    tpu.barrier barrier_id(%barrier3A_137)
    "tpu.region"() ({
      %run_scoped3A = tpu.sem_alloc : memref<!tpu.dma_semaphore, #tpu.memory_space<semaphore_mem>>
      %dma_start3A_138 = arith.constant 0 : i32
      %dma_start3A_139 = tpu.memref_slice %arg5[%arg0, %multiple_of3A, %dma_start3A_138] : memref<2x10000x128xf32, #tpu.memory_space<hbm>> -> memref<1x640x128xf32, #tpu.memory_space<hbm>>
      %dma_start3A_140 = tpu.memref_squeeze %dma_start3A_139 : memref<1x640x128xf32, #tpu.memory_space<hbm>> -> memref<640x128xf32, #tpu.memory_space<hbm>>
      %dma_start3A_141 = arith.constant 0 : i32
      %dma_start3A_142 = tpu.memref_slice %arg12[%multiple_of3A, %dma_start3A_141] : memref<10000x128xf32, #tpu.memory_space<vmem_shared>> -> memref<640x128xf32, #tpu.memory_space<vmem_shared>>
      tpu.enqueue_dma source(%dma_start3A_142 : memref<640x128xf32, #tpu.memory_space<vmem_shared>>) target(%dma_start3A_140 : memref<640x128xf32, #tpu.memory_space<hbm>>) target_semaphore(%run_scoped3A : memref<!tpu.dma_semaphore, #tpu.memory_space<semaphore_mem>>)
      %dma_wait3A_143 = arith.constant 0 : i32
      %dma_wait3A_144 = tpu.memref_slice %arg5[%arg0, %multiple_of3A, %dma_wait3A_143] : memref<2x10000x128xf32, #tpu.memory_space<hbm>> -> memref<1x640x128xf32, #tpu.memory_space<hbm>>
      %dma_wait3A_145 = tpu.memref_squeeze %dma_wait3A_144 : memref<1x640x128xf32, #tpu.memory_space<hbm>> -> memref<640x128xf32, #tpu.memory_space<hbm>>
      %dma_wait3A_146 = arith.constant 0 : i32
      %dma_wait3A_147 = tpu.memref_slice %arg12[%multiple_of3A, %dma_wait3A_146] : memref<10000x128xf32, #tpu.memory_space<vmem_shared>> -> memref<640x128xf32, #tpu.memory_space<vmem_shared>>
      tpu.wait_dma2 semaphore(%run_scoped3A : memref<!tpu.dma_semaphore, #tpu.memory_space<semaphore_mem>>) src(%dma_wait3A_147 : memref<640x128xf32, #tpu.memory_space<vmem_shared>>) dst(%dma_wait3A_145 : memref<640x128xf32, #tpu.memory_space<hbm>>)
      tpu.yield
    }) : () -> ()
    return
  }
}

#map = affine_map<(d0, d1) -> (0, 0)>
#map1 = affine_map<(d0, d1) -> (0)>
#map2 = affine_map<(d0, d1) -> (0, 0, 0)>
module attributes {stable_mosaic.version = 14 : i64} {
  func.func @_sc_edge_agg(%arg0: i32, %arg1: i32, %arg2: memref<10000x128xf32, #tpu.memory_space<hbm>>, %arg3: memref<320000xi32, #tpu.memory_space<hbm>>, %arg4: memref<320000xi32, #tpu.memory_space<hbm>>, %arg5: memref<2x10000x128xf32, #tpu.memory_space<hbm>>, %arg6: memref<10000xi32, #tpu.memory_space<vmem>>, %arg7: memref<10000xi32, #tpu.memory_space<vmem>>, %arg8: memref<80xi32, #tpu.memory_space<vmem>>, %arg9: memref<80x128xf32, #tpu.memory_space<vmem>>, %arg10: memref<80x128xf32, #tpu.memory_space<vmem>>, %arg11: memref<80x128xf32, #tpu.memory_space<vmem>>, %arg12: memref<10000x128xf32, #tpu.memory_space<vmem_shared>>, %arg13: memref<!tpu.dma_semaphore, #tpu.memory_space<semaphore_mem>>, %arg14: memref<!tpu.dma_semaphore, #tpu.memory_space<semaphore_mem>>, %arg15: memref<!tpu.dma_semaphore, #tpu.memory_space<semaphore_mem>>, %arg16: memref<!tpu.dma_semaphore, #tpu.memory_space<semaphore_mem>>, %arg17: memref<!tpu.dma_semaphore, #tpu.memory_space<semaphore_mem>>, %arg18: memref<!tpu.dma_semaphore, #tpu.memory_space<semaphore_mem>>) attributes {dimension_semantics = [#tpu.dimension_semantics<core_parallel>, #tpu.dimension_semantics<subcore_parallel>], iteration_bounds = array<i64: 2, 16>, scalar_prefetch = 0 : i64, scratch_operands = 13 : i64, tpu.core_type = #tpu.core_type<sc_vector_subcore>, window_params = [{transform_indices = #map}, {transform_indices = #map1}, {transform_indices = #map1}, {transform_indices = #map2}]} {
    %mul3A = arith.constant 2 : i32
    %mul3A_0 = arith.muli %arg1, %mul3A : i32
    %add3A = arith.addi %mul3A_0, %arg0 : i32
    %mul3A_1 = arith.constant 624 : i32
    %mul3A_2 = arith.muli %arg1, %mul3A_1 : i32
    %multiple_of3A = tpu.assume_multiple %mul3A_2, 8 : i32
    %mul3A_3 = arith.constant 10000 : i32
    %mul3A_4 = arith.muli %add3A, %mul3A_3 : i32
    %multiple_of3A_5 = tpu.assume_multiple %mul3A_4, 8 : i32
    %dma_start3A = tpu.memref_slice %arg3[%multiple_of3A_5] : memref<320000xi32, #tpu.memory_space<hbm>> -> memref<10000xi32, #tpu.memory_space<hbm>>
    %dma_start3A_6 = tpu.memref_slice %arg3[%multiple_of3A_5] : memref<320000xi32, #tpu.memory_space<hbm>> -> memref<10000xi32, #tpu.memory_space<hbm>>
    tpu.enqueue_dma source(%dma_start3A_6 : memref<10000xi32, #tpu.memory_space<hbm>>) target(%arg6 : memref<10000xi32, #tpu.memory_space<vmem>>) target_semaphore(%arg16 : memref<!tpu.dma_semaphore, #tpu.memory_space<semaphore_mem>>)
    %dma_start3A_7 = tpu.memref_slice %arg4[%multiple_of3A_5] : memref<320000xi32, #tpu.memory_space<hbm>> -> memref<10000xi32, #tpu.memory_space<hbm>>
    %dma_start3A_8 = tpu.memref_slice %arg4[%multiple_of3A_5] : memref<320000xi32, #tpu.memory_space<hbm>> -> memref<10000xi32, #tpu.memory_space<hbm>>
    tpu.enqueue_dma source(%dma_start3A_8 : memref<10000xi32, #tpu.memory_space<hbm>>) target(%arg7 : memref<10000xi32, #tpu.memory_space<vmem>>) target_semaphore(%arg17 : memref<!tpu.dma_semaphore, #tpu.memory_space<semaphore_mem>>)
    %dma_start3A_9 = arith.constant 0 : i32
    %dma_start3A_10 = tpu.memref_slice %arg12[%multiple_of3A, %dma_start3A_9] : memref<10000x128xf32, #tpu.memory_space<vmem_shared>> -> memref<640x128xf32, #tpu.memory_space<vmem_shared>>
    %dma_start3A_11 = arith.constant 0 : i32
    %dma_start3A_12 = tpu.memref_slice %arg2[%multiple_of3A, %dma_start3A_11] : memref<10000x128xf32, #tpu.memory_space<hbm>> -> memref<640x128xf32, #tpu.memory_space<hbm>>
    tpu.enqueue_dma source(%dma_start3A_12 : memref<640x128xf32, #tpu.memory_space<hbm>>) target(%dma_start3A_10 : memref<640x128xf32, #tpu.memory_space<vmem_shared>>) target_semaphore(%arg18 : memref<!tpu.dma_semaphore, #tpu.memory_space<semaphore_mem>>)
    %dma_wait3A = tpu.memref_slice %arg3[%multiple_of3A_5] : memref<320000xi32, #tpu.memory_space<hbm>> -> memref<10000xi32, #tpu.memory_space<hbm>>
    %dma_wait3A_13 = tpu.memref_slice %arg3[%multiple_of3A_5] : memref<320000xi32, #tpu.memory_space<hbm>> -> memref<10000xi32, #tpu.memory_space<hbm>>
    tpu.wait_dma2 semaphore(%arg16 : memref<!tpu.dma_semaphore, #tpu.memory_space<semaphore_mem>>) src(%dma_wait3A_13 : memref<10000xi32, #tpu.memory_space<hbm>>) dst(%arg6 : memref<10000xi32, #tpu.memory_space<vmem>>)
    %dma_start3A_14 = arith.constant 0 : i32
    %dma_start3A_15 = tpu.memref_slice %arg6[%dma_start3A_14] : memref<10000xi32, #tpu.memory_space<vmem>> -> memref<80xi32, #tpu.memory_space<vmem>>
    %dma_start3A_16 = arith.constant 0 : i32
    %dma_start3A_17 = arith.constant 0 : i32
    %dma_start3A_18 = tpu.memref_slice %arg2[%dma_start3A_16, %dma_start3A_17] : memref<10000x128xf32, #tpu.memory_space<hbm>> -> memref<10000x128xf32, #tpu.memory_space<hbm>>
    tpu.enqueue_indirect_dma source(%dma_start3A_18 : memref<10000x128xf32, #tpu.memory_space<hbm>>) target(%arg9 : memref<80x128xf32, #tpu.memory_space<vmem>>) offsets(%dma_start3A_15 : memref<80xi32, #tpu.memory_space<vmem>>) semaphore(%arg13 : memref<!tpu.dma_semaphore, #tpu.memory_space<semaphore_mem>>)
    %dma_start3A_19 = arith.constant 80 : i32
    %dma_start3A_20 = tpu.memref_slice %arg6[%dma_start3A_19] : memref<10000xi32, #tpu.memory_space<vmem>> -> memref<80xi32, #tpu.memory_space<vmem>>
    %dma_start3A_21 = arith.constant 0 : i32
    %dma_start3A_22 = arith.constant 0 : i32
    %dma_start3A_23 = tpu.memref_slice %arg2[%dma_start3A_21, %dma_start3A_22] : memref<10000x128xf32, #tpu.memory_space<hbm>> -> memref<10000x128xf32, #tpu.memory_space<hbm>>
    tpu.enqueue_indirect_dma source(%dma_start3A_23 : memref<10000x128xf32, #tpu.memory_space<hbm>>) target(%arg10 : memref<80x128xf32, #tpu.memory_space<vmem>>) offsets(%dma_start3A_20 : memref<80xi32, #tpu.memory_space<vmem>>) semaphore(%arg14 : memref<!tpu.dma_semaphore, #tpu.memory_space<semaphore_mem>>)
    %dma_wait3A_24 = tpu.memref_slice %arg4[%multiple_of3A_5] : memref<320000xi32, #tpu.memory_space<hbm>> -> memref<10000xi32, #tpu.memory_space<hbm>>
    %dma_wait3A_25 = tpu.memref_slice %arg4[%multiple_of3A_5] : memref<320000xi32, #tpu.memory_space<hbm>> -> memref<10000xi32, #tpu.memory_space<hbm>>
    tpu.wait_dma2 semaphore(%arg17 : memref<!tpu.dma_semaphore, #tpu.memory_space<semaphore_mem>>) src(%dma_wait3A_25 : memref<10000xi32, #tpu.memory_space<hbm>>) dst(%arg7 : memref<10000xi32, #tpu.memory_space<vmem>>)
    %dma_wait3A_26 = arith.constant 0 : i32
    %dma_wait3A_27 = tpu.memref_slice %arg12[%multiple_of3A, %dma_wait3A_26] : memref<10000x128xf32, #tpu.memory_space<vmem_shared>> -> memref<640x128xf32, #tpu.memory_space<vmem_shared>>
    %dma_wait3A_28 = arith.constant 0 : i32
    %dma_wait3A_29 = tpu.memref_slice %arg2[%multiple_of3A, %dma_wait3A_28] : memref<10000x128xf32, #tpu.memory_space<hbm>> -> memref<640x128xf32, #tpu.memory_space<hbm>>
    tpu.wait_dma2 semaphore(%arg18 : memref<!tpu.dma_semaphore, #tpu.memory_space<semaphore_mem>>) src(%dma_wait3A_29 : memref<640x128xf32, #tpu.memory_space<hbm>>) dst(%dma_wait3A_27 : memref<640x128xf32, #tpu.memory_space<vmem_shared>>)
    %barrier3A = arith.constant 0 : index
    tpu.barrier barrier_id(%barrier3A)
    %scan3A = arith.constant 0 : i32
    %scan3A_30 = arith.constant 0 : i32
    %scan3A_31 = arith.constant 41 : i32
    %scan3A_32 = arith.addi %scan3A_30, %scan3A_31 : i32
    %scan3A_33 = arith.constant 1 : i32
    scf.for %scan3A_138 = %scan3A_30 to %scan3A_32 step %scan3A_33  : i32 {
      %mul3A_139 = arith.constant 3 : i32
      %mul3A_140 = arith.muli %mul3A_139, %scan3A_138 : i32
      %add3A_141 = arith.constant 2 : i32
      %add3A_142 = arith.addi %mul3A_140, %add3A_141 : i32
      %mul3A_143 = arith.constant 80 : i32
      %mul3A_144 = arith.muli %add3A_142, %mul3A_143 : i32
      %dma_start3A_145 = tpu.memref_slice %arg6[%mul3A_144] : memref<10000xi32, #tpu.memory_space<vmem>> -> memref<80xi32, #tpu.memory_space<vmem>>
      %dma_start3A_146 = arith.constant 0 : i32
      %dma_start3A_147 = arith.constant 0 : i32
      %dma_start3A_148 = tpu.memref_slice %arg2[%dma_start3A_146, %dma_start3A_147] : memref<10000x128xf32, #tpu.memory_space<hbm>> -> memref<10000x128xf32, #tpu.memory_space<hbm>>
      tpu.enqueue_indirect_dma source(%dma_start3A_148 : memref<10000x128xf32, #tpu.memory_space<hbm>>) target(%arg11 : memref<80x128xf32, #tpu.memory_space<vmem>>) offsets(%dma_start3A_145 : memref<80xi32, #tpu.memory_space<vmem>>) semaphore(%arg15 : memref<!tpu.dma_semaphore, #tpu.memory_space<semaphore_mem>>)
      %mul3A_149 = arith.constant 80 : i32
      %mul3A_150 = arith.muli %mul3A_140, %mul3A_149 : i32
      %multiple_of3A_151 = tpu.assume_multiple %mul3A_150, 16 : i32
      %add3A_152 = arith.constant 0 : i32
      %add3A_153 = arith.addi %multiple_of3A_151, %add3A_152 : i32
      %get3A_154 = arith.index_cast %add3A_153 : i32 to index
      %get3A_155 = tpu.vector_load %arg7[%get3A_154] {strides = array<i32>} : memref<10000xi32, #tpu.memory_space<vmem>>, vector<16xi32>,
      %get3A_156 = vector.shape_cast %get3A_155 : vector<16xi32> to vector<16xi32>
      %swap3A_157 = arith.constant 0 : index
      %swap3A_158 = tpu.vector_load %arg8[%swap3A_157] {strides = array<i32>} : memref<80xi32, #tpu.memory_space<vmem>>, vector<16xi32>,
      %swap3A_159 = vector.shape_cast %swap3A_158 : vector<16xi32> to vector<16xi32>
      %swap3A_160 = vector.shape_cast %get3A_156 : vector<16xi32> to vector<16xi32>
      tpu.vector_store %arg8[%swap3A_157], %swap3A_160 {strides = array<i32>} : memref<80xi32, #tpu.memory_space<vmem>>, vector<16xi32>,
      %add3A_161 = arith.constant 16 : i32
      %add3A_162 = arith.addi %multiple_of3A_151, %add3A_161 : i32
      %get3A_163 = arith.index_cast %add3A_162 : i32 to index
      %get3A_164 = tpu.vector_load %arg7[%get3A_163] {strides = array<i32>} : memref<10000xi32, #tpu.memory_space<vmem>>, vector<16xi32>,
      %get3A_165 = vector.shape_cast %get3A_164 : vector<16xi32> to vector<16xi32>
      %swap3A_166 = arith.constant 16 : index
      %swap3A_167 = tpu.vector_load %arg8[%swap3A_166] {strides = array<i32>} : memref<80xi32, #tpu.memory_space<vmem>>, vector<16xi32>,
      %swap3A_168 = vector.shape_cast %swap3A_167 : vector<16xi32> to vector<16xi32>
      %swap3A_169 = vector.shape_cast %get3A_165 : vector<16xi32> to vector<16xi32>
      tpu.vector_store %arg8[%swap3A_166], %swap3A_169 {strides = array<i32>} : memref<80xi32, #tpu.memory_space<vmem>>, vector<16xi32>,
      %add3A_170 = arith.constant 32 : i32
      %add3A_171 = arith.addi %multiple_of3A_151, %add3A_170 : i32
      %get3A_172 = arith.index_cast %add3A_171 : i32 to index
      %get3A_173 = tpu.vector_load %arg7[%get3A_172] {strides = array<i32>} : memref<10000xi32, #tpu.memory_space<vmem>>, vector<16xi32>,
      %get3A_174 = vector.shape_cast %get3A_173 : vector<16xi32> to vector<16xi32>
      %swap3A_175 = arith.constant 32 : index
      %swap3A_176 = tpu.vector_load %arg8[%swap3A_175] {strides = array<i32>} : memref<80xi32, #tpu.memory_space<vmem>>, vector<16xi32>,
      %swap3A_177 = vector.shape_cast %swap3A_176 : vector<16xi32> to vector<16xi32>
      %swap3A_178 = vector.shape_cast %get3A_174 : vector<16xi32> to vector<16xi32>
      tpu.vector_store %arg8[%swap3A_175], %swap3A_178 {strides = array<i32>} : memref<80xi32, #tpu.memory_space<vmem>>, vector<16xi32>,
      %add3A_179 = arith.constant 48 : i32
      %add3A_180 = arith.addi %multiple_of3A_151, %add3A_179 : i32
      %get3A_181 = arith.index_cast %add3A_180 : i32 to index
      %get3A_182 = tpu.vector_load %arg7[%get3A_181] {strides = array<i32>} : memref<10000xi32, #tpu.memory_space<vmem>>, vector<16xi32>,
      %get3A_183 = vector.shape_cast %get3A_182 : vector<16xi32> to vector<16xi32>
      %swap3A_184 = arith.constant 48 : index
      %swap3A_185 = tpu.vector_load %arg8[%swap3A_184] {strides = array<i32>} : memref<80xi32, #tpu.memory_space<vmem>>, vector<16xi32>,
      %swap3A_186 = vector.shape_cast %swap3A_185 : vector<16xi32> to vector<16xi32>
      %swap3A_187 = vector.shape_cast %get3A_183 : vector<16xi32> to vector<16xi32>
      tpu.vector_store %arg8[%swap3A_184], %swap3A_187 {strides = array<i32>} : memref<80xi32, #tpu.memory_space<vmem>>, vector<16xi32>,
      %add3A_188 = arith.constant 64 : i32
      %add3A_189 = arith.addi %multiple_of3A_151, %add3A_188 : i32
      %get3A_190 = arith.index_cast %add3A_189 : i32 to index
      %get3A_191 = tpu.vector_load %arg7[%get3A_190] {strides = array<i32>} : memref<10000xi32, #tpu.memory_space<vmem>>, vector<16xi32>,
      %get3A_192 = vector.shape_cast %get3A_191 : vector<16xi32> to vector<16xi32>
      %swap3A_193 = arith.constant 64 : index
      %swap3A_194 = tpu.vector_load %arg8[%swap3A_193] {strides = array<i32>} : memref<80xi32, #tpu.memory_space<vmem>>, vector<16xi32>,
      %swap3A_195 = vector.shape_cast %swap3A_194 : vector<16xi32> to vector<16xi32>
      %swap3A_196 = vector.shape_cast %get3A_192 : vector<16xi32> to vector<16xi32>
      tpu.vector_store %arg8[%swap3A_193], %swap3A_196 {strides = array<i32>} : memref<80xi32, #tpu.memory_space<vmem>>, vector<16xi32>,
      %mul3A_197 = arith.constant 80 : i32
      %mul3A_198 = arith.muli %mul3A_140, %mul3A_197 : i32
      %dma_wait3A_199 = tpu.memref_slice %arg6[%mul3A_198] : memref<10000xi32, #tpu.memory_space<vmem>> -> memref<80xi32, #tpu.memory_space<vmem>>
      %dma_wait3A_200 = arith.constant 0 : i32
      %dma_wait3A_201 = arith.constant 0 : i32
      %dma_wait3A_202 = tpu.memref_slice %arg2[%dma_wait3A_200, %dma_wait3A_201] : memref<10000x128xf32, #tpu.memory_space<hbm>> -> memref<10000x128xf32, #tpu.memory_space<hbm>>
      tpu.wait_indirect_dma semaphore(%arg13 : memref<!tpu.dma_semaphore, #tpu.memory_space<semaphore_mem>>) src(%dma_wait3A_202 : memref<10000x128xf32, #tpu.memory_space<hbm>>) dst(%arg9 : memref<80x128xf32, #tpu.memory_space<vmem>>)
      "tpu.region"() ({
        %run_scoped3A = tpu.sem_alloc : memref<!tpu.dma_semaphore, #tpu.memory_space<semaphore_mem>>
        %dma_start3A_331 = arith.constant 0 : i32
        %dma_start3A_332 = arith.constant 0 : i32
        %dma_start3A_333 = tpu.memref_slice %arg12[%dma_start3A_331, %dma_start3A_332] : memref<10000x128xf32, #tpu.memory_space<vmem_shared>> -> memref<10000x128xf32, #tpu.memory_space<vmem_shared>>
        tpu.enqueue_indirect_dma source(%arg9 : memref<80x128xf32, #tpu.memory_space<vmem>>) target(%dma_start3A_333 : memref<10000x128xf32, #tpu.memory_space<vmem_shared>>) offsets(%arg8 : memref<80xi32, #tpu.memory_space<vmem>>) semaphore(%run_scoped3A : memref<!tpu.dma_semaphore, #tpu.memory_space<semaphore_mem>>) {add = true}
        %dma_wait3A_334 = arith.constant 0 : i32
        %dma_wait3A_335 = arith.constant 0 : i32
        %dma_wait3A_336 = tpu.memref_slice %arg12[%dma_wait3A_334, %dma_wait3A_335] : memref<10000x128xf32, #tpu.memory_space<vmem_shared>> -> memref<10000x128xf32, #tpu.memory_space<vmem_shared>>
        tpu.wait_indirect_dma semaphore(%run_scoped3A : memref<!tpu.dma_semaphore, #tpu.memory_space<semaphore_mem>>) src(%arg9 : memref<80x128xf32, #tpu.memory_space<vmem>>) dst(%dma_wait3A_336 : memref<10000x128xf32, #tpu.memory_space<vmem_shared>>)
        tpu.yield
      }) : () -> ()
      %add3A_203 = arith.constant 1 : i32
      %add3A_204 = arith.addi %mul3A_140, %add3A_203 : i32
      %add3A_205 = arith.constant 3 : i32
      %add3A_206 = arith.addi %mul3A_140, %add3A_205 : i32
      %mul3A_207 = arith.constant 80 : i32
      %mul3A_208 = arith.muli %add3A_206, %mul3A_207 : i32
      %dma_start3A_209 = tpu.memref_slice %arg6[%mul3A_208] : memref<10000xi32, #tpu.memory_space<vmem>> -> memref<80xi32, #tpu.memory_space<vmem>>
      %dma_start3A_210 = arith.constant 0 : i32
      %dma_start3A_211 = arith.constant 0 : i32
      %dma_start3A_212 = tpu.memref_slice %arg2[%dma_start3A_210, %dma_start3A_211] : memref<10000x128xf32, #tpu.memory_space<hbm>> -> memref<10000x128xf32, #tpu.memory_space<hbm>>
      tpu.enqueue_indirect_dma source(%dma_start3A_212 : memref<10000x128xf32, #tpu.memory_space<hbm>>) target(%arg9 : memref<80x128xf32, #tpu.memory_space<vmem>>) offsets(%dma_start3A_209 : memref<80xi32, #tpu.memory_space<vmem>>) semaphore(%arg13 : memref<!tpu.dma_semaphore, #tpu.memory_space<semaphore_mem>>)
      %mul3A_213 = arith.constant 80 : i32
      %mul3A_214 = arith.muli %add3A_204, %mul3A_213 : i32
      %multiple_of3A_215 = tpu.assume_multiple %mul3A_214, 16 : i32
      %add3A_216 = arith.constant 0 : i32
      %add3A_217 = arith.addi %multiple_of3A_215, %add3A_216 : i32
      %get3A_218 = arith.index_cast %add3A_217 : i32 to index
      %get3A_219 = tpu.vector_load %arg7[%get3A_218] {strides = array<i32>} : memref<10000xi32, #tpu.memory_space<vmem>>, vector<16xi32>,
      %get3A_220 = vector.shape_cast %get3A_219 : vector<16xi32> to vector<16xi32>
      %swap3A_221 = arith.constant 0 : index
      %swap3A_222 = tpu.vector_load %arg8[%swap3A_221] {strides = array<i32>} : memref<80xi32, #tpu.memory_space<vmem>>, vector<16xi32>,
      %swap3A_223 = vector.shape_cast %swap3A_222 : vector<16xi32> to vector<16xi32>
      %swap3A_224 = vector.shape_cast %get3A_220 : vector<16xi32> to vector<16xi32>
      tpu.vector_store %arg8[%swap3A_221], %swap3A_224 {strides = array<i32>} : memref<80xi32, #tpu.memory_space<vmem>>, vector<16xi32>,
      %add3A_225 = arith.constant 16 : i32
      %add3A_226 = arith.addi %multiple_of3A_215, %add3A_225 : i32
      %get3A_227 = arith.index_cast %add3A_226 : i32 to index
      %get3A_228 = tpu.vector_load %arg7[%get3A_227] {strides = array<i32>} : memref<10000xi32, #tpu.memory_space<vmem>>, vector<16xi32>,
      %get3A_229 = vector.shape_cast %get3A_228 : vector<16xi32> to vector<16xi32>
      %swap3A_230 = arith.constant 16 : index
      %swap3A_231 = tpu.vector_load %arg8[%swap3A_230] {strides = array<i32>} : memref<80xi32, #tpu.memory_space<vmem>>, vector<16xi32>,
      %swap3A_232 = vector.shape_cast %swap3A_231 : vector<16xi32> to vector<16xi32>
      %swap3A_233 = vector.shape_cast %get3A_229 : vector<16xi32> to vector<16xi32>
      tpu.vector_store %arg8[%swap3A_230], %swap3A_233 {strides = array<i32>} : memref<80xi32, #tpu.memory_space<vmem>>, vector<16xi32>,
      %add3A_234 = arith.constant 32 : i32
      %add3A_235 = arith.addi %multiple_of3A_215, %add3A_234 : i32
      %get3A_236 = arith.index_cast %add3A_235 : i32 to index
      %get3A_237 = tpu.vector_load %arg7[%get3A_236] {strides = array<i32>} : memref<10000xi32, #tpu.memory_space<vmem>>, vector<16xi32>,
      %get3A_238 = vector.shape_cast %get3A_237 : vector<16xi32> to vector<16xi32>
      %swap3A_239 = arith.constant 32 : index
      %swap3A_240 = tpu.vector_load %arg8[%swap3A_239] {strides = array<i32>} : memref<80xi32, #tpu.memory_space<vmem>>, vector<16xi32>,
      %swap3A_241 = vector.shape_cast %swap3A_240 : vector<16xi32> to vector<16xi32>
      %swap3A_242 = vector.shape_cast %get3A_238 : vector<16xi32> to vector<16xi32>
      tpu.vector_store %arg8[%swap3A_239], %swap3A_242 {strides = array<i32>} : memref<80xi32, #tpu.memory_space<vmem>>, vector<16xi32>,
      %add3A_243 = arith.constant 48 : i32
      %add3A_244 = arith.addi %multiple_of3A_215, %add3A_243 : i32
      %get3A_245 = arith.index_cast %add3A_244 : i32 to index
      %get3A_246 = tpu.vector_load %arg7[%get3A_245] {strides = array<i32>} : memref<10000xi32, #tpu.memory_space<vmem>>, vector<16xi32>,
      %get3A_247 = vector.shape_cast %get3A_246 : vector<16xi32> to vector<16xi32>
      %swap3A_248 = arith.constant 48 : index
      %swap3A_249 = tpu.vector_load %arg8[%swap3A_248] {strides = array<i32>} : memref<80xi32, #tpu.memory_space<vmem>>, vector<16xi32>,
      %swap3A_250 = vector.shape_cast %swap3A_249 : vector<16xi32> to vector<16xi32>
      %swap3A_251 = vector.shape_cast %get3A_247 : vector<16xi32> to vector<16xi32>
      tpu.vector_store %arg8[%swap3A_248], %swap3A_251 {strides = array<i32>} : memref<80xi32, #tpu.memory_space<vmem>>, vector<16xi32>,
      %add3A_252 = arith.constant 64 : i32
      %add3A_253 = arith.addi %multiple_of3A_215, %add3A_252 : i32
      %get3A_254 = arith.index_cast %add3A_253 : i32 to index
      %get3A_255 = tpu.vector_load %arg7[%get3A_254] {strides = array<i32>} : memref<10000xi32, #tpu.memory_space<vmem>>, vector<16xi32>,
      %get3A_256 = vector.shape_cast %get3A_255 : vector<16xi32> to vector<16xi32>
      %swap3A_257 = arith.constant 64 : index
      %swap3A_258 = tpu.vector_load %arg8[%swap3A_257] {strides = array<i32>} : memref<80xi32, #tpu.memory_space<vmem>>, vector<16xi32>,
      %swap3A_259 = vector.shape_cast %swap3A_258 : vector<16xi32> to vector<16xi32>
      %swap3A_260 = vector.shape_cast %get3A_256 : vector<16xi32> to vector<16xi32>
      tpu.vector_store %arg8[%swap3A_257], %swap3A_260 {strides = array<i32>} : memref<80xi32, #tpu.memory_space<vmem>>, vector<16xi32>,
      %mul3A_261 = arith.constant 80 : i32
      %mul3A_262 = arith.muli %add3A_204, %mul3A_261 : i32
      %dma_wait3A_263 = tpu.memref_slice %arg6[%mul3A_262] : memref<10000xi32, #tpu.memory_space<vmem>> -> memref<80xi32, #tpu.memory_space<vmem>>
      %dma_wait3A_264 = arith.constant 0 : i32
      %dma_wait3A_265 = arith.constant 0 : i32
      %dma_wait3A_266 = tpu.memref_slice %arg2[%dma_wait3A_264, %dma_wait3A_265] : memref<10000x128xf32, #tpu.memory_space<hbm>> -> memref<10000x128xf32, #tpu.memory_space<hbm>>
      tpu.wait_indirect_dma semaphore(%arg14 : memref<!tpu.dma_semaphore, #tpu.memory_space<semaphore_mem>>) src(%dma_wait3A_266 : memref<10000x128xf32, #tpu.memory_space<hbm>>) dst(%arg10 : memref<80x128xf32, #tpu.memory_space<vmem>>)
      "tpu.region"() ({
        %run_scoped3A = tpu.sem_alloc : memref<!tpu.dma_semaphore, #tpu.memory_space<semaphore_mem>>
        %dma_start3A_331 = arith.constant 0 : i32
        %dma_start3A_332 = arith.constant 0 : i32
        %dma_start3A_333 = tpu.memref_slice %arg12[%dma_start3A_331, %dma_start3A_332] : memref<10000x128xf32, #tpu.memory_space<vmem_shared>> -> memref<10000x128xf32, #tpu.memory_space<vmem_shared>>
        tpu.enqueue_indirect_dma source(%arg10 : memref<80x128xf32, #tpu.memory_space<vmem>>) target(%dma_start3A_333 : memref<10000x128xf32, #tpu.memory_space<vmem_shared>>) offsets(%arg8 : memref<80xi32, #tpu.memory_space<vmem>>) semaphore(%run_scoped3A : memref<!tpu.dma_semaphore, #tpu.memory_space<semaphore_mem>>) {add = true}
        %dma_wait3A_334 = arith.constant 0 : i32
        %dma_wait3A_335 = arith.constant 0 : i32
        %dma_wait3A_336 = tpu.memref_slice %arg12[%dma_wait3A_334, %dma_wait3A_335] : memref<10000x128xf32, #tpu.memory_space<vmem_shared>> -> memref<10000x128xf32, #tpu.memory_space<vmem_shared>>
        tpu.wait_indirect_dma semaphore(%run_scoped3A : memref<!tpu.dma_semaphore, #tpu.memory_space<semaphore_mem>>) src(%arg10 : memref<80x128xf32, #tpu.memory_space<vmem>>) dst(%dma_wait3A_336 : memref<10000x128xf32, #tpu.memory_space<vmem_shared>>)
        tpu.yield
      }) : () -> ()
      %add3A_267 = arith.constant 2 : i32
      %add3A_268 = arith.addi %mul3A_140, %add3A_267 : i32
      %add3A_269 = arith.constant 4 : i32
      %add3A_270 = arith.addi %mul3A_140, %add3A_269 : i32
      %mul3A_271 = arith.constant 80 : i32
      %mul3A_272 = arith.muli %add3A_270, %mul3A_271 : i32
      %dma_start3A_273 = tpu.memref_slice %arg6[%mul3A_272] : memref<10000xi32, #tpu.memory_space<vmem>> -> memref<80xi32, #tpu.memory_space<vmem>>
      %dma_start3A_274 = arith.constant 0 : i32
      %dma_start3A_275 = arith.constant 0 : i32
      %dma_start3A_276 = tpu.memref_slice %arg2[%dma_start3A_274, %dma_start3A_275] : memref<10000x128xf32, #tpu.memory_space<hbm>> -> memref<10000x128xf32, #tpu.memory_space<hbm>>
      tpu.enqueue_indirect_dma source(%dma_start3A_276 : memref<10000x128xf32, #tpu.memory_space<hbm>>) target(%arg10 : memref<80x128xf32, #tpu.memory_space<vmem>>) offsets(%dma_start3A_273 : memref<80xi32, #tpu.memory_space<vmem>>) semaphore(%arg14 : memref<!tpu.dma_semaphore, #tpu.memory_space<semaphore_mem>>)
      %mul3A_277 = arith.constant 80 : i32
      %mul3A_278 = arith.muli %add3A_268, %mul3A_277 : i32
      %multiple_of3A_279 = tpu.assume_multiple %mul3A_278, 16 : i32
      %add3A_280 = arith.constant 0 : i32
      %add3A_281 = arith.addi %multiple_of3A_279, %add3A_280 : i32
      %get3A_282 = arith.index_cast %add3A_281 : i32 to index
      %get3A_283 = tpu.vector_load %arg7[%get3A_282] {strides = array<i32>} : memref<10000xi32, #tpu.memory_space<vmem>>, vector<16xi32>,
      %get3A_284 = vector.shape_cast %get3A_283 : vector<16xi32> to vector<16xi32>
      %swap3A_285 = arith.constant 0 : index
      %swap3A_286 = tpu.vector_load %arg8[%swap3A_285] {strides = array<i32>} : memref<80xi32, #tpu.memory_space<vmem>>, vector<16xi32>,
      %swap3A_287 = vector.shape_cast %swap3A_286 : vector<16xi32> to vector<16xi32>
      %swap3A_288 = vector.shape_cast %get3A_284 : vector<16xi32> to vector<16xi32>
      tpu.vector_store %arg8[%swap3A_285], %swap3A_288 {strides = array<i32>} : memref<80xi32, #tpu.memory_space<vmem>>, vector<16xi32>,
      %add3A_289 = arith.constant 16 : i32
      %add3A_290 = arith.addi %multiple_of3A_279, %add3A_289 : i32
      %get3A_291 = arith.index_cast %add3A_290 : i32 to index
      %get3A_292 = tpu.vector_load %arg7[%get3A_291] {strides = array<i32>} : memref<10000xi32, #tpu.memory_space<vmem>>, vector<16xi32>,
      %get3A_293 = vector.shape_cast %get3A_292 : vector<16xi32> to vector<16xi32>
      %swap3A_294 = arith.constant 16 : index
      %swap3A_295 = tpu.vector_load %arg8[%swap3A_294] {strides = array<i32>} : memref<80xi32, #tpu.memory_space<vmem>>, vector<16xi32>,
      %swap3A_296 = vector.shape_cast %swap3A_295 : vector<16xi32> to vector<16xi32>
      %swap3A_297 = vector.shape_cast %get3A_293 : vector<16xi32> to vector<16xi32>
      tpu.vector_store %arg8[%swap3A_294], %swap3A_297 {strides = array<i32>} : memref<80xi32, #tpu.memory_space<vmem>>, vector<16xi32>,
      %add3A_298 = arith.constant 32 : i32
      %add3A_299 = arith.addi %multiple_of3A_279, %add3A_298 : i32
      %get3A_300 = arith.index_cast %add3A_299 : i32 to index
      %get3A_301 = tpu.vector_load %arg7[%get3A_300] {strides = array<i32>} : memref<10000xi32, #tpu.memory_space<vmem>>, vector<16xi32>,
      %get3A_302 = vector.shape_cast %get3A_301 : vector<16xi32> to vector<16xi32>
      %swap3A_303 = arith.constant 32 : index
      %swap3A_304 = tpu.vector_load %arg8[%swap3A_303] {strides = array<i32>} : memref<80xi32, #tpu.memory_space<vmem>>, vector<16xi32>,
      %swap3A_305 = vector.shape_cast %swap3A_304 : vector<16xi32> to vector<16xi32>
      %swap3A_306 = vector.shape_cast %get3A_302 : vector<16xi32> to vector<16xi32>
      tpu.vector_store %arg8[%swap3A_303], %swap3A_306 {strides = array<i32>} : memref<80xi32, #tpu.memory_space<vmem>>, vector<16xi32>,
      %add3A_307 = arith.constant 48 : i32
      %add3A_308 = arith.addi %multiple_of3A_279, %add3A_307 : i32
      %get3A_309 = arith.index_cast %add3A_308 : i32 to index
      %get3A_310 = tpu.vector_load %arg7[%get3A_309] {strides = array<i32>} : memref<10000xi32, #tpu.memory_space<vmem>>, vector<16xi32>,
      %get3A_311 = vector.shape_cast %get3A_310 : vector<16xi32> to vector<16xi32>
      %swap3A_312 = arith.constant 48 : index
      %swap3A_313 = tpu.vector_load %arg8[%swap3A_312] {strides = array<i32>} : memref<80xi32, #tpu.memory_space<vmem>>, vector<16xi32>,
      %swap3A_314 = vector.shape_cast %swap3A_313 : vector<16xi32> to vector<16xi32>
      %swap3A_315 = vector.shape_cast %get3A_311 : vector<16xi32> to vector<16xi32>
      tpu.vector_store %arg8[%swap3A_312], %swap3A_315 {strides = array<i32>} : memref<80xi32, #tpu.memory_space<vmem>>, vector<16xi32>,
      %add3A_316 = arith.constant 64 : i32
      %add3A_317 = arith.addi %multiple_of3A_279, %add3A_316 : i32
      %get3A_318 = arith.index_cast %add3A_317 : i32 to index
      %get3A_319 = tpu.vector_load %arg7[%get3A_318] {strides = array<i32>} : memref<10000xi32, #tpu.memory_space<vmem>>, vector<16xi32>,
      %get3A_320 = vector.shape_cast %get3A_319 : vector<16xi32> to vector<16xi32>
      %swap3A_321 = arith.constant 64 : index
      %swap3A_322 = tpu.vector_load %arg8[%swap3A_321] {strides = array<i32>} : memref<80xi32, #tpu.memory_space<vmem>>, vector<16xi32>,
      %swap3A_323 = vector.shape_cast %swap3A_322 : vector<16xi32> to vector<16xi32>
      %swap3A_324 = vector.shape_cast %get3A_320 : vector<16xi32> to vector<16xi32>
      tpu.vector_store %arg8[%swap3A_321], %swap3A_324 {strides = array<i32>} : memref<80xi32, #tpu.memory_space<vmem>>, vector<16xi32>,
      %mul3A_325 = arith.constant 80 : i32
      %mul3A_326 = arith.muli %add3A_268, %mul3A_325 : i32
      %dma_wait3A_327 = tpu.memref_slice %arg6[%mul3A_326] : memref<10000xi32, #tpu.memory_space<vmem>> -> memref<80xi32, #tpu.memory_space<vmem>>
      %dma_wait3A_328 = arith.constant 0 : i32
      %dma_wait3A_329 = arith.constant 0 : i32
      %dma_wait3A_330 = tpu.memref_slice %arg2[%dma_wait3A_328, %dma_wait3A_329] : memref<10000x128xf32, #tpu.memory_space<hbm>> -> memref<10000x128xf32, #tpu.memory_space<hbm>>
      tpu.wait_indirect_dma semaphore(%arg15 : memref<!tpu.dma_semaphore, #tpu.memory_space<semaphore_mem>>) src(%dma_wait3A_330 : memref<10000x128xf32, #tpu.memory_space<hbm>>) dst(%arg11 : memref<80x128xf32, #tpu.memory_space<vmem>>)
      "tpu.region"() ({
        %run_scoped3A = tpu.sem_alloc : memref<!tpu.dma_semaphore, #tpu.memory_space<semaphore_mem>>
        %dma_start3A_331 = arith.constant 0 : i32
        %dma_start3A_332 = arith.constant 0 : i32
        %dma_start3A_333 = tpu.memref_slice %arg12[%dma_start3A_331, %dma_start3A_332] : memref<10000x128xf32, #tpu.memory_space<vmem_shared>> -> memref<10000x128xf32, #tpu.memory_space<vmem_shared>>
        tpu.enqueue_indirect_dma source(%arg11 : memref<80x128xf32, #tpu.memory_space<vmem>>) target(%dma_start3A_333 : memref<10000x128xf32, #tpu.memory_space<vmem_shared>>) offsets(%arg8 : memref<80xi32, #tpu.memory_space<vmem>>) semaphore(%run_scoped3A : memref<!tpu.dma_semaphore, #tpu.memory_space<semaphore_mem>>) {add = true}
        %dma_wait3A_334 = arith.constant 0 : i32
        %dma_wait3A_335 = arith.constant 0 : i32
        %dma_wait3A_336 = tpu.memref_slice %arg12[%dma_wait3A_334, %dma_wait3A_335] : memref<10000x128xf32, #tpu.memory_space<vmem_shared>> -> memref<10000x128xf32, #tpu.memory_space<vmem_shared>>
        tpu.wait_indirect_dma semaphore(%run_scoped3A : memref<!tpu.dma_semaphore, #tpu.memory_space<semaphore_mem>>) src(%arg11 : memref<80x128xf32, #tpu.memory_space<vmem>>) dst(%dma_wait3A_336 : memref<10000x128xf32, #tpu.memory_space<vmem_shared>>)
        tpu.yield
      }) : () -> ()
    }
    %scan3A_34 = arith.constant 41 : i32
    %multiple_of3A_35 = arith.constant 9840 : i32
    %multiple_of3A_36 = tpu.assume_multiple %multiple_of3A_35, 16 : i32
    %add3A_37 = arith.constant 0 : i32
    %add3A_38 = arith.addi %multiple_of3A_36, %add3A_37 : i32
    %get3A = arith.index_cast %add3A_38 : i32 to index
    %get3A_39 = tpu.vector_load %arg7[%get3A] {strides = array<i32>} : memref<10000xi32, #tpu.memory_space<vmem>>, vector<16xi32>,
    %get3A_40 = vector.shape_cast %get3A_39 : vector<16xi32> to vector<16xi32>
    %swap3A = arith.constant 0 : index
    %swap3A_41 = tpu.vector_load %arg8[%swap3A] {strides = array<i32>} : memref<80xi32, #tpu.memory_space<vmem>>, vector<16xi32>,
    %swap3A_42 = vector.shape_cast %swap3A_41 : vector<16xi32> to vector<16xi32>
    %swap3A_43 = vector.shape_cast %get3A_40 : vector<16xi32> to vector<16xi32>
    tpu.vector_store %arg8[%swap3A], %swap3A_43 {strides = array<i32>} : memref<80xi32, #tpu.memory_space<vmem>>, vector<16xi32>,
    %add3A_44 = arith.constant 16 : i32
    %add3A_45 = arith.addi %multiple_of3A_36, %add3A_44 : i32
    %get3A_46 = arith.index_cast %add3A_45 : i32 to index
    %get3A_47 = tpu.vector_load %arg7[%get3A_46] {strides = array<i32>} : memref<10000xi32, #tpu.memory_space<vmem>>, vector<16xi32>,
    %get3A_48 = vector.shape_cast %get3A_47 : vector<16xi32> to vector<16xi32>
    %swap3A_49 = arith.constant 16 : index
    %swap3A_50 = tpu.vector_load %arg8[%swap3A_49] {strides = array<i32>} : memref<80xi32, #tpu.memory_space<vmem>>, vector<16xi32>,
    %swap3A_51 = vector.shape_cast %swap3A_50 : vector<16xi32> to vector<16xi32>
    %swap3A_52 = vector.shape_cast %get3A_48 : vector<16xi32> to vector<16xi32>
    tpu.vector_store %arg8[%swap3A_49], %swap3A_52 {strides = array<i32>} : memref<80xi32, #tpu.memory_space<vmem>>, vector<16xi32>,
    %add3A_53 = arith.constant 32 : i32
    %add3A_54 = arith.addi %multiple_of3A_36, %add3A_53 : i32
    %get3A_55 = arith.index_cast %add3A_54 : i32 to index
    %get3A_56 = tpu.vector_load %arg7[%get3A_55] {strides = array<i32>} : memref<10000xi32, #tpu.memory_space<vmem>>, vector<16xi32>,
    %get3A_57 = vector.shape_cast %get3A_56 : vector<16xi32> to vector<16xi32>
    %swap3A_58 = arith.constant 32 : index
    %swap3A_59 = tpu.vector_load %arg8[%swap3A_58] {strides = array<i32>} : memref<80xi32, #tpu.memory_space<vmem>>, vector<16xi32>,
    %swap3A_60 = vector.shape_cast %swap3A_59 : vector<16xi32> to vector<16xi32>
    %swap3A_61 = vector.shape_cast %get3A_57 : vector<16xi32> to vector<16xi32>
    tpu.vector_store %arg8[%swap3A_58], %swap3A_61 {strides = array<i32>} : memref<80xi32, #tpu.memory_space<vmem>>, vector<16xi32>,
    %add3A_62 = arith.constant 48 : i32
    %add3A_63 = arith.addi %multiple_of3A_36, %add3A_62 : i32
    %get3A_64 = arith.index_cast %add3A_63 : i32 to index
    %get3A_65 = tpu.vector_load %arg7[%get3A_64] {strides = array<i32>} : memref<10000xi32, #tpu.memory_space<vmem>>, vector<16xi32>,
    %get3A_66 = vector.shape_cast %get3A_65 : vector<16xi32> to vector<16xi32>
    %swap3A_67 = arith.constant 48 : index
    %swap3A_68 = tpu.vector_load %arg8[%swap3A_67] {strides = array<i32>} : memref<80xi32, #tpu.memory_space<vmem>>, vector<16xi32>,
    %swap3A_69 = vector.shape_cast %swap3A_68 : vector<16xi32> to vector<16xi32>
    %swap3A_70 = vector.shape_cast %get3A_66 : vector<16xi32> to vector<16xi32>
    tpu.vector_store %arg8[%swap3A_67], %swap3A_70 {strides = array<i32>} : memref<80xi32, #tpu.memory_space<vmem>>, vector<16xi32>,
    %add3A_71 = arith.constant 64 : i32
    %add3A_72 = arith.addi %multiple_of3A_36, %add3A_71 : i32
    %get3A_73 = arith.index_cast %add3A_72 : i32 to index
    %get3A_74 = tpu.vector_load %arg7[%get3A_73] {strides = array<i32>} : memref<10000xi32, #tpu.memory_space<vmem>>, vector<16xi32>,
    %get3A_75 = vector.shape_cast %get3A_74 : vector<16xi32> to vector<16xi32>
    %swap3A_76 = arith.constant 64 : index
    %swap3A_77 = tpu.vector_load %arg8[%swap3A_76] {strides = array<i32>} : memref<80xi32, #tpu.memory_space<vmem>>, vector<16xi32>,
    %swap3A_78 = vector.shape_cast %swap3A_77 : vector<16xi32> to vector<16xi32>
    %swap3A_79 = vector.shape_cast %get3A_75 : vector<16xi32> to vector<16xi32>
    tpu.vector_store %arg8[%swap3A_76], %swap3A_79 {strides = array<i32>} : memref<80xi32, #tpu.memory_space<vmem>>, vector<16xi32>,
    %dma_wait3A_80 = arith.constant 9840 : i32
    %dma_wait3A_81 = tpu.memref_slice %arg6[%dma_wait3A_80] : memref<10000xi32, #tpu.memory_space<vmem>> -> memref<80xi32, #tpu.memory_space<vmem>>
    %dma_wait3A_82 = arith.constant 0 : i32
    %dma_wait3A_83 = arith.constant 0 : i32
    %dma_wait3A_84 = tpu.memref_slice %arg2[%dma_wait3A_82, %dma_wait3A_83] : memref<10000x128xf32, #tpu.memory_space<hbm>> -> memref<10000x128xf32, #tpu.memory_space<hbm>>
    tpu.wait_indirect_dma semaphore(%arg13 : memref<!tpu.dma_semaphore, #tpu.memory_space<semaphore_mem>>) src(%dma_wait3A_84 : memref<10000x128xf32, #tpu.memory_space<hbm>>) dst(%arg9 : memref<80x128xf32, #tpu.memory_space<vmem>>)
    "tpu.region"() ({
      %run_scoped3A = tpu.sem_alloc : memref<!tpu.dma_semaphore, #tpu.memory_space<semaphore_mem>>
      %dma_start3A_138 = arith.constant 0 : i32
      %dma_start3A_139 = arith.constant 0 : i32
      %dma_start3A_140 = tpu.memref_slice %arg12[%dma_start3A_138, %dma_start3A_139] : memref<10000x128xf32, #tpu.memory_space<vmem_shared>> -> memref<10000x128xf32, #tpu.memory_space<vmem_shared>>
      tpu.enqueue_indirect_dma source(%arg9 : memref<80x128xf32, #tpu.memory_space<vmem>>) target(%dma_start3A_140 : memref<10000x128xf32, #tpu.memory_space<vmem_shared>>) offsets(%arg8 : memref<80xi32, #tpu.memory_space<vmem>>) semaphore(%run_scoped3A : memref<!tpu.dma_semaphore, #tpu.memory_space<semaphore_mem>>) {add = true}
      %dma_wait3A_141 = arith.constant 0 : i32
      %dma_wait3A_142 = arith.constant 0 : i32
      %dma_wait3A_143 = tpu.memref_slice %arg12[%dma_wait3A_141, %dma_wait3A_142] : memref<10000x128xf32, #tpu.memory_space<vmem_shared>> -> memref<10000x128xf32, #tpu.memory_space<vmem_shared>>
      tpu.wait_indirect_dma semaphore(%run_scoped3A : memref<!tpu.dma_semaphore, #tpu.memory_space<semaphore_mem>>) src(%arg9 : memref<80x128xf32, #tpu.memory_space<vmem>>) dst(%dma_wait3A_143 : memref<10000x128xf32, #tpu.memory_space<vmem_shared>>)
      tpu.yield
    }) : () -> ()
    %multiple_of3A_85 = arith.constant 9920 : i32
    %multiple_of3A_86 = tpu.assume_multiple %multiple_of3A_85, 16 : i32
    %add3A_87 = arith.constant 0 : i32
    %add3A_88 = arith.addi %multiple_of3A_86, %add3A_87 : i32
    %get3A_89 = arith.index_cast %add3A_88 : i32 to index
    %get3A_90 = tpu.vector_load %arg7[%get3A_89] {strides = array<i32>} : memref<10000xi32, #tpu.memory_space<vmem>>, vector<16xi32>,
    %get3A_91 = vector.shape_cast %get3A_90 : vector<16xi32> to vector<16xi32>
    %swap3A_92 = arith.constant 0 : index
    %swap3A_93 = tpu.vector_load %arg8[%swap3A_92] {strides = array<i32>} : memref<80xi32, #tpu.memory_space<vmem>>, vector<16xi32>,
    %swap3A_94 = vector.shape_cast %swap3A_93 : vector<16xi32> to vector<16xi32>
    %swap3A_95 = vector.shape_cast %get3A_91 : vector<16xi32> to vector<16xi32>
    tpu.vector_store %arg8[%swap3A_92], %swap3A_95 {strides = array<i32>} : memref<80xi32, #tpu.memory_space<vmem>>, vector<16xi32>,
    %add3A_96 = arith.constant 16 : i32
    %add3A_97 = arith.addi %multiple_of3A_86, %add3A_96 : i32
    %get3A_98 = arith.index_cast %add3A_97 : i32 to index
    %get3A_99 = tpu.vector_load %arg7[%get3A_98] {strides = array<i32>} : memref<10000xi32, #tpu.memory_space<vmem>>, vector<16xi32>,
    %get3A_100 = vector.shape_cast %get3A_99 : vector<16xi32> to vector<16xi32>
    %swap3A_101 = arith.constant 16 : index
    %swap3A_102 = tpu.vector_load %arg8[%swap3A_101] {strides = array<i32>} : memref<80xi32, #tpu.memory_space<vmem>>, vector<16xi32>,
    %swap3A_103 = vector.shape_cast %swap3A_102 : vector<16xi32> to vector<16xi32>
    %swap3A_104 = vector.shape_cast %get3A_100 : vector<16xi32> to vector<16xi32>
    tpu.vector_store %arg8[%swap3A_101], %swap3A_104 {strides = array<i32>} : memref<80xi32, #tpu.memory_space<vmem>>, vector<16xi32>,
    %add3A_105 = arith.constant 32 : i32
    %add3A_106 = arith.addi %multiple_of3A_86, %add3A_105 : i32
    %get3A_107 = arith.index_cast %add3A_106 : i32 to index
    %get3A_108 = tpu.vector_load %arg7[%get3A_107] {strides = array<i32>} : memref<10000xi32, #tpu.memory_space<vmem>>, vector<16xi32>,
    %get3A_109 = vector.shape_cast %get3A_108 : vector<16xi32> to vector<16xi32>
    %swap3A_110 = arith.constant 32 : index
    %swap3A_111 = tpu.vector_load %arg8[%swap3A_110] {strides = array<i32>} : memref<80xi32, #tpu.memory_space<vmem>>, vector<16xi32>,
    %swap3A_112 = vector.shape_cast %swap3A_111 : vector<16xi32> to vector<16xi32>
    %swap3A_113 = vector.shape_cast %get3A_109 : vector<16xi32> to vector<16xi32>
    tpu.vector_store %arg8[%swap3A_110], %swap3A_113 {strides = array<i32>} : memref<80xi32, #tpu.memory_space<vmem>>, vector<16xi32>,
    %add3A_114 = arith.constant 48 : i32
    %add3A_115 = arith.addi %multiple_of3A_86, %add3A_114 : i32
    %get3A_116 = arith.index_cast %add3A_115 : i32 to index
    %get3A_117 = tpu.vector_load %arg7[%get3A_116] {strides = array<i32>} : memref<10000xi32, #tpu.memory_space<vmem>>, vector<16xi32>,
    %get3A_118 = vector.shape_cast %get3A_117 : vector<16xi32> to vector<16xi32>
    %swap3A_119 = arith.constant 48 : index
    %swap3A_120 = tpu.vector_load %arg8[%swap3A_119] {strides = array<i32>} : memref<80xi32, #tpu.memory_space<vmem>>, vector<16xi32>,
    %swap3A_121 = vector.shape_cast %swap3A_120 : vector<16xi32> to vector<16xi32>
    %swap3A_122 = vector.shape_cast %get3A_118 : vector<16xi32> to vector<16xi32>
    tpu.vector_store %arg8[%swap3A_119], %swap3A_122 {strides = array<i32>} : memref<80xi32, #tpu.memory_space<vmem>>, vector<16xi32>,
    %add3A_123 = arith.constant 64 : i32
    %add3A_124 = arith.addi %multiple_of3A_86, %add3A_123 : i32
    %get3A_125 = arith.index_cast %add3A_124 : i32 to index
    %get3A_126 = tpu.vector_load %arg7[%get3A_125] {strides = array<i32>} : memref<10000xi32, #tpu.memory_space<vmem>>, vector<16xi32>,
    %get3A_127 = vector.shape_cast %get3A_126 : vector<16xi32> to vector<16xi32>
    %swap3A_128 = arith.constant 64 : index
    %swap3A_129 = tpu.vector_load %arg8[%swap3A_128] {strides = array<i32>} : memref<80xi32, #tpu.memory_space<vmem>>, vector<16xi32>,
    %swap3A_130 = vector.shape_cast %swap3A_129 : vector<16xi32> to vector<16xi32>
    %swap3A_131 = vector.shape_cast %get3A_127 : vector<16xi32> to vector<16xi32>
    tpu.vector_store %arg8[%swap3A_128], %swap3A_131 {strides = array<i32>} : memref<80xi32, #tpu.memory_space<vmem>>, vector<16xi32>,
    %dma_wait3A_132 = arith.constant 9920 : i32
    %dma_wait3A_133 = tpu.memref_slice %arg6[%dma_wait3A_132] : memref<10000xi32, #tpu.memory_space<vmem>> -> memref<80xi32, #tpu.memory_space<vmem>>
    %dma_wait3A_134 = arith.constant 0 : i32
    %dma_wait3A_135 = arith.constant 0 : i32
    %dma_wait3A_136 = tpu.memref_slice %arg2[%dma_wait3A_134, %dma_wait3A_135] : memref<10000x128xf32, #tpu.memory_space<hbm>> -> memref<10000x128xf32, #tpu.memory_space<hbm>>
    tpu.wait_indirect_dma semaphore(%arg14 : memref<!tpu.dma_semaphore, #tpu.memory_space<semaphore_mem>>) src(%dma_wait3A_136 : memref<10000x128xf32, #tpu.memory_space<hbm>>) dst(%arg10 : memref<80x128xf32, #tpu.memory_space<vmem>>)
    "tpu.region"() ({
      %run_scoped3A = tpu.sem_alloc : memref<!tpu.dma_semaphore, #tpu.memory_space<semaphore_mem>>
      %dma_start3A_138 = arith.constant 0 : i32
      %dma_start3A_139 = arith.constant 0 : i32
      %dma_start3A_140 = tpu.memref_slice %arg12[%dma_start3A_138, %dma_start3A_139] : memref<10000x128xf32, #tpu.memory_space<vmem_shared>> -> memref<10000x128xf32, #tpu.memory_space<vmem_shared>>
      tpu.enqueue_indirect_dma source(%arg10 : memref<80x128xf32, #tpu.memory_space<vmem>>) target(%dma_start3A_140 : memref<10000x128xf32, #tpu.memory_space<vmem_shared>>) offsets(%arg8 : memref<80xi32, #tpu.memory_space<vmem>>) semaphore(%run_scoped3A : memref<!tpu.dma_semaphore, #tpu.memory_space<semaphore_mem>>) {add = true}
      %dma_wait3A_141 = arith.constant 0 : i32
      %dma_wait3A_142 = arith.constant 0 : i32
      %dma_wait3A_143 = tpu.memref_slice %arg12[%dma_wait3A_141, %dma_wait3A_142] : memref<10000x128xf32, #tpu.memory_space<vmem_shared>> -> memref<10000x128xf32, #tpu.memory_space<vmem_shared>>
      tpu.wait_indirect_dma semaphore(%run_scoped3A : memref<!tpu.dma_semaphore, #tpu.memory_space<semaphore_mem>>) src(%arg10 : memref<80x128xf32, #tpu.memory_space<vmem>>) dst(%dma_wait3A_143 : memref<10000x128xf32, #tpu.memory_space<vmem_shared>>)
      tpu.yield
    }) : () -> ()
    %barrier3A_137 = arith.constant 0 : index
    tpu.barrier barrier_id(%barrier3A_137)
    "tpu.region"() ({
      %run_scoped3A = tpu.sem_alloc : memref<!tpu.dma_semaphore, #tpu.memory_space<semaphore_mem>>
      %dma_start3A_138 = arith.constant 0 : i32
      %dma_start3A_139 = tpu.memref_slice %arg5[%arg0, %multiple_of3A, %dma_start3A_138] : memref<2x10000x128xf32, #tpu.memory_space<hbm>> -> memref<1x640x128xf32, #tpu.memory_space<hbm>>
      %dma_start3A_140 = tpu.memref_squeeze %dma_start3A_139 : memref<1x640x128xf32, #tpu.memory_space<hbm>> -> memref<640x128xf32, #tpu.memory_space<hbm>>
      %dma_start3A_141 = arith.constant 0 : i32
      %dma_start3A_142 = tpu.memref_slice %arg12[%multiple_of3A, %dma_start3A_141] : memref<10000x128xf32, #tpu.memory_space<vmem_shared>> -> memref<640x128xf32, #tpu.memory_space<vmem_shared>>
      tpu.enqueue_dma source(%dma_start3A_142 : memref<640x128xf32, #tpu.memory_space<vmem_shared>>) target(%dma_start3A_140 : memref<640x128xf32, #tpu.memory_space<hbm>>) target_semaphore(%run_scoped3A : memref<!tpu.dma_semaphore, #tpu.memory_space<semaphore_mem>>)
      %dma_wait3A_143 = arith.constant 0 : i32
      %dma_wait3A_144 = tpu.memref_slice %arg5[%arg0, %multiple_of3A, %dma_wait3A_143] : memref<2x10000x128xf32, #tpu.memory_space<hbm>> -> memref<1x640x128xf32, #tpu.memory_space<hbm>>
      %dma_wait3A_145 = tpu.memref_squeeze %dma_wait3A_144 : memref<1x640x128xf32, #tpu.memory_space<hbm>> -> memref<640x128xf32, #tpu.memory_space<hbm>>
      %dma_wait3A_146 = arith.constant 0 : i32
      %dma_wait3A_147 = tpu.memref_slice %arg12[%multiple_of3A, %dma_wait3A_146] : memref<10000x128xf32, #tpu.memory_space<vmem_shared>> -> memref<640x128xf32, #tpu.memory_space<vmem_shared>>
      tpu.wait_dma2 semaphore(%run_scoped3A : memref<!tpu.dma_semaphore, #tpu.memory_space<semaphore_mem>>) src(%dma_wait3A_147 : memref<640x128xf32, #tpu.memory_space<vmem_shared>>) dst(%dma_wait3A_145 : memref<640x128xf32, #tpu.memory_space<hbm>>)
      tpu.yield
    }) : () -> ()
    return
  }
}

module attributes {stable_mosaic.version = 14 : i64} {
  func.func @_tc_layer_body(%arg0: memref<2x10000x128xf32, #tpu.memory_space<vmem>>, %arg1: memref<10000x128xf32, #tpu.memory_space<vmem>>, %arg2: memref<128x128xf32, #tpu.memory_space<vmem>>, %arg3: memref<1x128xf32, #tpu.memory_space<vmem>>, %arg4: memref<128x128xf32, #tpu.memory_space<vmem>>, %arg5: memref<1x128xf32, #tpu.memory_space<vmem>>, %arg6: memref<1x128xf32, #tpu.memory_space<vmem>>, %arg7: memref<1x128xf32, #tpu.memory_space<vmem>>, %arg8: memref<10000x128xf32, #tpu.memory_space<vmem>>) attributes {dimension_semantics = [], scalar_prefetch = 0 : i64, scratch_operands = 0 : i64, tpu.core_type = #tpu.core_type<tc>} {
    %get3A = arith.constant 0 : index
    %get3A_0 = arith.constant 0 : index
    %get3A_1 = arith.constant 0 : index
    %get3A_2 = vector.load %arg0[%get3A, %get3A_0, %get3A_1] : memref<2x10000x128xf32, #tpu.memory_space<vmem>>, vector<1x10000x128xf32>
    %get3A_3 = vector.shape_cast %get3A_2 : vector<1x10000x128xf32> to vector<10000x128xf32>
    %get3A_4 = arith.constant 1 : index
    %get3A_5 = arith.constant 0 : index
    %get3A_6 = arith.constant 0 : index
    %get3A_7 = vector.load %arg0[%get3A_4, %get3A_5, %get3A_6] : memref<2x10000x128xf32, #tpu.memory_space<vmem>>, vector<1x10000x128xf32>
    %get3A_8 = vector.shape_cast %get3A_7 : vector<1x10000x128xf32> to vector<10000x128xf32>
    %add3A = arith.addf %get3A_3, %get3A_8 : vector<10000x128xf32>
    %get3A_9 = arith.constant 0 : index
    %get3A_10 = arith.constant 0 : index
    %get3A_11 = vector.load %arg1[%get3A_9, %get3A_10] : memref<10000x128xf32, #tpu.memory_space<vmem>>, vector<10000x128xf32>
    %sub3A = arith.subf %add3A, %get3A_11 : vector<10000x128xf32>
    %get3A_12 = arith.constant 0 : index
    %get3A_13 = arith.constant 0 : index
    %get3A_14 = vector.load %arg2[%get3A_12, %get3A_13] : memref<128x128xf32, #tpu.memory_space<vmem>>, vector<128x128xf32>
    %get3A_15 = arith.constant 0 : index
    %get3A_16 = arith.constant 0 : index
    %get3A_17 = vector.load %arg3[%get3A_15, %get3A_16] : memref<1x128xf32, #tpu.memory_space<vmem>>, vector<1x128xf32>
    %get3A_18 = arith.constant 0 : index
    %get3A_19 = arith.constant 0 : index
    %get3A_20 = vector.load %arg4[%get3A_18, %get3A_19] : memref<128x128xf32, #tpu.memory_space<vmem>>, vector<128x128xf32>
    %get3A_21 = arith.constant 0 : index
    %get3A_22 = arith.constant 0 : index
    %get3A_23 = vector.load %arg5[%get3A_21, %get3A_22] : memref<1x128xf32, #tpu.memory_space<vmem>>, vector<1x128xf32>
    %get3A_24 = arith.constant 0 : index
    %get3A_25 = arith.constant 0 : index
    %get3A_26 = vector.load %arg6[%get3A_24, %get3A_25] : memref<1x128xf32, #tpu.memory_space<vmem>>, vector<1x128xf32>
    %get3A_27 = arith.constant 0 : index
    %get3A_28 = arith.constant 0 : index
    %get3A_29 = vector.load %arg7[%get3A_27, %get3A_28] : memref<1x128xf32, #tpu.memory_space<vmem>>, vector<1x128xf32>
    %dot_general3A = arith.constant dense<0.000000e+00> : vector<10000x128xf32>
    %dot_general3A_30 = tpu.matmul %sub3A, %get3A_14, %dot_general3A {dimension_numbers = #tpu.dot_dimension_numbers<[1], [0], [0], [1], [0, 0, 1, 1], [], []>, transpose_lhs_hint = false} : vector<10000x128xf32>, vector<128x128xf32>, vector<10000x128xf32> -> vector<10000x128xf32>
    %add3A_31 = vector.broadcast %get3A_17 : vector<1x128xf32> to vector<10000x128xf32>
    %add3A_32 = arith.addf %dot_general3A_30, %add3A_31 : vector<10000x128xf32>
    %max3A = arith.constant 0.000000e+00 : f32
    %max3A_33 = vector.broadcast %max3A : f32 to vector<10000x128xf32>
    %max3A_34 = arith.maximumf %add3A_32, %max3A_33 : vector<10000x128xf32>
    %dot_general3A_35 = arith.constant dense<0.000000e+00> : vector<10000x128xf32>
    %dot_general3A_36 = tpu.matmul %max3A_34, %get3A_20, %dot_general3A_35 {dimension_numbers = #tpu.dot_dimension_numbers<[1], [0], [0], [1], [0, 0, 1, 1], [], []>, transpose_lhs_hint = false} : vector<10000x128xf32>, vector<128x128xf32>, vector<10000x128xf32> -> vector<10000x128xf32>
    %add3A_37 = vector.broadcast %get3A_23 : vector<1x128xf32> to vector<10000x128xf32>
    %add3A_38 = arith.addf %dot_general3A_36, %add3A_37 : vector<10000x128xf32>
    %reduce_sum3A = arith.constant dense<0.000000e+00> : vector<128xf32>
    %reduce_sum3A_39 = vector.multi_reduction <add>, %add3A_38, %reduce_sum3A [0] : vector<10000x128xf32> to vector<128xf32>
    %broadcast_in_dim3A = vector.shape_cast %reduce_sum3A_39 : vector<128xf32> to vector<1x128xf32>
    %div3A = arith.constant 1.000000e+04 : f32
    %div3A_40 = vector.broadcast %div3A : f32 to vector<1x128xf32>
    %div3A_41 = arith.divf %broadcast_in_dim3A, %div3A_40 : vector<1x128xf32>
    %sub3A_42 = vector.broadcast %div3A_41 : vector<1x128xf32> to vector<10000x128xf32>
    %sub3A_43 = arith.subf %add3A_38, %sub3A_42 : vector<10000x128xf32>
    %mul3A = arith.mulf %sub3A_43, %sub3A_43 : vector<10000x128xf32>
    %reduce_sum3A_44 = arith.constant dense<0.000000e+00> : vector<128xf32>
    %reduce_sum3A_45 = vector.multi_reduction <add>, %mul3A, %reduce_sum3A_44 [0] : vector<10000x128xf32> to vector<128xf32>
    %broadcast_in_dim3A_46 = vector.shape_cast %reduce_sum3A_45 : vector<128xf32> to vector<1x128xf32>
    %div3A_47 = arith.constant 1.000000e+04 : f32
    %div3A_48 = vector.broadcast %div3A_47 : f32 to vector<1x128xf32>
    %div3A_49 = arith.divf %broadcast_in_dim3A_46, %div3A_48 : vector<1x128xf32>
    %add3A_50 = arith.constant 9.99999974E-6 : f32
    %add3A_51 = vector.broadcast %add3A_50 : f32 to vector<1x128xf32>
    %add3A_52 = arith.addf %div3A_49, %add3A_51 : vector<1x128xf32>
    %rsqrt3A = math.rsqrt %add3A_52 : vector<1x128xf32>
    %mul3A_53 = vector.broadcast %rsqrt3A : vector<1x128xf32> to vector<10000x128xf32>
    %mul3A_54 = arith.mulf %sub3A_43, %mul3A_53 : vector<10000x128xf32>
    %mul3A_55 = vector.broadcast %get3A_26 : vector<1x128xf32> to vector<10000x128xf32>
    %mul3A_56 = arith.mulf %mul3A_54, %mul3A_55 : vector<10000x128xf32>
    %add3A_57 = vector.broadcast %get3A_29 : vector<1x128xf32> to vector<10000x128xf32>
    %add3A_58 = arith.addf %mul3A_56, %add3A_57 : vector<10000x128xf32>
    %max3A_59 = arith.constant 0.000000e+00 : f32
    %max3A_60 = vector.broadcast %max3A_59 : f32 to vector<10000x128xf32>
    %max3A_61 = arith.maximumf %add3A_58, %max3A_60 : vector<10000x128xf32>
    %swap3A = arith.constant 0 : index
    %swap3A_62 = arith.constant 0 : index
    %swap3A_63 = vector.load %arg8[%swap3A, %swap3A_62] : memref<10000x128xf32, #tpu.memory_space<vmem>>, vector<10000x128xf32>
    tpu.vector_store %arg8[%swap3A, %swap3A_62], %max3A_61 {strides = array<i32>} : memref<10000x128xf32, #tpu.memory_space<vmem>>, vector<10000x128xf32>,
    return
  }
}

module attributes {stable_mosaic.version = 14 : i64} {
  func.func @_tc_final_body(%arg0: memref<2x10000x128xf32, #tpu.memory_space<vmem>>, %arg1: memref<10000x128xf32, #tpu.memory_space<vmem>>, %arg2: memref<128x128xf32, #tpu.memory_space<vmem>>, %arg3: memref<1x128xf32, #tpu.memory_space<vmem>>, %arg4: memref<128x128xf32, #tpu.memory_space<vmem>>, %arg5: memref<1x128xf32, #tpu.memory_space<vmem>>, %arg6: memref<1x128xf32, #tpu.memory_space<vmem>>, %arg7: memref<1x128xf32, #tpu.memory_space<vmem>>, %arg8: memref<1x10000xi32, #tpu.memory_space<vmem>>, %arg9: memref<128x128xf32, #tpu.memory_space<vmem>>, %arg10: memref<1x128xf32, #tpu.memory_space<vmem>>, %arg11: memref<128x64xf32, #tpu.memory_space<vmem>>, %arg12: memref<1x64xf32, #tpu.memory_space<vmem>>, %arg13: memref<16x64xf32, #tpu.memory_space<vmem>>) attributes {dimension_semantics = [], scalar_prefetch = 0 : i64, scratch_operands = 0 : i64, tpu.core_type = #tpu.core_type<tc>} {
    %get3A = arith.constant 0 : index
    %get3A_0 = arith.constant 0 : index
    %get3A_1 = arith.constant 0 : index
    %get3A_2 = vector.load %arg0[%get3A, %get3A_0, %get3A_1] : memref<2x10000x128xf32, #tpu.memory_space<vmem>>, vector<1x10000x128xf32>
    %get3A_3 = vector.shape_cast %get3A_2 : vector<1x10000x128xf32> to vector<10000x128xf32>
    %get3A_4 = arith.constant 1 : index
    %get3A_5 = arith.constant 0 : index
    %get3A_6 = arith.constant 0 : index
    %get3A_7 = vector.load %arg0[%get3A_4, %get3A_5, %get3A_6] : memref<2x10000x128xf32, #tpu.memory_space<vmem>>, vector<1x10000x128xf32>
    %get3A_8 = vector.shape_cast %get3A_7 : vector<1x10000x128xf32> to vector<10000x128xf32>
    %add3A = arith.addf %get3A_3, %get3A_8 : vector<10000x128xf32>
    %get3A_9 = arith.constant 0 : index
    %get3A_10 = arith.constant 0 : index
    %get3A_11 = vector.load %arg1[%get3A_9, %get3A_10] : memref<10000x128xf32, #tpu.memory_space<vmem>>, vector<10000x128xf32>
    %sub3A = arith.subf %add3A, %get3A_11 : vector<10000x128xf32>
    %get3A_12 = arith.constant 0 : index
    %get3A_13 = arith.constant 0 : index
    %get3A_14 = vector.load %arg2[%get3A_12, %get3A_13] : memref<128x128xf32, #tpu.memory_space<vmem>>, vector<128x128xf32>
    %get3A_15 = arith.constant 0 : index
    %get3A_16 = arith.constant 0 : index
    %get3A_17 = vector.load %arg3[%get3A_15, %get3A_16] : memref<1x128xf32, #tpu.memory_space<vmem>>, vector<1x128xf32>
    %get3A_18 = arith.constant 0 : index
    %get3A_19 = arith.constant 0 : index
    %get3A_20 = vector.load %arg4[%get3A_18, %get3A_19] : memref<128x128xf32, #tpu.memory_space<vmem>>, vector<128x128xf32>
    %get3A_21 = arith.constant 0 : index
    %get3A_22 = arith.constant 0 : index
    %get3A_23 = vector.load %arg5[%get3A_21, %get3A_22] : memref<1x128xf32, #tpu.memory_space<vmem>>, vector<1x128xf32>
    %get3A_24 = arith.constant 0 : index
    %get3A_25 = arith.constant 0 : index
    %get3A_26 = vector.load %arg6[%get3A_24, %get3A_25] : memref<1x128xf32, #tpu.memory_space<vmem>>, vector<1x128xf32>
    %get3A_27 = arith.constant 0 : index
    %get3A_28 = arith.constant 0 : index
    %get3A_29 = vector.load %arg7[%get3A_27, %get3A_28] : memref<1x128xf32, #tpu.memory_space<vmem>>, vector<1x128xf32>
    %dot_general3A = arith.constant dense<0.000000e+00> : vector<10000x128xf32>
    %dot_general3A_30 = tpu.matmul %sub3A, %get3A_14, %dot_general3A {dimension_numbers = #tpu.dot_dimension_numbers<[1], [0], [0], [1], [0, 0, 1, 1], [], []>, transpose_lhs_hint = false} : vector<10000x128xf32>, vector<128x128xf32>, vector<10000x128xf32> -> vector<10000x128xf32>
    %add3A_31 = vector.broadcast %get3A_17 : vector<1x128xf32> to vector<10000x128xf32>
    %add3A_32 = arith.addf %dot_general3A_30, %add3A_31 : vector<10000x128xf32>
    %max3A = arith.constant 0.000000e+00 : f32
    %max3A_33 = vector.broadcast %max3A : f32 to vector<10000x128xf32>
    %max3A_34 = arith.maximumf %add3A_32, %max3A_33 : vector<10000x128xf32>
    %dot_general3A_35 = arith.constant dense<0.000000e+00> : vector<10000x128xf32>
    %dot_general3A_36 = tpu.matmul %max3A_34, %get3A_20, %dot_general3A_35 {dimension_numbers = #tpu.dot_dimension_numbers<[1], [0], [0], [1], [0, 0, 1, 1], [], []>, transpose_lhs_hint = false} : vector<10000x128xf32>, vector<128x128xf32>, vector<10000x128xf32> -> vector<10000x128xf32>
    %add3A_37 = vector.broadcast %get3A_23 : vector<1x128xf32> to vector<10000x128xf32>
    %add3A_38 = arith.addf %dot_general3A_36, %add3A_37 : vector<10000x128xf32>
    %reduce_sum3A = arith.constant dense<0.000000e+00> : vector<128xf32>
    %reduce_sum3A_39 = vector.multi_reduction <add>, %add3A_38, %reduce_sum3A [0] : vector<10000x128xf32> to vector<128xf32>
    %broadcast_in_dim3A = vector.shape_cast %reduce_sum3A_39 : vector<128xf32> to vector<1x128xf32>
    %div3A = arith.constant 1.000000e+04 : f32
    %div3A_40 = vector.broadcast %div3A : f32 to vector<1x128xf32>
    %div3A_41 = arith.divf %broadcast_in_dim3A, %div3A_40 : vector<1x128xf32>
    %sub3A_42 = vector.broadcast %div3A_41 : vector<1x128xf32> to vector<10000x128xf32>
    %sub3A_43 = arith.subf %add3A_38, %sub3A_42 : vector<10000x128xf32>
    %mul3A = arith.mulf %sub3A_43, %sub3A_43 : vector<10000x128xf32>
    %reduce_sum3A_44 = arith.constant dense<0.000000e+00> : vector<128xf32>
    %reduce_sum3A_45 = vector.multi_reduction <add>, %mul3A, %reduce_sum3A_44 [0] : vector<10000x128xf32> to vector<128xf32>
    %broadcast_in_dim3A_46 = vector.shape_cast %reduce_sum3A_45 : vector<128xf32> to vector<1x128xf32>
    %div3A_47 = arith.constant 1.000000e+04 : f32
    %div3A_48 = vector.broadcast %div3A_47 : f32 to vector<1x128xf32>
    %div3A_49 = arith.divf %broadcast_in_dim3A_46, %div3A_48 : vector<1x128xf32>
    %add3A_50 = arith.constant 9.99999974E-6 : f32
    %add3A_51 = vector.broadcast %add3A_50 : f32 to vector<1x128xf32>
    %add3A_52 = arith.addf %div3A_49, %add3A_51 : vector<1x128xf32>
    %rsqrt3A = math.rsqrt %add3A_52 : vector<1x128xf32>
    %mul3A_53 = vector.broadcast %rsqrt3A : vector<1x128xf32> to vector<10000x128xf32>
    %mul3A_54 = arith.mulf %sub3A_43, %mul3A_53 : vector<10000x128xf32>
    %mul3A_55 = vector.broadcast %get3A_26 : vector<1x128xf32> to vector<10000x128xf32>
    %mul3A_56 = arith.mulf %mul3A_54, %mul3A_55 : vector<10000x128xf32>
    %add3A_57 = vector.broadcast %get3A_29 : vector<1x128xf32> to vector<10000x128xf32>
    %add3A_58 = arith.addf %mul3A_56, %add3A_57 : vector<10000x128xf32>
    %max3A_59 = arith.constant 0.000000e+00 : f32
    %max3A_60 = vector.broadcast %max3A_59 : f32 to vector<10000x128xf32>
    %max3A_61 = arith.maximumf %add3A_58, %max3A_60 : vector<10000x128xf32>
    %iota3A = tpu.iota {dimensions = array<i32: 0>} : vector<16x10000xi32>
    %get3A_62 = arith.constant 0 : index
    %get3A_63 = arith.constant 0 : index
    %get3A_64 = vector.load %arg8[%get3A_62, %get3A_63] : memref<1x10000xi32, #tpu.memory_space<vmem>>, vector<1x10000xi32>
    %eq3A = vector.broadcast %get3A_64 : vector<1x10000xi32> to vector<16x10000xi32>
    %eq3A_65 = arith.cmpi eq, %iota3A, %eq3A : vector<16x10000xi32>
    %convert_element_type3A = arith.extui %eq3A_65 : vector<16x10000xi1> to vector<16x10000xi32>
    %convert_element_type3A_66 = arith.sitofp %convert_element_type3A : vector<16x10000xi32> to vector<16x10000xf32>
    %dot_general3A_67 = arith.constant dense<0.000000e+00> : vector<16x128xf32>
    %dot_general3A_68 = tpu.matmul %convert_element_type3A_66, %max3A_61, %dot_general3A_67 {dimension_numbers = #tpu.dot_dimension_numbers<[1], [0], [0], [1], [0, 0, 1, 1], [], []>, transpose_lhs_hint = false} : vector<16x10000xf32>, vector<10000x128xf32>, vector<16x128xf32> -> vector<16x128xf32>
    %get3A_69 = arith.constant 0 : index
    %get3A_70 = arith.constant 0 : index
    %get3A_71 = vector.load %arg9[%get3A_69, %get3A_70] : memref<128x128xf32, #tpu.memory_space<vmem>>, vector<128x128xf32>
    %dot_general3A_72 = arith.constant dense<0.000000e+00> : vector<16x128xf32>
    %dot_general3A_73 = tpu.matmul %dot_general3A_68, %get3A_71, %dot_general3A_72 {dimension_numbers = #tpu.dot_dimension_numbers<[1], [0], [0], [1], [0, 0, 1, 1], [], []>, transpose_lhs_hint = false} : vector<16x128xf32>, vector<128x128xf32>, vector<16x128xf32> -> vector<16x128xf32>
    %get3A_74 = arith.constant 0 : index
    %get3A_75 = arith.constant 0 : index
    %get3A_76 = vector.load %arg10[%get3A_74, %get3A_75] : memref<1x128xf32, #tpu.memory_space<vmem>>, vector<1x128xf32>
    %add3A_77 = vector.broadcast %get3A_76 : vector<1x128xf32> to vector<16x128xf32>
    %add3A_78 = arith.addf %dot_general3A_73, %add3A_77 : vector<16x128xf32>
    %max3A_79 = arith.constant 0.000000e+00 : f32
    %max3A_80 = vector.broadcast %max3A_79 : f32 to vector<16x128xf32>
    %max3A_81 = arith.maximumf %add3A_78, %max3A_80 : vector<16x128xf32>
    %get3A_82 = arith.constant 0 : index
    %get3A_83 = arith.constant 0 : index
    %get3A_84 = vector.load %arg11[%get3A_82, %get3A_83] : memref<128x64xf32, #tpu.memory_space<vmem>>, vector<128x64xf32>
    %dot_general3A_85 = arith.constant dense<0.000000e+00> : vector<16x64xf32>
    %dot_general3A_86 = tpu.matmul %max3A_81, %get3A_84, %dot_general3A_85 {dimension_numbers = #tpu.dot_dimension_numbers<[1], [0], [0], [1], [0, 0, 1, 1], [], []>, transpose_lhs_hint = false} : vector<16x128xf32>, vector<128x64xf32>, vector<16x64xf32> -> vector<16x64xf32>
    %get3A_87 = arith.constant 0 : index
    %get3A_88 = arith.constant 0 : index
    %get3A_89 = vector.load %arg12[%get3A_87, %get3A_88] : memref<1x64xf32, #tpu.memory_space<vmem>>, vector<1x64xf32>
    %add3A_90 = vector.broadcast %get3A_89 : vector<1x64xf32> to vector<16x64xf32>
    %add3A_91 = arith.addf %dot_general3A_86, %add3A_90 : vector<16x64xf32>
    %swap3A = arith.constant 0 : index
    %swap3A_92 = arith.constant 0 : index
    %swap3A_93 = vector.load %arg13[%swap3A, %swap3A_92] : memref<16x64xf32, #tpu.memory_space<vmem>>, vector<16x64xf32>
    tpu.vector_store %arg13[%swap3A, %swap3A_92], %add3A_91 {strides = array<i32>} : memref<16x64xf32, #tpu.memory_space<vmem>>, vector<16x64xf32>,
    return
  }
}

</mosaic_0001>

<sc_bundles>
// kernel: kernel.11.cloned.1.call-start
scs
__scs_entry_jumppad:
0x0: {  	(pc) =	sbr.rel $0x88, $3  }
0x1: {  	(tag) =	ssettag $0x0;
	lr =	simm.s32 $0x1  }
0x2: {  	[smem:$0x3F88] =	sst lr;
	_ =	strace $0xD0000000  }
0x3: {  	_ = 	snop  }
0x4: {  	_ = 	snop  }
0x5: {  	_ = 	snop  }
0x6: {  	_ = 	snop  }
0x7: {  	_ = 	snop  }
__scs_overlays_trampoline_lowered:
0x8: {  	[smem:$0x3F97] =	sst s0  }
0x9: {  	[smem:$0x3F98] =	sst s1  }
0xa: {  	[smem:$0x3F99] =	sst s2  }
0xb: {  	[smem:$0x3F9A] =	sst s3  }
0xc: {  	[smem:$0x3F9B] =	sst s4  }
0xd: {  	[smem:$0x3F9C] =	sst s5  }
0xe: {  	[smem:$0x3F9D] =	sst s6  }
0xf: {  	[smem:$0x3F9E] =	sst s7  }
0x10: {  	[smem:$0x3F9F] =	sst s8  }
0x11: {  	[smem:$0x3FA0] =	sst s9;
	s0 =	simm.s32 @!p0 $0x0  }
0x12: {  	s1 =	sld [smem:$0x3F86];
	s0 =	simm.s32 @p0 $0x1  }
0x13: {  	[smem:$0x3FA1] =	sst s0;
	s0 =	simm.s32 @!p1 $0x0  }
0x14: {  	s2 =	sld [smem:$0x3F85];
	s0 =	simm.s32 @p1 $0x1  }
0x15: {  	[smem:$0x3FA2] =	sst s0;
	s0 =	simm.s32 @!p2 $0x0  }
0x16: {  	s3 =	sld [smem:$0x3FDB];
	s0 =	simm.s32 @p2 $0x1  }
0x17: {  	s4 =	simm.s32 $0x1BF5;
	[smem:$0x3FA4] =	sst s0  }
0x18: {  	s0 =	sld [smem:$0x3F87];
	_ =	swait.ge [sflag:s4], $0x0  }
0x19: {  	s7 =	sld [smem:$0x3F88]  }
0x1a: {  	s8 =	sadd.s32 $0xFFFFE003, lr  }
0x1b: {  	s9 =	sadd.s32 $0xFFFFFEF7, lr;
	s5 =	simm.s32 $0xFFFFFFFF;
	p2 =	slt.u32 s8, $0xFFFFF086  }
0x1c: {  	p1 =	slt.u32 s9, $0xF7A;
	s5 =	simm.s32 @!p2 $0x0  }
0x1d: {  	s5 =	simm.s32 @p1 $0x1;
	p0 =	seq.s32 s7, s2  }
0x1e: {  	s7 =	smul.u32 @!p0 $0xF7A, s2;
	p2 =	seq.s32 @!p0 s5, $0x0  }
0x1f: {  	s9 =	smul.u32 $0xF7A, s1;
	s8 =	simm.s32 @!p0 $0x1BF5;
	p2 =	por !p2, p0  }
0x20: {  	[sflag:s8] =	ssyncset.s32 @!p0 $0xFFFFF086;
	s6 =	sadd.s32 @!p0 s3, s7;
	s7 =	simm.s32 @!p0 $0x108  }
0x21: {  	s3 =	sadd.s32 s3, s9;
	s6 =	sadd.s32 @!p0 $0x88, s6;
	s7 =	simm.s32 @p2 $0x1082  }
0x22: {  	[simem:s7], [sflag:s8] =	dma.local @!p0 [hbm:s6], $0xF7A  }
0x23: {  	s9 =	sor.u32 $0xD0000000, s2;
	s6 =	simm.s32 $0x108;
	_ =	swait.ge @!p0 [sflag:s8], $0x0  }
0x24: {  	s3 =	sadd.s32 $0x88, s3;
	s6 =	simm.s32 @!p1 $0x1082;
	[sflag:s4] =	ssyncset.s32 $0xFFFFF086  }
0x25: {  	[simem:s6], [sflag:s4] =	dma.local [hbm:s3], $0xF7A  }
0x26: {  	[smem:$0x3F88] =	sst s1;
	(tag) =	ssettag s2;
	_ =	strace s9  }
0x27: {  	s1 =	sld [smem:$0x3F98]  }
0x28: {  	s2 =	sld [smem:$0x3F99]  }
0x29: {  	s4 =	sld [smem:$0x3F9B]  }
0x2a: {  	p0 =	seq.s32 s5, $0x0;
	s5 =	sld [smem:$0x3F9C]  }
0x2b: {  	s6 =	sld [smem:$0x3F9D]  }
0x2c: {  	s7 =	sld [smem:$0x3F9E]  }
0x2d: {  	s3 =	simm.s32 $0x108;
	s8 =	sld [smem:$0x3F9F]  }
0x2e: {  	s3 =	simm.s32 @!p0 $0x1082;
	s9 =	sld [smem:$0x3FA0]  }
0x2f: {  	lr =	sadd.s32 s0, s3;
	s0 =	sld [smem:$0x3F97]  }
0x30: {  	s3 =	sld [smem:$0x3F9A]  }
0x31: {  	[smem:$0x3FA3] =	sst s10  }
0x32: {  	s10 =	sld [smem:$0x3FA1];
	_ =	sdelay $0x3  }
0x33: {  	p0 =	seq.s32 s10, $0x1;
	s10 =	sld [smem:$0x3FA3];
	_ =	sdelay $0x3  }
0x34: {  	[smem:$0x3FA3] =	sst s10  }
0x35: {  	s10 =	sld [smem:$0x3FA2];
	_ =	sdelay $0x3  }
0x36: {  	p1 =	seq.s32 s10, $0x1;
	s10 =	sld [smem:$0x3FA3];
	_ =	sdelay $0x3  }
0x37: {  	[smem:$0x3FA3] =	sst s10  }
0x38: {  	s10 =	sld [smem:$0x3FA4]  }
0x39: {  	_ = 	snop;
	(pc) =	sbr.ind lr, $3  }
0x3a: {  	_ = 	snop  }
0x3b: {  	_ = 	snop  }
0x3c: {  	p2 =	seq.s32 s10, $0x1;
	s10 =	sld [smem:$0x3FA3]  }
0x3d: {  	_ =	shalt  }
0x3e: {  	_ =	shalt  }
0x3f: {  	_ =	shalt  }
0x40: {  	_ =	shalt  }
0x41: {  	_ =	shalt  }
0x42: {  	_ =	shalt  }
0x43: {  	_ =	shalt  }
0x44: {  	_ =	shalt  }
0x45: {  	_ =	shalt  }
0x46: {  	_ =	shalt  }
0x47: {  	_ =	shalt  }
0x48: {  	_ =	shalt  }
0x49: {  	_ =	shalt  }
0x4a: {  	_ =	shalt  }
0x4b: {  	_ =	shalt  }
0x4c: {  	_ =	shalt  }
0x4d: {  	_ =	shalt  }
0x4e: {  	_ =	shalt  }
0x4f: {  	_ =	shalt  }
0x50: {  	_ =	shalt  }
0x51: {  	_ =	shalt  }
0x52: {  	_ =	shalt  }
0x53: {  	_ =	shalt  }
0x54: {  	_ =	shalt  }
0x55: {  	_ =	shalt  }
0x56: {  	_ =	shalt  }
0x57: {  	_ =	shalt  }
0x58: {  	_ =	shalt  }
0x59: {  	_ =	shalt  }
0x5a: {  	_ =	shalt  }
0x5b: {  	_ =	shalt  }
0x5c: {  	_ =	shalt  }
0x5d: {  	_ =	shalt  }
0x5e: {  	_ =	shalt  }
0x5f: {  	_ =	shalt  }
0x60: {  	_ =	shalt  }
0x61: {  	_ =	shalt  }
0x62: {  	_ =	shalt  }
0x63: {  	_ =	shalt  }
0x64: {  	_ =	shalt  }
0x65: {  	_ =	shalt  }
0x66: {  	_ =	shalt  }
0x67: {  	_ =	shalt  }
0x68: {  	_ =	shalt  }
0x69: {  	_ =	shalt  }
0x6a: {  	_ =	shalt  }
0x6b: {  	_ =	shalt  }
0x6c: {  	_ =	shalt  }
0x6d: {  	_ =	shalt  }
0x6e: {  	_ =	shalt  }
0x6f: {  	_ =	shalt  }
0x70: {  	_ =	shalt  }
0x71: {  	_ =	shalt  }
0x72: {  	_ =	shalt  }
0x73: {  	_ =	shalt  }
0x74: {  	_ =	shalt  }
0x75: {  	_ =	shalt  }
0x76: {  	_ =	shalt  }
0x77: {  	_ =	shalt  }
0x78: {  	_ =	shalt  }
0x79: {  	_ =	shalt  }
0x7a: {  	_ =	shalt  }
0x7b: {  	_ =	shalt  }
0x7c: {  	_ =	shalt  }
0x7d: {  	_ =	shalt  }
0x7e: {  	_ =	shalt  }
0x7f: {  	_ =	shalt  }
0x80: {  	_ =	shalt  }
0x81: {  	_ =	shalt  }
0x82: {  	_ =	shalt  }
0x83: {  	_ =	shalt  }
0x84: {  	_ =	shalt  }
0x85: {  	_ =	shalt  }
0x86: {  	_ =	shalt  }
0x87: {  	_ =	shalt  }
.Lfunc_end0:
.L_simem_size_0:
called_computation.1_lowered:
.L_overlay_start_0:
0x88: {  	s2 =	sld [smem:$0x3FD9]  }
0x89: {  	s3 =	sld [smem:$0x3FFE];
	_ =	sdelay $0x1  }
0x8a: {  	s1 =	srdreg.scid  }
0x8b: {  	s0 =	sand.u32 $0x1, s1  }
0x8c: {  	s16 =	sshll.u32 s0, $0xA;
	s2 =	sadd.s32 s3, s2  }
0x8d: {  	s2 =	sadd.s32 s2, s16  }
0x8e: {  	[smem:$0x3FAF] =	sst s2  }
0x8f: {  	_ = 	snop  }
0x90: {  	(tm) =	ssettm $0x1  }
0x91: {  	s17 =	sld [smem:$0x3FFB];
	_ =	sdelay $0x3  }
0x92: {  	_ =	strace s17  }
0x93: {  	s2 =	sld [smem:$0x3FFC];
	_ =	sdelay $0x3  }
0x94: {  	_ =	strace s2  }
0x95: {  	s2 =	sld [smem:$0x3FFD];
	_ =	sdelay $0x3  }
0x96: {  	_ =	strace s2  }
0x97: {  	_ =	strace $0x8FFFFFFF  }
0x98: {  	s18 =	sld [smem:$0x3FDB];
	_ =	sdelay $0x1  }
0x99: {  	s19 =	simm.s32 $_scs_section_size  }
0x9a: {  	s4 =	simm.s32 $_size__tile_overlayer_lowered;
	s5 =	simm.s32 $_tile_overlayer_lowered  }
0x9b: {  	s22 =	simm.s32 $0x1BFF;
	s21 =	sshll.u32 s5, $0x1;
	s2 =	sadd.s32 s19, s18  }
0x9c: {  	s6 =	simm.s32 $0x0;
	s20 =	sshll.u32 s4, $0x1;
	s4 =	sadd.s32 s21, s2  }
0x9d: {  	[timem:s6], [sflag:s22] =	dma.local [hbm:s4], s20  }
0x9e: {  	_ =	swait.ge [sflag:s22], s20  }
0x9f: {  	s3 =	ssub.s32 $0x0, s20;
	[sflag:s22] =	ssyncset.done $0x0  }
0xa0: {  	[sflag:s22] =	ssyncadd.s32 s3;
	_ =	sdelay $0x1  }
0xa1: {  	s23 =	simm.s32 $0x1B8B  }
0xa2: {  	_ =	swait.ge [sflag:s23], $0x1  }
0xa3: {  	[sflag:s23] =	ssyncset.done $0x0  }
0xa4: {  	s25 =	simm.s32 $0x1B8E;
	s24 =	sld [smem:$0x3FFE];
	[sflag:s23] =	ssyncadd.s32 $0xFFFFFFFF  }
0xa5: {  	s26 =	simm.s32 $execute0_lowered;
	[smem:$0x3FD2] =	sst s25  }
0xa6: {  	s4 =	sshll.u32 s26, $0x1;
	_ =	strace $0x80000049;
	[dreg:$0x1] =	wrdreg $0xFFFFFFFF  }
0xa7: {  	s28 =	simm.s32 $_size_execute0_lowered;
	s2 =	sadd.s32 s2, s4;
	[dreg:$0x0] =	wrdreg $0x0  }
0xa8: {  	s4 =	sshll.u32 s28, $0x1;
	[dreg:$0x2] =	wrdreg s2  }
0xa9: {  	[dreg:$0x3] =	wrdreg s4  }
0xaa: {  	[dreg:$0x4] =	wrdreg $0xC0  }
0xab: {  	_ =	task [dreg:s6], $0x5FFFF  }
0xac: {  	[dreg:$0x1] =	wrdreg $0xFFFFFFFF  }
0xad: {  	[dreg:$0x0] =	wrdreg $0x60  }
0xae: {  	[dreg:$0x2] =	wrdreg s24  }
0xaf: {  	[dreg:$0x3] =	wrdreg $0xC7800  }
0xb0: {  	[dreg:$0x4] =	wrdreg $0x9  }
0xb1: {  	_ =	task.clear_ibuf [dreg:s6], $0x5FFFF;
	_ =	strace $0x90000049  }
0xb2: {  	s29 =	simm.s32 $0x9;
	_ =	strace $0x8000004B  }
0xb3: {  	_ =	swait.ge [sflag:s29], $0x1  }
0xb4: {  	[sflag:s29] =	ssyncadd.s32 $0xFFFFFFFF  }
0xb5: {  	_ =	strace $0x9000004B  }
0xb6: {  	_ =	sfence  }
0xb7: {  	s30 =	sld [smem:$0x0];
	_ =	sdelay $0x2  }
0xb8: {  	s31 =	sshll.u32 s1, $0xD;
	s1 =	sshrl.u32 s1, $0x2  }
0xb9: {  	s3 =	sand.u32 $0x4000, s31;
	s1 =	sadd.s32 s1, s30  }
0xba: {  	s0 =	sor.u32 s3, s0;
	s1 =	sshll.u32 s1, $0x11  }
0xbb: {  	s0 =	sor.u32 s1, s0  }
0xbc: {  	s0 =	sadd.s32 $0x8F2B, s0  }
0xbd: {  	[sflag:s0] =	ssyncadd.remote.s32 $0x1  }
0xbe: {  	_ =	sfence.sel $0xFFFF  }
0xbf: {  	[dreg:$0x0] =	wrdreg $0xFFFFFFFF;
	(pc) =	sbr.abs _section_cstart, $3  }
0xc0: {  	[dreg:$0x1] =	wrdreg $0xFFFFFFFF  }
0xc1: {  	_ =	task.clear_ibuf [dreg:s6], $0x2FFFF;
	_ =	strace $0x9FFFFFFF  }
0xc2: {  	(tm) =	ssettm $0x7FFFFFFF  }
0xc3: {  	_ =	shalt  }
tec
execute0_lowered:
.L_overlay_start_1:
0x0: {  	(tag) =	ssettag $0x1  }
0x1: {  	s1 =	srdreg.scid;
	s0 =	stileid.u32  }
0x2: {  	s5 =	rddreg [dreg:$0x0];
	s12 =	simm.s32 $0x2780;
	s14 =	simm.s32 $0x4  }
0x3: {  	s15 =	simm.s32 $0x50;
	s16 =	simm.s32 $0x4F80;
	s17 =	simm.s32 $0x7780  }
0x4: {  	s18 =	simm.s32 $0x5;
	s19 =	simm.s32 $0x6;
	s20 =	simm.s32 $0x9F80  }
0x5: {  	s21 =	simm.s32 $0x1;
	s22 =	simm.s32 $0x4F00;
	s23 =	simm.s32 $0x7  }
0x6: {  	s24 =	simm.s32 $0x2;
	s25 =	simm.s32 $0x3;
	s26 =	simm.s32 $0x0  }
0x7: {  	s1 =	sand.u32 $0x1, s1;
	s2 =	sshll.u32 s0, $0x1;
	s7 =	smul.u32 $0x13800, s0  }
0x8: {  	s4 =	sadd.s32 $0x18400, s5;
	s10 =	smul.u32 $0x4E000, s0;
	s3 =	sor.u32 s1, s2  }
0x9: {  	s2 =	rddreg [dreg:$0x1];
	s8 =	smul.u32 $0x138800, s1;
	s1 =	ssub.s32 $0x2, s1  }
0xa: {  	s6 =	smul.u32 $0x4E2, s3;
	s3 =	simm.s32 $0x0;
	s9 =	sshrl.u32 s1, $0x1  }
0xb: {  	s31 =	sshrl.u32 s10, $0x2;
	[smem:$0x7FF] =	sst s3;
	s8 =	sadd.s32 s7, s8  }
0xc: {  	s1 =	ssub.s32 s1, s9;
	s7 =	sshrl.u32 s7, $0x3;
	s13 =	sadd.s32 s31, s2  }
0xd: {  	_ =	strace $0x8000004A;
	s6 =	sadd.s32 s6, s5;
	s8 =	sshrl.u32 s8, $0x3  }
0xe: {  	s7 =	sadd.s32 s4, s7;
	s13 =	sshrl.u32 s13, $0x3;
	s11 =	sadd.s32 s8, s5  }
0xf: {  	s5 =	sadd.s32 $0xE600, s6;
	s6 =	sadd.s32 $0x4800, s6;
	s8 =	sshll.u32 s0, $0x6  }
0x10: {  	s9 =	sor.u32 $0x1C06, s8;
	s10 =	sadd.s32 $0x3F600, s11;
	s11 =	smax.u32 s1, $0x1  }
.LBB2_1:
0x11: {  	[tilespmem:s3], [sflag:$0x4] =	stream.linear.gather [hbm4b:s5+s3], $0x2710, $0x38;
	v63 =	vld [tilespmem:$0x0]  }
0x12: {  	_ = 	snop  }
0x13: {  	[tilespmem:s12], [sflag:$0x5] =	stream.linear.gather [hbm4b:s6+s3], $0x2710, $0x38;
	v63 =	vld [tilespmem:$0x0]  }
0x14: {  	[spmem:s13], [sflag:s9] =	dma.local [hbm:s7], $0x2800  }
0x15: {  	_ =	swait.ge [sflag:s14], $0x2710  }
0x16: {  	[sflag:s14] =	ssyncset.done $0x0  }
0x17: {  	[sflag:s14] =	ssyncadd.s32 $0xFFFFD8F0  }
0x18: {  	[tilespmem:s16], [sflag:$0x1] =	stream.indirect.gather [hbm4b:s4+s15], $0x80, s3, s15, $0xb8;
	v63 =	vld [tilespmem:$0x0]  }
0x19: {  	_ = 	snop  }
0x1a: {  	[tilespmem:s17], [sflag:$0x2] =	stream.indirect.gather [hbm4b:s4+s15], $0x80, s15, s15, $0xb8;
	v63 =	vld [tilespmem:$0x0]  }
0x1b: {  	_ =	swait.ge [sflag:s18], $0x2710  }
0x1c: {  	[sflag:s18] =	ssyncset.done $0x0  }
0x1d: {  	[sflag:s18] =	ssyncadd.s32 $0xFFFFD8F0  }
0x1e: {  	_ =	swait.ge [sflag:s19], $0x2800  }
0x1f: {  	[sflag:s19] =	ssyncset.done $0x0  }
0x20: {  	[sflag:s19] =	ssyncadd.s32 $0xFFFFD800  }
0x21: {  	s28 =	simm.s32 $0x27F0;
	s1 =	simm.s32 $0xA0;
	[bflag:$0x0] =	sbarrier.arrive $0xFFFF  }
0x22: {  	[tilespmem:s20], [sflag:$0x3] =	stream.indirect.gather [hbm4b:s4+s15], $0x80, s1, s15, $0xb8;
	v63 =	vld [tilespmem:$0x0]  }
0x23: {  	v0 =	vld [tilespmem:s28+$0xFFFFFF90];
	_ =	sdelay $0x4  }
0x24: {  	[tilespmem:$0x4F00] =	vst v0  }
0x25: {  	v0 =	vld [tilespmem:s28+$0xFFFFFFA0];
	_ =	sdelay $0x4  }
0x26: {  	[tilespmem:$0x4F10] =	vst v0  }
0x27: {  	v0 =	vld [tilespmem:s28+$0xFFFFFFB0];
	_ =	sdelay $0x4  }
0x28: {  	[tilespmem:$0x4F20] =	vst v0  }
0x29: {  	v0 =	vld [tilespmem:s28+$0xFFFFFFC0];
	_ =	sdelay $0x4  }
0x2a: {  	[tilespmem:$0x4F30] =	vst v0  }
0x2b: {  	v0 =	vld [tilespmem:s28+$0xFFFFFFD0];
	_ =	sdelay $0x4  }
0x2c: {  	[tilespmem:$0x4F40] =	vst v0  }
0x2d: {  	_ =	swait.ge [sflag:s21], $0x2800  }
0x2e: {  	[sflag:s21] =	ssyncset.done $0x0  }
0x2f: {  	[sflag:s21] =	ssyncadd.s32 $0xFFFFD800  }
0x30: {  	[spmem:s2] =	stream.indirect.scatter.add.f32 [tilespmem:s16], [sflag:$0x7], $0x80, s22, s15, $0xb8;
	v63 =	vld [tilespmem:$0x0]  }
0x31: {  	_ =	swait.ge [sflag:s23], $0x2800  }
0x32: {  	[sflag:s23] =	ssyncset.done $0x0  }
0x33: {  	s0 =	simm.s32 $0xF0;
	[sflag:s23] =	ssyncadd.s32 $0xFFFFD800  }
0x34: {  	[tilespmem:s16], [sflag:$0x1] =	stream.indirect.gather [hbm4b:s4+s15], $0x80, s0, s15, $0xb8;
	v63 =	vld [tilespmem:$0x0]  }
0x35: {  	v61 =	vld [tilespmem:s28+$0xFFFFFFE0];
	_ =	sdelay $0x4  }
0x36: {  	[tilespmem:$0x4F00] =	vst v61  }
0x37: {  	v0 =	vld [tilespmem:s28+$0xFFFFFFF0];
	_ =	sdelay $0x4  }
0x38: {  	[tilespmem:$0x4F10] =	vst v0  }
0x39: {  	v0 =	vld [tilespmem:s28+$0x0];
	_ =	sdelay $0x4  }
0x3a: {  	s0 =	sand.u32 $0x3FF0, s3;
	[tilespmem:$0x4F20] =	vst v0  }
0x3b: {  	v0 =	vld [tilespmem:s0+$0x2800];
	_ =	sdelay $0x4  }
0x3c: {  	[tilespmem:$0x4F30] =	vst v0  }
0x3d: {  	v0 =	vld [tilespmem:s28+$0x20];
	_ =	sdelay $0x4  }
0x3e: {  	[tilespmem:$0x4F40] =	vst v0  }
0x3f: {  	_ =	swait.ge [sflag:s24], $0x2800  }
0x40: {  	[sflag:s24] =	ssyncset.done $0x0  }
0x41: {  	[sflag:s24] =	ssyncadd.s32 $0xFFFFD800  }
0x42: {  	[spmem:s2] =	stream.indirect.scatter.add.f32 [tilespmem:s17], [sflag:$0x7], $0x80, s22, s15, $0xb8;
	v63 =	vld [tilespmem:$0x0]  }
0x43: {  	_ =	swait.ge [sflag:s23], $0x2800  }
0x44: {  	[sflag:s23] =	ssyncset.done $0x0  }
0x45: {  	s0 =	simm.s32 $0x140;
	[sflag:s23] =	ssyncadd.s32 $0xFFFFD800  }
0x46: {  	[tilespmem:s17], [sflag:$0x2] =	stream.indirect.gather [hbm4b:s4+s15], $0x80, s0, s15, $0xb8;
	v63 =	vld [tilespmem:$0x0]  }
0x47: {  	v62 =	vld [tilespmem:s28+$0x30];
	_ =	sdelay $0x4  }
0x48: {  	[tilespmem:$0x4F00] =	vst v62  }
0x49: {  	v0 =	vld [tilespmem:s28+$0x40];
	_ =	sdelay $0x4  }
0x4a: {  	[tilespmem:$0x4F10] =	vst v0  }
0x4b: {  	v0 =	vld [tilespmem:s28+$0x50];
	_ =	sdelay $0x4  }
0x4c: {  	[tilespmem:$0x4F20] =	vst v0  }
0x4d: {  	v0 =	vld [tilespmem:s28+$0x60];
	_ =	sdelay $0x4  }
0x4e: {  	[tilespmem:$0x4F30] =	vst v0  }
0x4f: {  	v0 =	vld [tilespmem:s28+$0x70];
	_ =	sdelay $0x4  }
0x50: {  	[tilespmem:$0x4F40] =	vst v0  }
0x51: {  	_ =	swait.ge [sflag:s25], $0x2800  }
0x52: {  	[sflag:s25] =	ssyncset.done $0x0  }
0x53: {  	[sflag:s25] =	ssyncadd.s32 $0xFFFFD800  }
0x54: {  	[spmem:s2] =	stream.indirect.scatter.add.f32 [tilespmem:s20], [sflag:$0x7], $0x80, s22, s15, $0xb8;
	v63 =	vld [tilespmem:$0x0]  }
0x55: {  	s30 =	simm.s32 $0xF0;
	_ =	swait.ge [sflag:s23], $0x2800  }
0x56: {  	s31 =	simm.s32 $0x1E0;
	s29 =	simm.s32 $0x230;
	[sflag:s23] =	ssyncset.done $0x0  }
.LBB2_2:
0x57: {  	s1 =	sadd.s32 $0xFFFFFF60, s29;
	[sflag:s23] =	ssyncadd.s32 $0xFFFFD800;
	s28 =	sadd.s32 $0xF0, s28  }
0x58: {  	[tilespmem:s20], [sflag:$0x3] =	stream.indirect.gather [hbm4b:s4+s15], $0x80, s1, s15, $0xb8;
	v63 =	vld [tilespmem:$0x0]  }
0x59: {  	p0 =	sne.s32 s31, $0x2580;
	s1 =	smov.u32 s31;
	s31 =	sadd.s32 $0xF0, s31;
	v0 =	vld [tilespmem:s28+$0xFFFFFF90]  }
0x5a: {  	_ =	sdelay $0x3  }
0x5b: {  	[tilespmem:$0x4F00] =	vst v0  }
0x5c: {  	v0 =	vld [tilespmem:s28+$0xFFFFFFA0];
	_ =	sdelay $0x4  }
0x5d: {  	[tilespmem:$0x4F10] =	vst v0  }
0x5e: {  	v0 =	vld [tilespmem:s28+$0xFFFFFFB0];
	_ =	sdelay $0x4  }
0x5f: {  	[tilespmem:$0x4F20] =	vst v0  }
0x60: {  	v0 =	vld [tilespmem:s28+$0xFFFFFFC0];
	_ =	sdelay $0x4  }
0x61: {  	[tilespmem:$0x4F30] =	vst v0  }
0x62: {  	v0 =	vld [tilespmem:s28+$0xFFFFFFD0];
	_ =	sdelay $0x4  }
0x63: {  	[tilespmem:$0x4F40] =	vst v0  }
0x64: {  	_ =	swait.ge [sflag:s21], $0x2800  }
0x65: {  	[sflag:s21] =	ssyncset.done $0x0  }
0x66: {  	[sflag:s21] =	ssyncadd.s32 $0xFFFFD800  }
0x67: {  	[spmem:s2] =	stream.indirect.scatter.add.f32 [tilespmem:s16], [sflag:$0x7], $0x80, s22, s15, $0xb8;
	v63 =	vld [tilespmem:$0x0]  }
0x68: {  	_ =	swait.ge [sflag:s23], $0x2800  }
0x69: {  	[sflag:s23] =	ssyncset.done $0x0  }
0x6a: {  	s0 =	sadd.s32 $0xFFFFFFB0, s29;
	[sflag:s23] =	ssyncadd.s32 $0xFFFFD800  }
0x6b: {  	[tilespmem:s16], [sflag:$0x1] =	stream.indirect.gather [hbm4b:s4+s15], $0x80, s0, s15, $0xb8;
	v63 =	vld [tilespmem:$0x0]  }
0x6c: {  	v0 =	vld [tilespmem:s28+$0xFFFFFFE0];
	_ =	sdelay $0x4  }
0x6d: {  	[tilespmem:$0x4F00] =	vst v0  }
0x6e: {  	v0 =	vld [tilespmem:s28+$0xFFFFFFF0];
	_ =	sdelay $0x4  }
0x6f: {  	[tilespmem:$0x4F10] =	vst v0  }
0x70: {  	v0 =	vld [tilespmem:s28+$0x0];
	_ =	sdelay $0x4  }
0x71: {  	s0 =	sand.u32 $0x3FF0, s30;
	s30 =	smov.u32 s1;
	[tilespmem:$0x4F20] =	vst v0  }
0x72: {  	v0 =	vld [tilespmem:s0+$0x2800];
	_ =	sdelay $0x4  }
0x73: {  	[tilespmem:$0x4F30] =	vst v0  }
0x74: {  	v0 =	vld [tilespmem:s28+$0x20];
	_ =	sdelay $0x4  }
0x75: {  	[tilespmem:$0x4F40] =	vst v0  }
0x76: {  	_ =	swait.ge [sflag:s24], $0x2800  }
0x77: {  	[sflag:s24] =	ssyncset.done $0x0  }
0x78: {  	[sflag:s24] =	ssyncadd.s32 $0xFFFFD800  }
0x79: {  	[spmem:s2] =	stream.indirect.scatter.add.f32 [tilespmem:s17], [sflag:$0x7], $0x80, s22, s15, $0xb8;
	v63 =	vld [tilespmem:$0x0]  }
0x7a: {  	_ =	swait.ge [sflag:s23], $0x2800  }
0x7b: {  	[sflag:s23] =	ssyncset.done $0x0  }
0x7c: {  	[sflag:s23] =	ssyncadd.s32 $0xFFFFD800  }
0x7d: {  	[tilespmem:s17], [sflag:$0x2] =	stream.indirect.gather [hbm4b:s4+s15], $0x80, s29, s15, $0xb8;
	v63 =	vld [tilespmem:$0x0]  }
0x7e: {  	v0 =	vld [tilespmem:s28+$0x30];
	_ =	sdelay $0x4  }
0x7f: {  	[tilespmem:$0x4F00] =	vst v0  }
0x80: {  	v0 =	vld [tilespmem:s28+$0x40];
	_ =	sdelay $0x4  }
0x81: {  	[tilespmem:$0x4F10] =	vst v0  }
0x82: {  	v0 =	vld [tilespmem:s28+$0x50];
	_ =	sdelay $0x4  }
0x83: {  	[tilespmem:$0x4F20] =	vst v0  }
0x84: {  	v0 =	vld [tilespmem:s28+$0x60];
	_ =	sdelay $0x4  }
0x85: {  	[tilespmem:$0x4F30] =	vst v0  }
0x86: {  	v0 =	vld [tilespmem:s28+$0x70];
	_ =	sdelay $0x4  }
0x87: {  	[tilespmem:$0x4F40] =	vst v0  }
0x88: {  	_ =	swait.ge [sflag:s25], $0x2800  }
.Ltmp0:
0x89: {  	[sflag:s25] =	ssyncset.done $0x0;
	(pc) =	sbr.rel @p0 .LBB2_2-.Ltmp0, $4  }
0x8a: {  	[sflag:s25] =	ssyncadd.s32 $0xFFFFD800  }
0x8b: {  	[spmem:s2] =	stream.indirect.scatter.add.f32 [tilespmem:s20], [sflag:$0x7], $0x80, s22, s15, $0xb8;
	v63 =	vld [tilespmem:$0x0]  }
0x8c: {  	_ =	swait.ge [sflag:s23], $0x2800  }
0x8d: {  	s29 =	sadd.s32 $0xF0, s29;
	[sflag:s23] =	ssyncset.done $0x0  }
0x8e: {  	s0 =	sadd.s32 $0xFFFFFF60, s29;
	[sflag:s23] =	ssyncadd.s32 $0xFFFFD800;
	s1 =	sadd.s32 $0xF0, s28  }
0x8f: {  	[tilespmem:s20], [sflag:$0x3] =	stream.indirect.gather [hbm4b:s4+s15], $0x80, s0, s15, $0xb8;
	v63 =	vld [tilespmem:$0x0]  }
0x90: {  	v0 =	vld [tilespmem:s1+$0xFFFFFF90];
	_ =	sdelay $0x4  }
0x91: {  	[tilespmem:$0x4F00] =	vst v0  }
0x92: {  	v0 =	vld [tilespmem:s1+$0xFFFFFFA0];
	_ =	sdelay $0x4  }
0x93: {  	[tilespmem:$0x4F10] =	vst v0  }
0x94: {  	v0 =	vld [tilespmem:s1+$0xFFFFFFB0];
	_ =	sdelay $0x4  }
0x95: {  	[tilespmem:$0x4F20] =	vst v0  }
0x96: {  	v0 =	vld [tilespmem:s1+$0xFFFFFFC0];
	_ =	sdelay $0x4  }
0x97: {  	[tilespmem:$0x4F30] =	vst v0  }
0x98: {  	v0 =	vld [tilespmem:s1+$0xFFFFFFD0];
	_ =	sdelay $0x4  }
0x99: {  	[tilespmem:$0x4F40] =	vst v0  }
0x9a: {  	_ =	swait.ge [sflag:s21], $0x2800  }
0x9b: {  	[sflag:s21] =	ssyncset.done $0x0  }
0x9c: {  	[sflag:s21] =	ssyncadd.s32 $0xFFFFD800  }
0x9d: {  	[spmem:s2] =	stream.indirect.scatter.add.f32 [tilespmem:s16], [sflag:$0x7], $0x80, s22, s15, $0xb8;
	v63 =	vld [tilespmem:$0x0]  }
0x9e: {  	_ =	swait.ge [sflag:s23], $0x2800  }
0x9f: {  	[sflag:s23] =	ssyncset.done $0x0  }
0xa0: {  	s28 =	sadd.s32 $0xFFFFFFB0, s29;
	[sflag:s23] =	ssyncadd.s32 $0xFFFFD800  }
0xa1: {  	[tilespmem:s16], [sflag:$0x1] =	stream.indirect.gather [hbm4b:s4+s15], $0x80, s28, s15, $0xb8;
	v63 =	vld [tilespmem:$0x0]  }
0xa2: {  	v55 =	vld [tilespmem:s1+$0xFFFFFFE0];
	_ =	sdelay $0x4  }
0xa3: {  	[tilespmem:$0x4F00] =	vst v55  }
0xa4: {  	v0 =	vld [tilespmem:s1+$0xFFFFFFF0];
	_ =	sdelay $0x4  }
0xa5: {  	[tilespmem:$0x4F10] =	vst v0  }
0xa6: {  	v0 =	vld [tilespmem:s1+$0x0];
	_ =	sdelay $0x4  }
0xa7: {  	s30 =	sand.u32 $0x3FF0, s30;
	[tilespmem:$0x4F20] =	vst v0  }
0xa8: {  	v0 =	vld [tilespmem:s30+$0x2800];
	_ =	sdelay $0x4  }
0xa9: {  	[tilespmem:$0x4F30] =	vst v0  }
0xaa: {  	v0 =	vld [tilespmem:s1+$0x20];
	_ =	sdelay $0x4  }
0xab: {  	[tilespmem:$0x4F40] =	vst v0  }
0xac: {  	_ =	swait.ge [sflag:s24], $0x2800  }
0xad: {  	[sflag:s24] =	ssyncset.done $0x0  }
0xae: {  	[sflag:s24] =	ssyncadd.s32 $0xFFFFD800  }
0xaf: {  	[spmem:s2] =	stream.indirect.scatter.add.f32 [tilespmem:s17], [sflag:$0x7], $0x80, s22, s15, $0xb8;
	v63 =	vld [tilespmem:$0x0]  }
0xb0: {  	_ =	swait.ge [sflag:s23], $0x2800  }
0xb1: {  	[sflag:s23] =	ssyncset.done $0x0  }
0xb2: {  	[sflag:s23] =	ssyncadd.s32 $0xFFFFD800  }
0xb3: {  	[tilespmem:s17], [sflag:$0x2] =	stream.indirect.gather [hbm4b:s4+s15], $0x80, s29, s15, $0xb8;
	v63 =	vld [tilespmem:$0x0]  }
0xb4: {  	v56 =	vld [tilespmem:s1+$0x30];
	_ =	sdelay $0x4  }
0xb5: {  	[tilespmem:$0x4F00] =	vst v56  }
0xb6: {  	v0 =	vld [tilespmem:s1+$0x40];
	_ =	sdelay $0x4  }
0xb7: {  	[tilespmem:$0x4F10] =	vst v0  }
0xb8: {  	v0 =	vld [tilespmem:s1+$0x50];
	_ =	sdelay $0x4  }
0xb9: {  	[tilespmem:$0x4F20] =	vst v0  }
0xba: {  	v0 =	vld [tilespmem:s1+$0x60];
	_ =	sdelay $0x4  }
0xbb: {  	[tilespmem:$0x4F30] =	vst v0  }
0xbc: {  	v0 =	vld [tilespmem:s1+$0x70];
	_ =	sdelay $0x4  }
0xbd: {  	[tilespmem:$0x4F40] =	vst v0  }
0xbe: {  	_ =	swait.ge [sflag:s25], $0x2800  }
0xbf: {  	[sflag:s25] =	ssyncset.done $0x0  }
0xc0: {  	[sflag:s25] =	ssyncadd.s32 $0xFFFFD800  }
0xc1: {  	[spmem:s2] =	stream.indirect.scatter.add.f32 [tilespmem:s20], [sflag:$0x7], $0x80, s22, s15, $0xb8;
	v63 =	vld [tilespmem:$0x0]  }
0xc2: {  	_ =	swait.ge [sflag:s23], $0x2800  }
0xc3: {  	[sflag:s23] =	ssyncset.done $0x0  }
0xc4: {  	[sflag:s23] =	ssyncadd.s32 $0xFFFFD800  }
0xc5: {  	v57 =	vld [tilespmem:$0x4DF0]  }
0xc6: {  	v1 =	vld [tilespmem:$0x4E00]  }
0xc7: {  	v2 =	vld [tilespmem:$0x4E10]  }
0xc8: {  	v3 =	vld [tilespmem:$0x4E20]  }
0xc9: {  	v4 =	vld [tilespmem:$0x4E30]  }
0xca: {  	[tilespmem:$0x4F00] =	vst v57  }
0xcb: {  	[tilespmem:$0x4F10] =	vst v1  }
0xcc: {  	[tilespmem:$0x4F20] =	vst v2  }
0xcd: {  	[tilespmem:$0x4F30] =	vst v3  }
0xce: {  	[tilespmem:$0x4F40] =	vst v4  }
0xcf: {  	_ =	swait.ge [sflag:s21], $0x2800  }
0xd0: {  	[sflag:s21] =	ssyncset.done $0x0  }
0xd1: {  	[sflag:s21] =	ssyncadd.s32 $0xFFFFD800  }
0xd2: {  	[spmem:s2] =	stream.indirect.scatter.add.f32 [tilespmem:s16], [sflag:$0x7], $0x80, s22, s15, $0xb8;
	v63 =	vld [tilespmem:$0x0]  }
0xd3: {  	_ =	swait.ge [sflag:s23], $0x2800  }
0xd4: {  	[sflag:s23] =	ssyncset.done $0x0  }
0xd5: {  	[sflag:s23] =	ssyncadd.s32 $0xFFFFD800  }
0xd6: {  	v58 =	vld [tilespmem:$0x4E40]  }
0xd7: {  	v59 =	vld [tilespmem:$0x4E50]  }
0xd8: {  	v60 =	vld [tilespmem:$0x4E60]  }
0xd9: {  	v61 =	vld [tilespmem:$0x4E70]  }
0xda: {  	v62 =	vld [tilespmem:$0x4E80]  }
0xdb: {  	[tilespmem:$0x4F00] =	vst v58  }
0xdc: {  	[tilespmem:$0x4F10] =	vst v59  }
0xdd: {  	[tilespmem:$0x4F20] =	vst v60  }
0xde: {  	[tilespmem:$0x4F30] =	vst v61  }
0xdf: {  	[tilespmem:$0x4F40] =	vst v62  }
0xe0: {  	_ =	swait.ge [sflag:s24], $0x2800  }
0xe1: {  	[sflag:s24] =	ssyncset.done $0x0  }
0xe2: {  	[sflag:s24] =	ssyncadd.s32 $0xFFFFD800  }
0xe3: {  	[spmem:s2] =	stream.indirect.scatter.add.f32 [tilespmem:s17], [sflag:$0x7], $0x80, s22, s15, $0xb8;
	v63 =	vld [tilespmem:$0x0]  }
0xe4: {  	_ =	swait.ge [sflag:s23], $0x2800  }
0xe5: {  	s26 =	sadd.s32 $0x1, s26;
	[sflag:s23] =	ssyncset.done $0x0  }
0xe6: {  	p0 =	sne.s32 s26, s11;
	[sflag:s23] =	ssyncadd.s32 $0xFFFFD800  }
.Ltmp1:
0xe7: {  	s31 =	sor.u32 $0x1C07, s8;
	[bflag:$0x0] =	sbarrier.arrive $0xFFFF;
	(pc) =	sbr.rel @p0 .LBB2_1-.Ltmp1, $4  }
0xe8: {  	[hbm:s10], [sflag:s31] =	dma.local [spmem:s13], $0x2800  }
0xe9: {  	_ =	swait.ge [sflag:s23], $0x2800  }
0xea: {  	[sflag:s23] =	ssyncset.done $0x0  }
0xeb: {  	[sflag:s23] =	ssyncadd.s32 $0xFFFFD800  }
0xec: {  	_ =	sfence.sel $0x180000  }
0xed: {  	[bflag:$0x0] =	sbarrier.arrive $0xFFFF  }
0xee: {  	_ =	strace $0x9000004A  }
0xef: {  	s0 =	stileid.u32;
	[bflag:$0x2] =	sbarrier.arrive $0xFFFF  }
0xf0: {  	p0 =	sne.s32 s0, $0x0;
	s0 =	rddreg [dreg:$0x2]  }
0xf1: {  	s0 =	sadd.s32 @!p0 $0x100000, s0  }
0xf2: {  	[sflag:s0] =	ssyncadd.tile.s32 @!p0 $0x1;
	_ =	shalt  }
.Lfunc_end2:
_tile_overlayer_lowered:
.L_overlay_start_2:
0xf3: {  	(tag) =	ssettag $0x2  }
0xf4: {  	s0 =	rddreg [dreg:$0x0];
	s2 =	stileid.u32  }
0xf5: {  	s1 =	rddreg [dreg:$0x1];
	p0 =	sne.s32 s2, $0x0  }
0xf6: {  	s3 =	rddreg [dreg:$0x2];
	[bflag:$0x3] =	sbarrier.arrive $0xFFFF;
	s2 =	simm.s32 @!p0 $0x1C07  }
0xf7: {  	[timem:s3], [sflag:s2] =	dma.local @!p0 [hbm:s0], s1  }
0xf8: {  	s0 =	simm.s32 @!p0 $0x7  }
0xf9: {  	_ =	swait.ge @!p0 [sflag:s0], s1  }
0xfa: {  	s1 =	ssub.s32 @!p0 $0x0, s1;
	[sflag:s0] =	ssyncset.done @!p0 $0x0  }
0xfb: {  	[sflag:s0] =	ssyncadd.s32 @!p0 s1  }
0xfc: {  	[bflag:$0x3] =	sbarrier.arrive $0xFFFF  }
0xfd: {  	_ =	shalt  }

// kernel: kernel.14.cloned.1.call-start
scs
__scs_entry_jumppad:
0x0: {  	(pc) =	sbr.rel $0x88, $3  }
0x1: {  	(tag) =	ssettag $0x0;
	lr =	simm.s32 $0x1  }
0x2: {  	[smem:$0x3F88] =	sst lr;
	_ =	strace $0xD0000000  }
0x3: {  	_ = 	snop  }
0x4: {  	_ = 	snop  }
0x5: {  	_ = 	snop  }
0x6: {  	_ = 	snop  }
0x7: {  	_ = 	snop  }
__scs_overlays_trampoline_lowered:
0x8: {  	[smem:$0x3F97] =	sst s0  }
0x9: {  	[smem:$0x3F98] =	sst s1  }
0xa: {  	[smem:$0x3F99] =	sst s2  }
0xb: {  	[smem:$0x3F9A] =	sst s3  }
0xc: {  	[smem:$0x3F9B] =	sst s4  }
0xd: {  	[smem:$0x3F9C] =	sst s5  }
0xe: {  	[smem:$0x3F9D] =	sst s6  }
0xf: {  	[smem:$0x3F9E] =	sst s7  }
0x10: {  	[smem:$0x3F9F] =	sst s8  }
0x11: {  	[smem:$0x3FA0] =	sst s9;
	s0 =	simm.s32 @!p0 $0x0  }
0x12: {  	s1 =	sld [smem:$0x3F86];
	s0 =	simm.s32 @p0 $0x1  }
0x13: {  	[smem:$0x3FA1] =	sst s0;
	s0 =	simm.s32 @!p1 $0x0  }
0x14: {  	s2 =	sld [smem:$0x3F85];
	s0 =	simm.s32 @p1 $0x1  }
0x15: {  	[smem:$0x3FA2] =	sst s0;
	s0 =	simm.s32 @!p2 $0x0  }
0x16: {  	s3 =	sld [smem:$0x3FDB];
	s0 =	simm.s32 @p2 $0x1  }
0x17: {  	s4 =	simm.s32 $0x1BF5;
	[smem:$0x3FA4] =	sst s0  }
0x18: {  	s0 =	sld [smem:$0x3F87];
	_ =	swait.ge [sflag:s4], $0x0  }
0x19: {  	s7 =	sld [smem:$0x3F88]  }
0x1a: {  	s8 =	sadd.s32 $0xFFFFE003, lr  }
0x1b: {  	s9 =	sadd.s32 $0xFFFFFEF7, lr;
	s5 =	simm.s32 $0xFFFFFFFF;
	p2 =	slt.u32 s8, $0xFFFFF086  }
0x1c: {  	p1 =	slt.u32 s9, $0xF7A;
	s5 =	simm.s32 @!p2 $0x0  }
0x1d: {  	s5 =	simm.s32 @p1 $0x1;
	p0 =	seq.s32 s7, s2  }
0x1e: {  	s7 =	smul.u32 @!p0 $0xF7A, s2;
	p2 =	seq.s32 @!p0 s5, $0x0  }
0x1f: {  	s9 =	smul.u32 $0xF7A, s1;
	s8 =	simm.s32 @!p0 $0x1BF5;
	p2 =	por !p2, p0  }
0x20: {  	[sflag:s8] =	ssyncset.s32 @!p0 $0xFFFFF086;
	s6 =	sadd.s32 @!p0 s3, s7;
	s7 =	simm.s32 @!p0 $0x108  }
0x21: {  	s3 =	sadd.s32 s3, s9;
	s6 =	sadd.s32 @!p0 $0x88, s6;
	s7 =	simm.s32 @p2 $0x1082  }
0x22: {  	[simem:s7], [sflag:s8] =	dma.local @!p0 [hbm:s6], $0xF7A  }
0x23: {  	s9 =	sor.u32 $0xD0000000, s2;
	s6 =	simm.s32 $0x108;
	_ =	swait.ge @!p0 [sflag:s8], $0x0  }
0x24: {  	s3 =	sadd.s32 $0x88, s3;
	s6 =	simm.s32 @!p1 $0x1082;
	[sflag:s4] =	ssyncset.s32 $0xFFFFF086  }
0x25: {  	[simem:s6], [sflag:s4] =	dma.local [hbm:s3], $0xF7A  }
0x26: {  	[smem:$0x3F88] =	sst s1;
	(tag) =	ssettag s2;
	_ =	strace s9  }
0x27: {  	s1 =	sld [smem:$0x3F98]  }
0x28: {  	s2 =	sld [smem:$0x3F99]  }
0x29: {  	s4 =	sld [smem:$0x3F9B]  }
0x2a: {  	p0 =	seq.s32 s5, $0x0;
	s5 =	sld [smem:$0x3F9C]  }
0x2b: {  	s6 =	sld [smem:$0x3F9D]  }
0x2c: {  	s7 =	sld [smem:$0x3F9E]  }
0x2d: {  	s3 =	simm.s32 $0x108;
	s8 =	sld [smem:$0x3F9F]  }
0x2e: {  	s3 =	simm.s32 @!p0 $0x1082;
	s9 =	sld [smem:$0x3FA0]  }
0x2f: {  	lr =	sadd.s32 s0, s3;
	s0 =	sld [smem:$0x3F97]  }
0x30: {  	s3 =	sld [smem:$0x3F9A]  }
0x31: {  	[smem:$0x3FA3] =	sst s10  }
0x32: {  	s10 =	sld [smem:$0x3FA1];
	_ =	sdelay $0x3  }
0x33: {  	p0 =	seq.s32 s10, $0x1;
	s10 =	sld [smem:$0x3FA3];
	_ =	sdelay $0x3  }
0x34: {  	[smem:$0x3FA3] =	sst s10  }
0x35: {  	s10 =	sld [smem:$0x3FA2];
	_ =	sdelay $0x3  }
0x36: {  	p1 =	seq.s32 s10, $0x1;
	s10 =	sld [smem:$0x3FA3];
	_ =	sdelay $0x3  }
0x37: {  	[smem:$0x3FA3] =	sst s10  }
0x38: {  	s10 =	sld [smem:$0x3FA4]  }
0x39: {  	_ = 	snop;
	(pc) =	sbr.ind lr, $3  }
0x3a: {  	_ = 	snop  }
0x3b: {  	_ = 	snop  }
0x3c: {  	p2 =	seq.s32 s10, $0x1;
	s10 =	sld [smem:$0x3FA3]  }
0x3d: {  	_ =	shalt  }
0x3e: {  	_ =	shalt  }
0x3f: {  	_ =	shalt  }
0x40: {  	_ =	shalt  }
0x41: {  	_ =	shalt  }
0x42: {  	_ =	shalt  }
0x43: {  	_ =	shalt  }
0x44: {  	_ =	shalt  }
0x45: {  	_ =	shalt  }
0x46: {  	_ =	shalt  }
0x47: {  	_ =	shalt  }
0x48: {  	_ =	shalt  }
0x49: {  	_ =	shalt  }
0x4a: {  	_ =	shalt  }
0x4b: {  	_ =	shalt  }
0x4c: {  	_ =	shalt  }
0x4d: {  	_ =	shalt  }
0x4e: {  	_ =	shalt  }
0x4f: {  	_ =	shalt  }
0x50: {  	_ =	shalt  }
0x51: {  	_ =	shalt  }
0x52: {  	_ =	shalt  }
0x53: {  	_ =	shalt  }
0x54: {  	_ =	shalt  }
0x55: {  	_ =	shalt  }
0x56: {  	_ =	shalt  }
0x57: {  	_ =	shalt  }
0x58: {  	_ =	shalt  }
0x59: {  	_ =	shalt  }
0x5a: {  	_ =	shalt  }
0x5b: {  	_ =	shalt  }
0x5c: {  	_ =	shalt  }
0x5d: {  	_ =	shalt  }
0x5e: {  	_ =	shalt  }
0x5f: {  	_ =	shalt  }
0x60: {  	_ =	shalt  }
0x61: {  	_ =	shalt  }
0x62: {  	_ =	shalt  }
0x63: {  	_ =	shalt  }
0x64: {  	_ =	shalt  }
0x65: {  	_ =	shalt  }
0x66: {  	_ =	shalt  }
0x67: {  	_ =	shalt  }
0x68: {  	_ =	shalt  }
0x69: {  	_ =	shalt  }
0x6a: {  	_ =	shalt  }
0x6b: {  	_ =	shalt  }
0x6c: {  	_ =	shalt  }
0x6d: {  	_ =	shalt  }
0x6e: {  	_ =	shalt  }
0x6f: {  	_ =	shalt  }
0x70: {  	_ =	shalt  }
0x71: {  	_ =	shalt  }
0x72: {  	_ =	shalt  }
0x73: {  	_ =	shalt  }
0x74: {  	_ =	shalt  }
0x75: {  	_ =	shalt  }
0x76: {  	_ =	shalt  }
0x77: {  	_ =	shalt  }
0x78: {  	_ =	shalt  }
0x79: {  	_ =	shalt  }
0x7a: {  	_ =	shalt  }
0x7b: {  	_ =	shalt  }
0x7c: {  	_ =	shalt  }
0x7d: {  	_ =	shalt  }
0x7e: {  	_ =	shalt  }
0x7f: {  	_ =	shalt  }
0x80: {  	_ =	shalt  }
0x81: {  	_ =	shalt  }
0x82: {  	_ =	shalt  }
0x83: {  	_ =	shalt  }
0x84: {  	_ =	shalt  }
0x85: {  	_ =	shalt  }
0x86: {  	_ =	shalt  }
0x87: {  	_ =	shalt  }
.Lfunc_end0:
.L_simem_size_0:
called_computation.2_lowered:
.L_overlay_start_0:
0x88: {  	s2 =	sld [smem:$0x3FD9]  }
0x89: {  	s3 =	sld [smem:$0x3FFE];
	_ =	sdelay $0x1  }
0x8a: {  	s1 =	srdreg.scid  }
0x8b: {  	s0 =	sand.u32 $0x1, s1  }
0x8c: {  	s16 =	sshll.u32 s0, $0xA;
	s2 =	sadd.s32 s3, s2  }
0x8d: {  	s2 =	sadd.s32 s2, s16  }
0x8e: {  	[smem:$0x3FAF] =	sst s2  }
0x8f: {  	_ = 	snop  }
0x90: {  	(tm) =	ssettm $0x1  }
0x91: {  	s17 =	sld [smem:$0x3FFB];
	_ =	sdelay $0x3  }
0x92: {  	_ =	strace s17  }
0x93: {  	s2 =	sld [smem:$0x3FFC];
	_ =	sdelay $0x3  }
0x94: {  	_ =	strace s2  }
0x95: {  	s2 =	sld [smem:$0x3FFD];
	_ =	sdelay $0x3  }
0x96: {  	_ =	strace s2  }
0x97: {  	_ =	strace $0x8FFFFFFF  }
0x98: {  	s18 =	sld [smem:$0x3FDB];
	_ =	sdelay $0x1  }
0x99: {  	s19 =	simm.s32 $_scs_section_size  }
0x9a: {  	s4 =	simm.s32 $_size__tile_overlayer_lowered;
	s5 =	simm.s32 $_tile_overlayer_lowered  }
0x9b: {  	s22 =	simm.s32 $0x1BFF;
	s21 =	sshll.u32 s5, $0x1;
	s2 =	sadd.s32 s19, s18  }
0x9c: {  	s6 =	simm.s32 $0x0;
	s20 =	sshll.u32 s4, $0x1;
	s4 =	sadd.s32 s21, s2  }
0x9d: {  	[timem:s6], [sflag:s22] =	dma.local [hbm:s4], s20  }
0x9e: {  	_ =	swait.ge [sflag:s22], s20  }
0x9f: {  	s3 =	ssub.s32 $0x0, s20;
	[sflag:s22] =	ssyncset.done $0x0  }
0xa0: {  	[sflag:s22] =	ssyncadd.s32 s3;
	_ =	sdelay $0x1  }
0xa1: {  	s23 =	simm.s32 $0x1B8B  }
0xa2: {  	_ =	swait.ge [sflag:s23], $0x1  }
0xa3: {  	[sflag:s23] =	ssyncset.done $0x0  }
0xa4: {  	s25 =	simm.s32 $0x1B8E;
	s24 =	sld [smem:$0x3FFE];
	[sflag:s23] =	ssyncadd.s32 $0xFFFFFFFF  }
0xa5: {  	s26 =	simm.s32 $execute0_lowered;
	[smem:$0x3FD2] =	sst s25  }
0xa6: {  	s4 =	sshll.u32 s26, $0x1;
	_ =	strace $0x8000004C;
	[dreg:$0x1] =	wrdreg $0xFFFFFFFF  }
0xa7: {  	s28 =	simm.s32 $_size_execute0_lowered;
	s2 =	sadd.s32 s2, s4;
	[dreg:$0x0] =	wrdreg $0x0  }
0xa8: {  	s4 =	sshll.u32 s28, $0x1;
	[dreg:$0x2] =	wrdreg s2  }
0xa9: {  	[dreg:$0x3] =	wrdreg s4  }
0xaa: {  	[dreg:$0x4] =	wrdreg $0xC0  }
0xab: {  	_ =	task [dreg:s6], $0x5FFFF  }
0xac: {  	[dreg:$0x1] =	wrdreg $0xFFFFFFFF  }
0xad: {  	[dreg:$0x0] =	wrdreg $0x60  }
0xae: {  	[dreg:$0x2] =	wrdreg s24  }
0xaf: {  	[dreg:$0x3] =	wrdreg $0xC7800  }
0xb0: {  	[dreg:$0x4] =	wrdreg $0x9  }
0xb1: {  	_ =	task.clear_ibuf [dreg:s6], $0x5FFFF;
	_ =	strace $0x9000004C  }
0xb2: {  	s29 =	simm.s32 $0x9;
	_ =	strace $0x8000004E  }
0xb3: {  	_ =	swait.ge [sflag:s29], $0x1  }
0xb4: {  	[sflag:s29] =	ssyncadd.s32 $0xFFFFFFFF  }
0xb5: {  	_ =	strace $0x9000004E  }
0xb6: {  	_ =	sfence  }
0xb7: {  	s30 =	sld [smem:$0x0];
	_ =	sdelay $0x2  }
0xb8: {  	s31 =	sshll.u32 s1, $0xD;
	s1 =	sshrl.u32 s1, $0x2  }
0xb9: {  	s3 =	sand.u32 $0x4000, s31;
	s1 =	sadd.s32 s1, s30  }
0xba: {  	s0 =	sor.u32 s3, s0;
	s1 =	sshll.u32 s1, $0x11  }
0xbb: {  	s0 =	sor.u32 s1, s0  }
0xbc: {  	s0 =	sadd.s32 $0x8F2B, s0  }
0xbd: {  	[sflag:s0] =	ssyncadd.remote.s32 $0x1  }
0xbe: {  	_ =	sfence.sel $0xFFFF  }
0xbf: {  	[dreg:$0x0] =	wrdreg $0xFFFFFFFF;
	(pc) =	sbr.abs _section_cstart, $3  }
0xc0: {  	[dreg:$0x1] =	wrdreg $0xFFFFFFFF  }
0xc1: {  	_ =	task.clear_ibuf [dreg:s6], $0x2FFFF;
	_ =	strace $0x9FFFFFFF  }
0xc2: {  	(tm) =	ssettm $0x7FFFFFFF  }
0xc3: {  	_ =	shalt  }
tec
execute0_lowered:
.L_overlay_start_1:
0x0: {  	(tag) =	ssettag $0x1  }
0x1: {  	s1 =	srdreg.scid;
	s0 =	stileid.u32  }
0x2: {  	s5 =	rddreg [dreg:$0x0];
	s12 =	simm.s32 $0x2780;
	s14 =	simm.s32 $0x4  }
0x3: {  	s15 =	simm.s32 $0x50;
	s16 =	simm.s32 $0x4F80;
	s17 =	simm.s32 $0x7780  }
0x4: {  	s18 =	simm.s32 $0x5;
	s19 =	simm.s32 $0x6;
	s20 =	simm.s32 $0x9F80  }
0x5: {  	s21 =	simm.s32 $0x1;
	s22 =	simm.s32 $0x4F00;
	s23 =	simm.s32 $0x7  }
0x6: {  	s24 =	simm.s32 $0x2;
	s25 =	simm.s32 $0x3;
	s26 =	simm.s32 $0x0  }
0x7: {  	s1 =	sand.u32 $0x1, s1;
	s2 =	sshll.u32 s0, $0x1;
	s7 =	smul.u32 $0x13800, s0  }
0x8: {  	s4 =	sadd.s32 $0x18400, s5;
	s10 =	smul.u32 $0x4E000, s0;
	s3 =	sor.u32 s1, s2  }
0x9: {  	s2 =	rddreg [dreg:$0x1];
	s8 =	smul.u32 $0x138800, s1;
	s1 =	ssub.s32 $0x2, s1  }
0xa: {  	s6 =	smul.u32 $0x4E2, s3;
	s3 =	simm.s32 $0x0;
	s9 =	sshrl.u32 s1, $0x1  }
0xb: {  	s31 =	sshrl.u32 s10, $0x2;
	[smem:$0x7FF] =	sst s3;
	s8 =	sadd.s32 s7, s8  }
0xc: {  	s1 =	ssub.s32 s1, s9;
	s7 =	sshrl.u32 s7, $0x3;
	s13 =	sadd.s32 s31, s2  }
0xd: {  	_ =	strace $0x8000004D;
	s6 =	sadd.s32 s6, s5;
	s8 =	sshrl.u32 s8, $0x3  }
0xe: {  	s7 =	sadd.s32 s4, s7;
	s13 =	sshrl.u32 s13, $0x3;
	s11 =	sadd.s32 s8, s5  }
0xf: {  	s5 =	sadd.s32 $0xE600, s6;
	s6 =	sadd.s32 $0x4800, s6;
	s8 =	sshll.u32 s0, $0x6  }
0x10: {  	s9 =	sor.u32 $0x1C06, s8;
	s10 =	sadd.s32 $0x3F600, s11;
	s11 =	smax.u32 s1, $0x1  }
.LBB2_1:
0x11: {  	[tilespmem:s3], [sflag:$0x4] =	stream.linear.gather [hbm4b:s5+s3], $0x2710, $0x38;
	v63 =	vld [tilespmem:$0x0]  }
0x12: {  	_ = 	snop  }
0x13: {  	[tilespmem:s12], [sflag:$0x5] =	stream.linear.gather [hbm4b:s6+s3], $0x2710, $0x38;
	v63 =	vld [tilespmem:$0x0]  }
0x14: {  	[spmem:s13], [sflag:s9] =	dma.local [hbm:s7], $0x2800  }
0x15: {  	_ =	swait.ge [sflag:s14], $0x2710  }
0x16: {  	[sflag:s14] =	ssyncset.done $0x0  }
0x17: {  	[sflag:s14] =	ssyncadd.s32 $0xFFFFD8F0  }
0x18: {  	[tilespmem:s16], [sflag:$0x1] =	stream.indirect.gather [hbm4b:s4+s15], $0x80, s3, s15, $0xb8;
	v63 =	vld [tilespmem:$0x0]  }
0x19: {  	_ = 	snop  }
0x1a: {  	[tilespmem:s17], [sflag:$0x2] =	stream.indirect.gather [hbm4b:s4+s15], $0x80, s15, s15, $0xb8;
	v63 =	vld [tilespmem:$0x0]  }
0x1b: {  	_ =	swait.ge [sflag:s18], $0x2710  }
0x1c: {  	[sflag:s18] =	ssyncset.done $0x0  }
0x1d: {  	[sflag:s18] =	ssyncadd.s32 $0xFFFFD8F0  }
0x1e: {  	_ =	swait.ge [sflag:s19], $0x2800  }
0x1f: {  	[sflag:s19] =	ssyncset.done $0x0  }
0x20: {  	[sflag:s19] =	ssyncadd.s32 $0xFFFFD800  }
0x21: {  	s28 =	simm.s32 $0x27F0;
	s1 =	simm.s32 $0xA0;
	[bflag:$0x0] =	sbarrier.arrive $0xFFFF  }
0x22: {  	[tilespmem:s20], [sflag:$0x3] =	stream.indirect.gather [hbm4b:s4+s15], $0x80, s1, s15, $0xb8;
	v63 =	vld [tilespmem:$0x0]  }
0x23: {  	v0 =	vld [tilespmem:s28+$0xFFFFFF90];
	_ =	sdelay $0x4  }
0x24: {  	[tilespmem:$0x4F00] =	vst v0  }
0x25: {  	v0 =	vld [tilespmem:s28+$0xFFFFFFA0];
	_ =	sdelay $0x4  }
0x26: {  	[tilespmem:$0x4F10] =	vst v0  }
0x27: {  	v0 =	vld [tilespmem:s28+$0xFFFFFFB0];
	_ =	sdelay $0x4  }
0x28: {  	[tilespmem:$0x4F20] =	vst v0  }
0x29: {  	v0 =	vld [tilespmem:s28+$0xFFFFFFC0];
	_ =	sdelay $0x4  }
0x2a: {  	[tilespmem:$0x4F30] =	vst v0  }
0x2b: {  	v0 =	vld [tilespmem:s28+$0xFFFFFFD0];
	_ =	sdelay $0x4  }
0x2c: {  	[tilespmem:$0x4F40] =	vst v0  }
0x2d: {  	_ =	swait.ge [sflag:s21], $0x2800  }
0x2e: {  	[sflag:s21] =	ssyncset.done $0x0  }
0x2f: {  	[sflag:s21] =	ssyncadd.s32 $0xFFFFD800  }
0x30: {  	[spmem:s2] =	stream.indirect.scatter.add.f32 [tilespmem:s16], [sflag:$0x7], $0x80, s22, s15, $0xb8;
	v63 =	vld [tilespmem:$0x0]  }
0x31: {  	_ =	swait.ge [sflag:s23], $0x2800  }
0x32: {  	[sflag:s23] =	ssyncset.done $0x0  }
0x33: {  	s0 =	simm.s32 $0xF0;
	[sflag:s23] =	ssyncadd.s32 $0xFFFFD800  }
0x34: {  	[tilespmem:s16], [sflag:$0x1] =	stream.indirect.gather [hbm4b:s4+s15], $0x80, s0, s15, $0xb8;
	v63 =	vld [tilespmem:$0x0]  }
0x35: {  	v61 =	vld [tilespmem:s28+$0xFFFFFFE0];
	_ =	sdelay $0x4  }
0x36: {  	[tilespmem:$0x4F00] =	vst v61  }
0x37: {  	v0 =	vld [tilespmem:s28+$0xFFFFFFF0];
	_ =	sdelay $0x4  }
0x38: {  	[tilespmem:$0x4F10] =	vst v0  }
0x39: {  	v0 =	vld [tilespmem:s28+$0x0];
	_ =	sdelay $0x4  }
0x3a: {  	s0 =	sand.u32 $0x3FF0, s3;
	[tilespmem:$0x4F20] =	vst v0  }
0x3b: {  	v0 =	vld [tilespmem:s0+$0x2800];
	_ =	sdelay $0x4  }
0x3c: {  	[tilespmem:$0x4F30] =	vst v0  }
0x3d: {  	v0 =	vld [tilespmem:s28+$0x20];
	_ =	sdelay $0x4  }
0x3e: {  	[tilespmem:$0x4F40] =	vst v0  }
0x3f: {  	_ =	swait.ge [sflag:s24], $0x2800  }
0x40: {  	[sflag:s24] =	ssyncset.done $0x0  }
0x41: {  	[sflag:s24] =	ssyncadd.s32 $0xFFFFD800  }
0x42: {  	[spmem:s2] =	stream.indirect.scatter.add.f32 [tilespmem:s17], [sflag:$0x7], $0x80, s22, s15, $0xb8;
	v63 =	vld [tilespmem:$0x0]  }
0x43: {  	_ =	swait.ge [sflag:s23], $0x2800  }
0x44: {  	[sflag:s23] =	ssyncset.done $0x0  }
0x45: {  	s0 =	simm.s32 $0x140;
	[sflag:s23] =	ssyncadd.s32 $0xFFFFD800  }
0x46: {  	[tilespmem:s17], [sflag:$0x2] =	stream.indirect.gather [hbm4b:s4+s15], $0x80, s0, s15, $0xb8;
	v63 =	vld [tilespmem:$0x0]  }
0x47: {  	v62 =	vld [tilespmem:s28+$0x30];
	_ =	sdelay $0x4  }
0x48: {  	[tilespmem:$0x4F00] =	vst v62  }
0x49: {  	v0 =	vld [tilespmem:s28+$0x40];
	_ =	sdelay $0x4  }
0x4a: {  	[tilespmem:$0x4F10] =	vst v0  }
0x4b: {  	v0 =	vld [tilespmem:s28+$0x50];
	_ =	sdelay $0x4  }
0x4c: {  	[tilespmem:$0x4F20] =	vst v0  }
0x4d: {  	v0 =	vld [tilespmem:s28+$0x60];
	_ =	sdelay $0x4  }
0x4e: {  	[tilespmem:$0x4F30] =	vst v0  }
0x4f: {  	v0 =	vld [tilespmem:s28+$0x70];
	_ =	sdelay $0x4  }
0x50: {  	[tilespmem:$0x4F40] =	vst v0  }
0x51: {  	_ =	swait.ge [sflag:s25], $0x2800  }
0x52: {  	[sflag:s25] =	ssyncset.done $0x0  }
0x53: {  	[sflag:s25] =	ssyncadd.s32 $0xFFFFD800  }
0x54: {  	[spmem:s2] =	stream.indirect.scatter.add.f32 [tilespmem:s20], [sflag:$0x7], $0x80, s22, s15, $0xb8;
	v63 =	vld [tilespmem:$0x0]  }
0x55: {  	s30 =	simm.s32 $0xF0;
	_ =	swait.ge [sflag:s23], $0x2800  }
0x56: {  	s31 =	simm.s32 $0x1E0;
	s29 =	simm.s32 $0x230;
	[sflag:s23] =	ssyncset.done $0x0  }
.LBB2_2:
0x57: {  	s1 =	sadd.s32 $0xFFFFFF60, s29;
	[sflag:s23] =	ssyncadd.s32 $0xFFFFD800;
	s28 =	sadd.s32 $0xF0, s28  }
0x58: {  	[tilespmem:s20], [sflag:$0x3] =	stream.indirect.gather [hbm4b:s4+s15], $0x80, s1, s15, $0xb8;
	v63 =	vld [tilespmem:$0x0]  }
0x59: {  	p0 =	sne.s32 s31, $0x2580;
	s1 =	smov.u32 s31;
	s31 =	sadd.s32 $0xF0, s31;
	v0 =	vld [tilespmem:s28+$0xFFFFFF90]  }
0x5a: {  	_ =	sdelay $0x3  }
0x5b: {  	[tilespmem:$0x4F00] =	vst v0  }
0x5c: {  	v0 =	vld [tilespmem:s28+$0xFFFFFFA0];
	_ =	sdelay $0x4  }
0x5d: {  	[tilespmem:$0x4F10] =	vst v0  }
0x5e: {  	v0 =	vld [tilespmem:s28+$0xFFFFFFB0];
	_ =	sdelay $0x4  }
0x5f: {  	[tilespmem:$0x4F20] =	vst v0  }
0x60: {  	v0 =	vld [tilespmem:s28+$0xFFFFFFC0];
	_ =	sdelay $0x4  }
0x61: {  	[tilespmem:$0x4F30] =	vst v0  }
0x62: {  	v0 =	vld [tilespmem:s28+$0xFFFFFFD0];
	_ =	sdelay $0x4  }
0x63: {  	[tilespmem:$0x4F40] =	vst v0  }
0x64: {  	_ =	swait.ge [sflag:s21], $0x2800  }
0x65: {  	[sflag:s21] =	ssyncset.done $0x0  }
0x66: {  	[sflag:s21] =	ssyncadd.s32 $0xFFFFD800  }
0x67: {  	[spmem:s2] =	stream.indirect.scatter.add.f32 [tilespmem:s16], [sflag:$0x7], $0x80, s22, s15, $0xb8;
	v63 =	vld [tilespmem:$0x0]  }
0x68: {  	_ =	swait.ge [sflag:s23], $0x2800  }
0x69: {  	[sflag:s23] =	ssyncset.done $0x0  }
0x6a: {  	s0 =	sadd.s32 $0xFFFFFFB0, s29;
	[sflag:s23] =	ssyncadd.s32 $0xFFFFD800  }
0x6b: {  	[tilespmem:s16], [sflag:$0x1] =	stream.indirect.gather [hbm4b:s4+s15], $0x80, s0, s15, $0xb8;
	v63 =	vld [tilespmem:$0x0]  }
0x6c: {  	v0 =	vld [tilespmem:s28+$0xFFFFFFE0];
	_ =	sdelay $0x4  }
0x6d: {  	[tilespmem:$0x4F00] =	vst v0  }
0x6e: {  	v0 =	vld [tilespmem:s28+$0xFFFFFFF0];
	_ =	sdelay $0x4  }
0x6f: {  	[tilespmem:$0x4F10] =	vst v0  }
0x70: {  	v0 =	vld [tilespmem:s28+$0x0];
	_ =	sdelay $0x4  }
0x71: {  	s0 =	sand.u32 $0x3FF0, s30;
	s30 =	smov.u32 s1;
	[tilespmem:$0x4F20] =	vst v0  }
0x72: {  	v0 =	vld [tilespmem:s0+$0x2800];
	_ =	sdelay $0x4  }
0x73: {  	[tilespmem:$0x4F30] =	vst v0  }
0x74: {  	v0 =	vld [tilespmem:s28+$0x20];
	_ =	sdelay $0x4  }
0x75: {  	[tilespmem:$0x4F40] =	vst v0  }
0x76: {  	_ =	swait.ge [sflag:s24], $0x2800  }
0x77: {  	[sflag:s24] =	ssyncset.done $0x0  }
0x78: {  	[sflag:s24] =	ssyncadd.s32 $0xFFFFD800  }
0x79: {  	[spmem:s2] =	stream.indirect.scatter.add.f32 [tilespmem:s17], [sflag:$0x7], $0x80, s22, s15, $0xb8;
	v63 =	vld [tilespmem:$0x0]  }
0x7a: {  	_ =	swait.ge [sflag:s23], $0x2800  }
0x7b: {  	[sflag:s23] =	ssyncset.done $0x0  }
0x7c: {  	[sflag:s23] =	ssyncadd.s32 $0xFFFFD800  }
0x7d: {  	[tilespmem:s17], [sflag:$0x2] =	stream.indirect.gather [hbm4b:s4+s15], $0x80, s29, s15, $0xb8;
	v63 =	vld [tilespmem:$0x0]  }
0x7e: {  	v0 =	vld [tilespmem:s28+$0x30];
	_ =	sdelay $0x4  }
0x7f: {  	[tilespmem:$0x4F00] =	vst v0  }
0x80: {  	v0 =	vld [tilespmem:s28+$0x40];
	_ =	sdelay $0x4  }
0x81: {  	[tilespmem:$0x4F10] =	vst v0  }
0x82: {  	v0 =	vld [tilespmem:s28+$0x50];
	_ =	sdelay $0x4  }
0x83: {  	[tilespmem:$0x4F20] =	vst v0  }
0x84: {  	v0 =	vld [tilespmem:s28+$0x60];
	_ =	sdelay $0x4  }
0x85: {  	[tilespmem:$0x4F30] =	vst v0  }
0x86: {  	v0 =	vld [tilespmem:s28+$0x70];
	_ =	sdelay $0x4  }
0x87: {  	[tilespmem:$0x4F40] =	vst v0  }
0x88: {  	_ =	swait.ge [sflag:s25], $0x2800  }
.Ltmp0:
0x89: {  	[sflag:s25] =	ssyncset.done $0x0;
	(pc) =	sbr.rel @p0 .LBB2_2-.Ltmp0, $4  }
0x8a: {  	[sflag:s25] =	ssyncadd.s32 $0xFFFFD800  }
0x8b: {  	[spmem:s2] =	stream.indirect.scatter.add.f32 [tilespmem:s20], [sflag:$0x7], $0x80, s22, s15, $0xb8;
	v63 =	vld [tilespmem:$0x0]  }
0x8c: {  	_ =	swait.ge [sflag:s23], $0x2800  }
0x8d: {  	s29 =	sadd.s32 $0xF0, s29;
	[sflag:s23] =	ssyncset.done $0x0  }
0x8e: {  	s0 =	sadd.s32 $0xFFFFFF60, s29;
	[sflag:s23] =	ssyncadd.s32 $0xFFFFD800;
	s1 =	sadd.s32 $0xF0, s28  }
0x8f: {  	[tilespmem:s20], [sflag:$0x3] =	stream.indirect.gather [hbm4b:s4+s15], $0x80, s0, s15, $0xb8;
	v63 =	vld [tilespmem:$0x0]  }
0x90: {  	v0 =	vld [tilespmem:s1+$0xFFFFFF90];
	_ =	sdelay $0x4  }
0x91: {  	[tilespmem:$0x4F00] =	vst v0  }
0x92: {  	v0 =	vld [tilespmem:s1+$0xFFFFFFA0];
	_ =	sdelay $0x4  }
0x93: {  	[tilespmem:$0x4F10] =	vst v0  }
0x94: {  	v0 =	vld [tilespmem:s1+$0xFFFFFFB0];
	_ =	sdelay $0x4  }
0x95: {  	[tilespmem:$0x4F20] =	vst v0  }
0x96: {  	v0 =	vld [tilespmem:s1+$0xFFFFFFC0];
	_ =	sdelay $0x4  }
0x97: {  	[tilespmem:$0x4F30] =	vst v0  }
0x98: {  	v0 =	vld [tilespmem:s1+$0xFFFFFFD0];
	_ =	sdelay $0x4  }
0x99: {  	[tilespmem:$0x4F40] =	vst v0  }
0x9a: {  	_ =	swait.ge [sflag:s21], $0x2800  }
0x9b: {  	[sflag:s21] =	ssyncset.done $0x0  }
0x9c: {  	[sflag:s21] =	ssyncadd.s32 $0xFFFFD800  }
0x9d: {  	[spmem:s2] =	stream.indirect.scatter.add.f32 [tilespmem:s16], [sflag:$0x7], $0x80, s22, s15, $0xb8;
	v63 =	vld [tilespmem:$0x0]  }
0x9e: {  	_ =	swait.ge [sflag:s23], $0x2800  }
0x9f: {  	[sflag:s23] =	ssyncset.done $0x0  }
0xa0: {  	s28 =	sadd.s32 $0xFFFFFFB0, s29;
	[sflag:s23] =	ssyncadd.s32 $0xFFFFD800  }
0xa1: {  	[tilespmem:s16], [sflag:$0x1] =	stream.indirect.gather [hbm4b:s4+s15], $0x80, s28, s15, $0xb8;
	v63 =	vld [tilespmem:$0x0]  }
0xa2: {  	v55 =	vld [tilespmem:s1+$0xFFFFFFE0];
	_ =	sdelay $0x4  }
0xa3: {  	[tilespmem:$0x4F00] =	vst v55  }
0xa4: {  	v0 =	vld [tilespmem:s1+$0xFFFFFFF0];
	_ =	sdelay $0x4  }
0xa5: {  	[tilespmem:$0x4F10] =	vst v0  }
0xa6: {  	v0 =	vld [tilespmem:s1+$0x0];
	_ =	sdelay $0x4  }
0xa7: {  	s30 =	sand.u32 $0x3FF0, s30;
	[tilespmem:$0x4F20] =	vst v0  }
0xa8: {  	v0 =	vld [tilespmem:s30+$0x2800];
	_ =	sdelay $0x4  }
0xa9: {  	[tilespmem:$0x4F30] =	vst v0  }
0xaa: {  	v0 =	vld [tilespmem:s1+$0x20];
	_ =	sdelay $0x4  }
0xab: {  	[tilespmem:$0x4F40] =	vst v0  }
0xac: {  	_ =	swait.ge [sflag:s24], $0x2800  }
0xad: {  	[sflag:s24] =	ssyncset.done $0x0  }
0xae: {  	[sflag:s24] =	ssyncadd.s32 $0xFFFFD800  }
0xaf: {  	[spmem:s2] =	stream.indirect.scatter.add.f32 [tilespmem:s17], [sflag:$0x7], $0x80, s22, s15, $0xb8;
	v63 =	vld [tilespmem:$0x0]  }
0xb0: {  	_ =	swait.ge [sflag:s23], $0x2800  }
0xb1: {  	[sflag:s23] =	ssyncset.done $0x0  }
0xb2: {  	[sflag:s23] =	ssyncadd.s32 $0xFFFFD800  }
0xb3: {  	[tilespmem:s17], [sflag:$0x2] =	stream.indirect.gather [hbm4b:s4+s15], $0x80, s29, s15, $0xb8;
	v63 =	vld [tilespmem:$0x0]  }
0xb4: {  	v56 =	vld [tilespmem:s1+$0x30];
	_ =	sdelay $0x4  }
0xb5: {  	[tilespmem:$0x4F00] =	vst v56  }
0xb6: {  	v0 =	vld [tilespmem:s1+$0x40];
	_ =	sdelay $0x4  }
0xb7: {  	[tilespmem:$0x4F10] =	vst v0  }
0xb8: {  	v0 =	vld [tilespmem:s1+$0x50];
	_ =	sdelay $0x4  }
0xb9: {  	[tilespmem:$0x4F20] =	vst v0  }
0xba: {  	v0 =	vld [tilespmem:s1+$0x60];
	_ =	sdelay $0x4  }
0xbb: {  	[tilespmem:$0x4F30] =	vst v0  }
0xbc: {  	v0 =	vld [tilespmem:s1+$0x70];
	_ =	sdelay $0x4  }
0xbd: {  	[tilespmem:$0x4F40] =	vst v0  }
0xbe: {  	_ =	swait.ge [sflag:s25], $0x2800  }
0xbf: {  	[sflag:s25] =	ssyncset.done $0x0  }
0xc0: {  	[sflag:s25] =	ssyncadd.s32 $0xFFFFD800  }
0xc1: {  	[spmem:s2] =	stream.indirect.scatter.add.f32 [tilespmem:s20], [sflag:$0x7], $0x80, s22, s15, $0xb8;
	v63 =	vld [tilespmem:$0x0]  }
0xc2: {  	_ =	swait.ge [sflag:s23], $0x2800  }
0xc3: {  	[sflag:s23] =	ssyncset.done $0x0  }
0xc4: {  	[sflag:s23] =	ssyncadd.s32 $0xFFFFD800  }
0xc5: {  	v57 =	vld [tilespmem:$0x4DF0]  }
0xc6: {  	v1 =	vld [tilespmem:$0x4E00]  }
0xc7: {  	v2 =	vld [tilespmem:$0x4E10]  }
0xc8: {  	v3 =	vld [tilespmem:$0x4E20]  }
0xc9: {  	v4 =	vld [tilespmem:$0x4E30]  }
0xca: {  	[tilespmem:$0x4F00] =	vst v57  }
0xcb: {  	[tilespmem:$0x4F10] =	vst v1  }
0xcc: {  	[tilespmem:$0x4F20] =	vst v2  }
0xcd: {  	[tilespmem:$0x4F30] =	vst v3  }
0xce: {  	[tilespmem:$0x4F40] =	vst v4  }
0xcf: {  	_ =	swait.ge [sflag:s21], $0x2800  }
0xd0: {  	[sflag:s21] =	ssyncset.done $0x0  }
0xd1: {  	[sflag:s21] =	ssyncadd.s32 $0xFFFFD800  }
0xd2: {  	[spmem:s2] =	stream.indirect.scatter.add.f32 [tilespmem:s16], [sflag:$0x7], $0x80, s22, s15, $0xb8;
	v63 =	vld [tilespmem:$0x0]  }
0xd3: {  	_ =	swait.ge [sflag:s23], $0x2800  }
0xd4: {  	[sflag:s23] =	ssyncset.done $0x0  }
0xd5: {  	[sflag:s23] =	ssyncadd.s32 $0xFFFFD800  }
0xd6: {  	v58 =	vld [tilespmem:$0x4E40]  }
0xd7: {  	v59 =	vld [tilespmem:$0x4E50]  }
0xd8: {  	v60 =	vld [tilespmem:$0x4E60]  }
0xd9: {  	v61 =	vld [tilespmem:$0x4E70]  }
0xda: {  	v62 =	vld [tilespmem:$0x4E80]  }
0xdb: {  	[tilespmem:$0x4F00] =	vst v58  }
0xdc: {  	[tilespmem:$0x4F10] =	vst v59  }
0xdd: {  	[tilespmem:$0x4F20] =	vst v60  }
0xde: {  	[tilespmem:$0x4F30] =	vst v61  }
0xdf: {  	[tilespmem:$0x4F40] =	vst v62  }
0xe0: {  	_ =	swait.ge [sflag:s24], $0x2800  }
0xe1: {  	[sflag:s24] =	ssyncset.done $0x0  }
0xe2: {  	[sflag:s24] =	ssyncadd.s32 $0xFFFFD800  }
0xe3: {  	[spmem:s2] =	stream.indirect.scatter.add.f32 [tilespmem:s17], [sflag:$0x7], $0x80, s22, s15, $0xb8;
	v63 =	vld [tilespmem:$0x0]  }
0xe4: {  	_ =	swait.ge [sflag:s23], $0x2800  }
0xe5: {  	s26 =	sadd.s32 $0x1, s26;
	[sflag:s23] =	ssyncset.done $0x0  }
0xe6: {  	p0 =	sne.s32 s26, s11;
	[sflag:s23] =	ssyncadd.s32 $0xFFFFD800  }
.Ltmp1:
0xe7: {  	s31 =	sor.u32 $0x1C07, s8;
	[bflag:$0x0] =	sbarrier.arrive $0xFFFF;
	(pc) =	sbr.rel @p0 .LBB2_1-.Ltmp1, $4  }
0xe8: {  	[hbm:s10], [sflag:s31] =	dma.local [spmem:s13], $0x2800  }
0xe9: {  	_ =	swait.ge [sflag:s23], $0x2800  }
0xea: {  	[sflag:s23] =	ssyncset.done $0x0  }
0xeb: {  	[sflag:s23] =	ssyncadd.s32 $0xFFFFD800  }
0xec: {  	_ =	sfence.sel $0x180000  }
0xed: {  	[bflag:$0x0] =	sbarrier.arrive $0xFFFF  }
0xee: {  	_ =	strace $0x9000004D  }
0xef: {  	s0 =	stileid.u32;
	[bflag:$0x2] =	sbarrier.arrive $0xFFFF  }
0xf0: {  	p0 =	sne.s32 s0, $0x0;
	s0 =	rddreg [dreg:$0x2]  }
0xf1: {  	s0 =	sadd.s32 @!p0 $0x100000, s0  }
0xf2: {  	[sflag:s0] =	ssyncadd.tile.s32 @!p0 $0x1;
	_ =	shalt  }
.Lfunc_end2:
_tile_overlayer_lowered:
.L_overlay_start_2:
0xf3: {  	(tag) =	ssettag $0x2  }
0xf4: {  	s0 =	rddreg [dreg:$0x0];
	s2 =	stileid.u32  }
0xf5: {  	s1 =	rddreg [dreg:$0x1];
	p0 =	sne.s32 s2, $0x0  }
0xf6: {  	s3 =	rddreg [dreg:$0x2];
	[bflag:$0x3] =	sbarrier.arrive $0xFFFF;
	s2 =	simm.s32 @!p0 $0x1C07  }
0xf7: {  	[timem:s3], [sflag:s2] =	dma.local @!p0 [hbm:s0], s1  }
0xf8: {  	s0 =	simm.s32 @!p0 $0x7  }
0xf9: {  	_ =	swait.ge @!p0 [sflag:s0], s1  }
0xfa: {  	s1 =	ssub.s32 @!p0 $0x0, s1;
	[sflag:s0] =	ssyncset.done @!p0 $0x0  }
0xfb: {  	[sflag:s0] =	ssyncadd.s32 @!p0 s1  }
0xfc: {  	[bflag:$0x3] =	sbarrier.arrive $0xFFFF  }
0xfd: {  	_ =	shalt  }

// kernel: kernel.8.cloned.1.call-start
scs
__scs_entry_jumppad:
0x0: {  	(pc) =	sbr.rel $0x88, $3  }
0x1: {  	(tag) =	ssettag $0x0;
	lr =	simm.s32 $0x1  }
0x2: {  	[smem:$0x3F88] =	sst lr;
	_ =	strace $0xD0000000  }
0x3: {  	_ = 	snop  }
0x4: {  	_ = 	snop  }
0x5: {  	_ = 	snop  }
0x6: {  	_ = 	snop  }
0x7: {  	_ = 	snop  }
__scs_overlays_trampoline_lowered:
0x8: {  	[smem:$0x3F97] =	sst s0  }
0x9: {  	[smem:$0x3F98] =	sst s1  }
0xa: {  	[smem:$0x3F99] =	sst s2  }
0xb: {  	[smem:$0x3F9A] =	sst s3  }
0xc: {  	[smem:$0x3F9B] =	sst s4  }
0xd: {  	[smem:$0x3F9C] =	sst s5  }
0xe: {  	[smem:$0x3F9D] =	sst s6  }
0xf: {  	[smem:$0x3F9E] =	sst s7  }
0x10: {  	[smem:$0x3F9F] =	sst s8  }
0x11: {  	[smem:$0x3FA0] =	sst s9;
	s0 =	simm.s32 @!p0 $0x0  }
0x12: {  	s1 =	sld [smem:$0x3F86];
	s0 =	simm.s32 @p0 $0x1  }
0x13: {  	[smem:$0x3FA1] =	sst s0;
	s0 =	simm.s32 @!p1 $0x0  }
0x14: {  	s2 =	sld [smem:$0x3F85];
	s0 =	simm.s32 @p1 $0x1  }
0x15: {  	[smem:$0x3FA2] =	sst s0;
	s0 =	simm.s32 @!p2 $0x0  }
0x16: {  	s3 =	sld [smem:$0x3FDB];
	s0 =	simm.s32 @p2 $0x1  }
0x17: {  	s4 =	simm.s32 $0x1BF5;
	[smem:$0x3FA4] =	sst s0  }
0x18: {  	s0 =	sld [smem:$0x3F87];
	_ =	swait.ge [sflag:s4], $0x0  }
0x19: {  	s7 =	sld [smem:$0x3F88]  }
0x1a: {  	s8 =	sadd.s32 $0xFFFFE003, lr  }
0x1b: {  	s9 =	sadd.s32 $0xFFFFFEF7, lr;
	s5 =	simm.s32 $0xFFFFFFFF;
	p2 =	slt.u32 s8, $0xFFFFF086  }
0x1c: {  	p1 =	slt.u32 s9, $0xF7A;
	s5 =	simm.s32 @!p2 $0x0  }
0x1d: {  	s5 =	simm.s32 @p1 $0x1;
	p0 =	seq.s32 s7, s2  }
0x1e: {  	s7 =	smul.u32 @!p0 $0xF7A, s2;
	p2 =	seq.s32 @!p0 s5, $0x0  }
0x1f: {  	s9 =	smul.u32 $0xF7A, s1;
	s8 =	simm.s32 @!p0 $0x1BF5;
	p2 =	por !p2, p0  }
0x20: {  	[sflag:s8] =	ssyncset.s32 @!p0 $0xFFFFF086;
	s6 =	sadd.s32 @!p0 s3, s7;
	s7 =	simm.s32 @!p0 $0x108  }
0x21: {  	s3 =	sadd.s32 s3, s9;
	s6 =	sadd.s32 @!p0 $0x88, s6;
	s7 =	simm.s32 @p2 $0x1082  }
0x22: {  	[simem:s7], [sflag:s8] =	dma.local @!p0 [hbm:s6], $0xF7A  }
0x23: {  	s9 =	sor.u32 $0xD0000000, s2;
	s6 =	simm.s32 $0x108;
	_ =	swait.ge @!p0 [sflag:s8], $0x0  }
0x24: {  	s3 =	sadd.s32 $0x88, s3;
	s6 =	simm.s32 @!p1 $0x1082;
	[sflag:s4] =	ssyncset.s32 $0xFFFFF086  }
0x25: {  	[simem:s6], [sflag:s4] =	dma.local [hbm:s3], $0xF7A  }
0x26: {  	[smem:$0x3F88] =	sst s1;
	(tag) =	ssettag s2;
	_ =	strace s9  }
0x27: {  	s1 =	sld [smem:$0x3F98]  }
0x28: {  	s2 =	sld [smem:$0x3F99]  }
0x29: {  	s4 =	sld [smem:$0x3F9B]  }
0x2a: {  	p0 =	seq.s32 s5, $0x0;
	s5 =	sld [smem:$0x3F9C]  }
0x2b: {  	s6 =	sld [smem:$0x3F9D]  }
0x2c: {  	s7 =	sld [smem:$0x3F9E]  }
0x2d: {  	s3 =	simm.s32 $0x108;
	s8 =	sld [smem:$0x3F9F]  }
0x2e: {  	s3 =	simm.s32 @!p0 $0x1082;
	s9 =	sld [smem:$0x3FA0]  }
0x2f: {  	lr =	sadd.s32 s0, s3;
	s0 =	sld [smem:$0x3F97]  }
0x30: {  	s3 =	sld [smem:$0x3F9A]  }
0x31: {  	[smem:$0x3FA3] =	sst s10  }
0x32: {  	s10 =	sld [smem:$0x3FA1];
	_ =	sdelay $0x3  }
0x33: {  	p0 =	seq.s32 s10, $0x1;
	s10 =	sld [smem:$0x3FA3];
	_ =	sdelay $0x3  }
0x34: {  	[smem:$0x3FA3] =	sst s10  }
0x35: {  	s10 =	sld [smem:$0x3FA2];
	_ =	sdelay $0x3  }
0x36: {  	p1 =	seq.s32 s10, $0x1;
	s10 =	sld [smem:$0x3FA3];
	_ =	sdelay $0x3  }
0x37: {  	[smem:$0x3FA3] =	sst s10  }
0x38: {  	s10 =	sld [smem:$0x3FA4]  }
0x39: {  	_ = 	snop;
	(pc) =	sbr.ind lr, $3  }
0x3a: {  	_ = 	snop  }
0x3b: {  	_ = 	snop  }
0x3c: {  	p2 =	seq.s32 s10, $0x1;
	s10 =	sld [smem:$0x3FA3]  }
0x3d: {  	_ =	shalt  }
0x3e: {  	_ =	shalt  }
0x3f: {  	_ =	shalt  }
0x40: {  	_ =	shalt  }
0x41: {  	_ =	shalt  }
0x42: {  	_ =	shalt  }
0x43: {  	_ =	shalt  }
0x44: {  	_ =	shalt  }
0x45: {  	_ =	shalt  }
0x46: {  	_ =	shalt  }
0x47: {  	_ =	shalt  }
0x48: {  	_ =	shalt  }
0x49: {  	_ =	shalt  }
0x4a: {  	_ =	shalt  }
0x4b: {  	_ =	shalt  }
0x4c: {  	_ =	shalt  }
0x4d: {  	_ =	shalt  }
0x4e: {  	_ =	shalt  }
0x4f: {  	_ =	shalt  }
0x50: {  	_ =	shalt  }
0x51: {  	_ =	shalt  }
0x52: {  	_ =	shalt  }
0x53: {  	_ =	shalt  }
0x54: {  	_ =	shalt  }
0x55: {  	_ =	shalt  }
0x56: {  	_ =	shalt  }
0x57: {  	_ =	shalt  }
0x58: {  	_ =	shalt  }
0x59: {  	_ =	shalt  }
0x5a: {  	_ =	shalt  }
0x5b: {  	_ =	shalt  }
0x5c: {  	_ =	shalt  }
0x5d: {  	_ =	shalt  }
0x5e: {  	_ =	shalt  }
0x5f: {  	_ =	shalt  }
0x60: {  	_ =	shalt  }
0x61: {  	_ =	shalt  }
0x62: {  	_ =	shalt  }
0x63: {  	_ =	shalt  }
0x64: {  	_ =	shalt  }
0x65: {  	_ =	shalt  }
0x66: {  	_ =	shalt  }
0x67: {  	_ =	shalt  }
0x68: {  	_ =	shalt  }
0x69: {  	_ =	shalt  }
0x6a: {  	_ =	shalt  }
0x6b: {  	_ =	shalt  }
0x6c: {  	_ =	shalt  }
0x6d: {  	_ =	shalt  }
0x6e: {  	_ =	shalt  }
0x6f: {  	_ =	shalt  }
0x70: {  	_ =	shalt  }
0x71: {  	_ =	shalt  }
0x72: {  	_ =	shalt  }
0x73: {  	_ =	shalt  }
0x74: {  	_ =	shalt  }
0x75: {  	_ =	shalt  }
0x76: {  	_ =	shalt  }
0x77: {  	_ =	shalt  }
0x78: {  	_ =	shalt  }
0x79: {  	_ =	shalt  }
0x7a: {  	_ =	shalt  }
0x7b: {  	_ =	shalt  }
0x7c: {  	_ =	shalt  }
0x7d: {  	_ =	shalt  }
0x7e: {  	_ =	shalt  }
0x7f: {  	_ =	shalt  }
0x80: {  	_ =	shalt  }
0x81: {  	_ =	shalt  }
0x82: {  	_ =	shalt  }
0x83: {  	_ =	shalt  }
0x84: {  	_ =	shalt  }
0x85: {  	_ =	shalt  }
0x86: {  	_ =	shalt  }
0x87: {  	_ =	shalt  }
.Lfunc_end0:
.L_simem_size_0:
called_computation_lowered:
.L_overlay_start_0:
0x88: {  	s2 =	sld [smem:$0x3FD9]  }
0x89: {  	s3 =	sld [smem:$0x3FFE];
	_ =	sdelay $0x1  }
0x8a: {  	s1 =	srdreg.scid  }
0x8b: {  	s0 =	sand.u32 $0x1, s1  }
0x8c: {  	s17 =	sshll.u32 s0, $0xA;
	s2 =	sadd.s32 s3, s2  }
0x8d: {  	s2 =	sadd.s32 s2, s17  }
0x8e: {  	[smem:$0x3FAF] =	sst s2  }
0x8f: {  	_ = 	snop  }
0x90: {  	s2 =	sld [smem:$0x3FC9];
	(tm) =	ssettm $0x1  }
0x91: {  	s18 =	sld [smem:$0x3FFB];
	_ =	sdelay $0x3  }
0x92: {  	_ =	strace s18  }
0x93: {  	s3 =	sld [smem:$0x3FFC];
	_ =	sdelay $0x3  }
0x94: {  	_ =	strace s3  }
0x95: {  	s3 =	sld [smem:$0x3FFD];
	_ =	sdelay $0x3  }
0x96: {  	_ =	strace s3  }
0x97: {  	_ =	strace $0x8FFFFFFF  }
0x98: {  	s19 =	sld [smem:$0x3FDB];
	_ =	sdelay $0x1  }
0x99: {  	s4 =	simm.s32 $_scs_section_size  }
0x9a: {  	s5 =	simm.s32 $_size__tile_overlayer_lowered;
	s6 =	simm.s32 $_tile_overlayer_lowered  }
0x9b: {  	s22 =	simm.s32 $0x1BFF;
	s21 =	sshll.u32 s6, $0x1;
	s3 =	sadd.s32 s4, s19  }
0x9c: {  	s7 =	simm.s32 $0x0;
	s20 =	sshll.u32 s5, $0x1;
	s5 =	sadd.s32 s21, s3  }
0x9d: {  	[timem:s7], [sflag:s22] =	dma.local [hbm:s5], s20  }
0x9e: {  	_ =	swait.ge [sflag:s22], s20  }
0x9f: {  	s4 =	ssub.s32 $0x0, s20;
	[sflag:s22] =	ssyncset.done $0x0  }
0xa0: {  	[sflag:s22] =	ssyncadd.s32 s4;
	_ =	sdelay $0x1  }
0xa1: {  	s23 =	simm.s32 $0x1B8B  }
0xa2: {  	_ =	swait.ge [sflag:s23], $0x1  }
0xa3: {  	[sflag:s23] =	ssyncset.done $0x0  }
0xa4: {  	s25 =	simm.s32 $0x1B8E;
	s24 =	sld [smem:$0x3FFE];
	[sflag:s23] =	ssyncadd.s32 $0xFFFFFFFF  }
0xa5: {  	s26 =	simm.s32 $execute0_lowered;
	[smem:$0x3FD2] =	sst s25  }
0xa6: {  	s5 =	sshll.u32 s26, $0x1;
	_ =	strace $0x80000046;
	[dreg:$0x1] =	wrdreg $0xFFFFFFFF  }
0xa7: {  	s28 =	simm.s32 $_size_execute0_lowered;
	s3 =	sadd.s32 s3, s5;
	[dreg:$0x0] =	wrdreg $0x0  }
0xa8: {  	s5 =	sshll.u32 s28, $0x1;
	[dreg:$0x2] =	wrdreg s3  }
0xa9: {  	[dreg:$0x3] =	wrdreg s5  }
0xaa: {  	[dreg:$0x4] =	wrdreg $0xC0  }
0xab: {  	_ =	task [dreg:s7], $0x5FFFF  }
0xac: {  	[dreg:$0x1] =	wrdreg $0xFFFFFFFF  }
0xad: {  	[dreg:$0x0] =	wrdreg $0x60  }
0xae: {  	[dreg:$0x2] =	wrdreg s2  }
0xaf: {  	[dreg:$0x3] =	wrdreg s24  }
0xb0: {  	[dreg:$0x4] =	wrdreg $0xC7800  }
0xb1: {  	[dreg:$0x5] =	wrdreg $0x9  }
0xb2: {  	_ =	task.clear_ibuf [dreg:s7], $0x6FFFF;
	_ =	strace $0x90000046  }
0xb3: {  	s29 =	simm.s32 $0x9;
	_ =	strace $0x80000048  }
0xb4: {  	_ =	swait.ge [sflag:s29], $0x1  }
0xb5: {  	[sflag:s29] =	ssyncadd.s32 $0xFFFFFFFF  }
0xb6: {  	_ =	strace $0x90000048  }
0xb7: {  	_ =	sfence  }
0xb8: {  	s30 =	sld [smem:$0x0];
	_ =	sdelay $0x2  }
0xb9: {  	s31 =	sshll.u32 s1, $0xD;
	s1 =	sshrl.u32 s1, $0x2  }
0xba: {  	s3 =	sand.u32 $0x4000, s31;
	s1 =	sadd.s32 s1, s30  }
0xbb: {  	s0 =	sor.u32 s3, s0;
	s1 =	sshll.u32 s1, $0x11  }
0xbc: {  	s0 =	sor.u32 s1, s0  }
0xbd: {  	s0 =	sadd.s32 $0x8F2B, s0  }
0xbe: {  	[sflag:s0] =	ssyncadd.remote.s32 $0x1  }
0xbf: {  	_ =	sfence.sel $0xFFFF  }
0xc0: {  	[dreg:$0x0] =	wrdreg $0xFFFFFFFF;
	(pc) =	sbr.abs _section_cstart, $3  }
0xc1: {  	[dreg:$0x1] =	wrdreg $0xFFFFFFFF  }
0xc2: {  	_ =	task.clear_ibuf [dreg:s7], $0x2FFFF;
	_ =	strace $0x9FFFFFFF  }
0xc3: {  	(tm) =	ssettm $0x7FFFFFFF  }
tec
execute0_lowered:
.L_overlay_start_1:
0x0: {  	(tag) =	ssettag $0x1  }
0x1: {  	s2 =	srdreg.scid;
	s1 =	rddreg [dreg:$0x0]  }
0x2: {  	s0 =	stileid.u32;
	s5 =	rddreg [dreg:$0x1];
	s12 =	simm.s32 $0x2780  }
0x3: {  	s14 =	simm.s32 $0x4;
	s15 =	simm.s32 $0x50;
	s16 =	simm.s32 $0x4F80  }
0x4: {  	s17 =	simm.s32 $0x7780;
	s18 =	simm.s32 $0x5;
	s19 =	simm.s32 $0x6  }
0x5: {  	s20 =	simm.s32 $0x9F80;
	s21 =	simm.s32 $0x1;
	s22 =	simm.s32 $0x4F00  }
0x6: {  	s23 =	simm.s32 $0x7;
	s24 =	simm.s32 $0x2;
	s25 =	simm.s32 $0x3  }
0x7: {  	s2 =	sand.u32 $0x1, s2;
	s3 =	sshll.u32 s0, $0x1;
	s7 =	smul.u32 $0x13800, s0  }
0x8: {  	s26 =	simm.s32 $0x0;
	s10 =	smul.u32 $0x4E000, s0;
	s4 =	sor.u32 s2, s3  }
0x9: {  	s3 =	rddreg [dreg:$0x2];
	s8 =	smul.u32 $0x138800, s2;
	s2 =	ssub.s32 $0x2, s2  }
0xa: {  	s6 =	smul.u32 $0x4E2, s4;
	s4 =	simm.s32 $0x0;
	s9 =	sshrl.u32 s2, $0x1  }
0xb: {  	s31 =	sshrl.u32 s10, $0x2;
	[smem:$0x7FF] =	sst s4;
	s8 =	sadd.s32 s7, s8  }
0xc: {  	s2 =	ssub.s32 s2, s9;
	s7 =	sshrl.u32 s7, $0x3;
	s13 =	sadd.s32 s31, s3  }
0xd: {  	_ =	strace $0x80000047;
	s6 =	sadd.s32 s6, s5;
	s8 =	sshrl.u32 s8, $0x3  }
0xe: {  	s7 =	sadd.s32 s1, s7;
	s13 =	sshrl.u32 s13, $0x3;
	s11 =	sadd.s32 s8, s5  }
0xf: {  	s5 =	sadd.s32 $0xE600, s6;
	s6 =	sadd.s32 $0x4800, s6;
	s8 =	sshll.u32 s0, $0x6  }
0x10: {  	s9 =	sor.u32 $0x1C06, s8;
	s10 =	sadd.s32 $0x18400, s11;
	s11 =	smax.u32 s2, $0x1  }
.LBB2_1:
0x11: {  	[tilespmem:s4], [sflag:$0x4] =	stream.linear.gather [hbm4b:s5+s4], $0x2710, $0x38;
	v63 =	vld [tilespmem:$0x0]  }
0x12: {  	_ = 	snop  }
0x13: {  	[tilespmem:s12], [sflag:$0x5] =	stream.linear.gather [hbm4b:s6+s4], $0x2710, $0x38;
	v63 =	vld [tilespmem:$0x0]  }
0x14: {  	[spmem:s13], [sflag:s9] =	dma.local [hbm:s7], $0x2800  }
0x15: {  	_ =	swait.ge [sflag:s14], $0x2710  }
0x16: {  	[sflag:s14] =	ssyncset.done $0x0  }
0x17: {  	[sflag:s14] =	ssyncadd.s32 $0xFFFFD8F0  }
0x18: {  	[tilespmem:s16], [sflag:$0x1] =	stream.indirect.gather [hbm4b:s1+s15], $0x80, s4, s15, $0xb8;
	v63 =	vld [tilespmem:$0x0]  }
0x19: {  	_ = 	snop  }
0x1a: {  	[tilespmem:s17], [sflag:$0x2] =	stream.indirect.gather [hbm4b:s1+s15], $0x80, s15, s15, $0xb8;
	v63 =	vld [tilespmem:$0x0]  }
0x1b: {  	_ =	swait.ge [sflag:s18], $0x2710  }
0x1c: {  	[sflag:s18] =	ssyncset.done $0x0  }
0x1d: {  	[sflag:s18] =	ssyncadd.s32 $0xFFFFD8F0  }
0x1e: {  	_ =	swait.ge [sflag:s19], $0x2800  }
0x1f: {  	[sflag:s19] =	ssyncset.done $0x0  }
0x20: {  	[sflag:s19] =	ssyncadd.s32 $0xFFFFD800  }
0x21: {  	s28 =	simm.s32 $0x27F0;
	s2 =	simm.s32 $0xA0;
	[bflag:$0x0] =	sbarrier.arrive $0xFFFF  }
0x22: {  	[tilespmem:s20], [sflag:$0x3] =	stream.indirect.gather [hbm4b:s1+s15], $0x80, s2, s15, $0xb8;
	v63 =	vld [tilespmem:$0x0]  }
0x23: {  	v0 =	vld [tilespmem:s28+$0xFFFFFF90];
	_ =	sdelay $0x4  }
0x24: {  	[tilespmem:$0x4F00] =	vst v0  }
0x25: {  	v0 =	vld [tilespmem:s28+$0xFFFFFFA0];
	_ =	sdelay $0x4  }
0x26: {  	[tilespmem:$0x4F10] =	vst v0  }
0x27: {  	v0 =	vld [tilespmem:s28+$0xFFFFFFB0];
	_ =	sdelay $0x4  }
0x28: {  	[tilespmem:$0x4F20] =	vst v0  }
0x29: {  	v0 =	vld [tilespmem:s28+$0xFFFFFFC0];
	_ =	sdelay $0x4  }
0x2a: {  	[tilespmem:$0x4F30] =	vst v0  }
0x2b: {  	v0 =	vld [tilespmem:s28+$0xFFFFFFD0];
	_ =	sdelay $0x4  }
0x2c: {  	[tilespmem:$0x4F40] =	vst v0  }
0x2d: {  	_ =	swait.ge [sflag:s21], $0x2800  }
0x2e: {  	[sflag:s21] =	ssyncset.done $0x0  }
0x2f: {  	[sflag:s21] =	ssyncadd.s32 $0xFFFFD800  }
0x30: {  	[spmem:s3] =	stream.indirect.scatter.add.f32 [tilespmem:s16], [sflag:$0x7], $0x80, s22, s15, $0xb8;
	v63 =	vld [tilespmem:$0x0]  }
0x31: {  	_ =	swait.ge [sflag:s23], $0x2800  }
0x32: {  	[sflag:s23] =	ssyncset.done $0x0  }
0x33: {  	s0 =	simm.s32 $0xF0;
	[sflag:s23] =	ssyncadd.s32 $0xFFFFD800  }
0x34: {  	[tilespmem:s16], [sflag:$0x1] =	stream.indirect.gather [hbm4b:s1+s15], $0x80, s0, s15, $0xb8;
	v63 =	vld [tilespmem:$0x0]  }
0x35: {  	v61 =	vld [tilespmem:s28+$0xFFFFFFE0];
	_ =	sdelay $0x4  }
0x36: {  	[tilespmem:$0x4F00] =	vst v61  }
0x37: {  	v0 =	vld [tilespmem:s28+$0xFFFFFFF0];
	_ =	sdelay $0x4  }
0x38: {  	[tilespmem:$0x4F10] =	vst v0  }
0x39: {  	v0 =	vld [tilespmem:s28+$0x0];
	_ =	sdelay $0x4  }
0x3a: {  	s0 =	sand.u32 $0x3FF0, s4;
	[tilespmem:$0x4F20] =	vst v0  }
0x3b: {  	v0 =	vld [tilespmem:s0+$0x2800];
	_ =	sdelay $0x4  }
0x3c: {  	[tilespmem:$0x4F30] =	vst v0  }
0x3d: {  	v0 =	vld [tilespmem:s28+$0x20];
	_ =	sdelay $0x4  }
0x3e: {  	[tilespmem:$0x4F40] =	vst v0  }
0x3f: {  	_ =	swait.ge [sflag:s24], $0x2800  }
0x40: {  	[sflag:s24] =	ssyncset.done $0x0  }
0x41: {  	[sflag:s24] =	ssyncadd.s32 $0xFFFFD800  }
0x42: {  	[spmem:s3] =	stream.indirect.scatter.add.f32 [tilespmem:s17], [sflag:$0x7], $0x80, s22, s15, $0xb8;
	v63 =	vld [tilespmem:$0x0]  }
0x43: {  	_ =	swait.ge [sflag:s23], $0x2800  }
0x44: {  	[sflag:s23] =	ssyncset.done $0x0  }
0x45: {  	s0 =	simm.s32 $0x140;
	[sflag:s23] =	ssyncadd.s32 $0xFFFFD800  }
0x46: {  	[tilespmem:s17], [sflag:$0x2] =	stream.indirect.gather [hbm4b:s1+s15], $0x80, s0, s15, $0xb8;
	v63 =	vld [tilespmem:$0x0]  }
0x47: {  	v62 =	vld [tilespmem:s28+$0x30];
	_ =	sdelay $0x4  }
0x48: {  	[tilespmem:$0x4F00] =	vst v62  }
0x49: {  	v0 =	vld [tilespmem:s28+$0x40];
	_ =	sdelay $0x4  }
0x4a: {  	[tilespmem:$0x4F10] =	vst v0  }
0x4b: {  	v0 =	vld [tilespmem:s28+$0x50];
	_ =	sdelay $0x4  }
0x4c: {  	[tilespmem:$0x4F20] =	vst v0  }
0x4d: {  	v0 =	vld [tilespmem:s28+$0x60];
	_ =	sdelay $0x4  }
0x4e: {  	[tilespmem:$0x4F30] =	vst v0  }
0x4f: {  	v0 =	vld [tilespmem:s28+$0x70];
	_ =	sdelay $0x4  }
0x50: {  	[tilespmem:$0x4F40] =	vst v0  }
0x51: {  	_ =	swait.ge [sflag:s25], $0x2800  }
0x52: {  	[sflag:s25] =	ssyncset.done $0x0  }
0x53: {  	[sflag:s25] =	ssyncadd.s32 $0xFFFFD800  }
0x54: {  	[spmem:s3] =	stream.indirect.scatter.add.f32 [tilespmem:s20], [sflag:$0x7], $0x80, s22, s15, $0xb8;
	v63 =	vld [tilespmem:$0x0]  }
0x55: {  	s30 =	simm.s32 $0xF0;
	_ =	swait.ge [sflag:s23], $0x2800  }
0x56: {  	s31 =	simm.s32 $0x1E0;
	s29 =	simm.s32 $0x230;
	[sflag:s23] =	ssyncset.done $0x0  }
.LBB2_2:
0x57: {  	s2 =	sadd.s32 $0xFFFFFF60, s29;
	[sflag:s23] =	ssyncadd.s32 $0xFFFFD800;
	s28 =	sadd.s32 $0xF0, s28  }
0x58: {  	[tilespmem:s20], [sflag:$0x3] =	stream.indirect.gather [hbm4b:s1+s15], $0x80, s2, s15, $0xb8;
	v63 =	vld [tilespmem:$0x0]  }
0x59: {  	p0 =	sne.s32 s31, $0x2580;
	s2 =	smov.u32 s31;
	s31 =	sadd.s32 $0xF0, s31;
	v0 =	vld [tilespmem:s28+$0xFFFFFF90]  }
0x5a: {  	_ =	sdelay $0x3  }
0x5b: {  	[tilespmem:$0x4F00] =	vst v0  }
0x5c: {  	v0 =	vld [tilespmem:s28+$0xFFFFFFA0];
	_ =	sdelay $0x4  }
0x5d: {  	[tilespmem:$0x4F10] =	vst v0  }
0x5e: {  	v0 =	vld [tilespmem:s28+$0xFFFFFFB0];
	_ =	sdelay $0x4  }
0x5f: {  	[tilespmem:$0x4F20] =	vst v0  }
0x60: {  	v0 =	vld [tilespmem:s28+$0xFFFFFFC0];
	_ =	sdelay $0x4  }
0x61: {  	[tilespmem:$0x4F30] =	vst v0  }
0x62: {  	v0 =	vld [tilespmem:s28+$0xFFFFFFD0];
	_ =	sdelay $0x4  }
0x63: {  	[tilespmem:$0x4F40] =	vst v0  }
0x64: {  	_ =	swait.ge [sflag:s21], $0x2800  }
0x65: {  	[sflag:s21] =	ssyncset.done $0x0  }
0x66: {  	[sflag:s21] =	ssyncadd.s32 $0xFFFFD800  }
0x67: {  	[spmem:s3] =	stream.indirect.scatter.add.f32 [tilespmem:s16], [sflag:$0x7], $0x80, s22, s15, $0xb8;
	v63 =	vld [tilespmem:$0x0]  }
0x68: {  	_ =	swait.ge [sflag:s23], $0x2800  }
0x69: {  	[sflag:s23] =	ssyncset.done $0x0  }
0x6a: {  	s0 =	sadd.s32 $0xFFFFFFB0, s29;
	[sflag:s23] =	ssyncadd.s32 $0xFFFFD800  }
0x6b: {  	[tilespmem:s16], [sflag:$0x1] =	stream.indirect.gather [hbm4b:s1+s15], $0x80, s0, s15, $0xb8;
	v63 =	vld [tilespmem:$0x0]  }
0x6c: {  	v0 =	vld [tilespmem:s28+$0xFFFFFFE0];
	_ =	sdelay $0x4  }
0x6d: {  	[tilespmem:$0x4F00] =	vst v0  }
0x6e: {  	v0 =	vld [tilespmem:s28+$0xFFFFFFF0];
	_ =	sdelay $0x4  }
0x6f: {  	[tilespmem:$0x4F10] =	vst v0  }
0x70: {  	v0 =	vld [tilespmem:s28+$0x0];
	_ =	sdelay $0x4  }
0x71: {  	s0 =	sand.u32 $0x3FF0, s30;
	s30 =	smov.u32 s2;
	[tilespmem:$0x4F20] =	vst v0  }
0x72: {  	v0 =	vld [tilespmem:s0+$0x2800];
	_ =	sdelay $0x4  }
0x73: {  	[tilespmem:$0x4F30] =	vst v0  }
0x74: {  	v0 =	vld [tilespmem:s28+$0x20];
	_ =	sdelay $0x4  }
0x75: {  	[tilespmem:$0x4F40] =	vst v0  }
0x76: {  	_ =	swait.ge [sflag:s24], $0x2800  }
0x77: {  	[sflag:s24] =	ssyncset.done $0x0  }
0x78: {  	[sflag:s24] =	ssyncadd.s32 $0xFFFFD800  }
0x79: {  	[spmem:s3] =	stream.indirect.scatter.add.f32 [tilespmem:s17], [sflag:$0x7], $0x80, s22, s15, $0xb8;
	v63 =	vld [tilespmem:$0x0]  }
0x7a: {  	_ =	swait.ge [sflag:s23], $0x2800  }
0x7b: {  	[sflag:s23] =	ssyncset.done $0x0  }
0x7c: {  	[sflag:s23] =	ssyncadd.s32 $0xFFFFD800  }
0x7d: {  	[tilespmem:s17], [sflag:$0x2] =	stream.indirect.gather [hbm4b:s1+s15], $0x80, s29, s15, $0xb8;
	v63 =	vld [tilespmem:$0x0]  }
0x7e: {  	v0 =	vld [tilespmem:s28+$0x30];
	_ =	sdelay $0x4  }
0x7f: {  	[tilespmem:$0x4F00] =	vst v0  }
0x80: {  	v0 =	vld [tilespmem:s28+$0x40];
	_ =	sdelay $0x4  }
0x81: {  	[tilespmem:$0x4F10] =	vst v0  }
0x82: {  	v0 =	vld [tilespmem:s28+$0x50];
	_ =	sdelay $0x4  }
0x83: {  	[tilespmem:$0x4F20] =	vst v0  }
0x84: {  	v0 =	vld [tilespmem:s28+$0x60];
	_ =	sdelay $0x4  }
0x85: {  	[tilespmem:$0x4F30] =	vst v0  }
0x86: {  	v0 =	vld [tilespmem:s28+$0x70];
	_ =	sdelay $0x4  }
0x87: {  	[tilespmem:$0x4F40] =	vst v0  }
0x88: {  	_ =	swait.ge [sflag:s25], $0x2800  }
.Ltmp0:
0x89: {  	[sflag:s25] =	ssyncset.done $0x0;
	(pc) =	sbr.rel @p0 .LBB2_2-.Ltmp0, $4  }
0x8a: {  	[sflag:s25] =	ssyncadd.s32 $0xFFFFD800  }
0x8b: {  	[spmem:s3] =	stream.indirect.scatter.add.f32 [tilespmem:s20], [sflag:$0x7], $0x80, s22, s15, $0xb8;
	v63 =	vld [tilespmem:$0x0]  }
0x8c: {  	_ =	swait.ge [sflag:s23], $0x2800  }
0x8d: {  	s29 =	sadd.s32 $0xF0, s29;
	[sflag:s23] =	ssyncset.done $0x0  }
0x8e: {  	s0 =	sadd.s32 $0xFFFFFF60, s29;
	[sflag:s23] =	ssyncadd.s32 $0xFFFFD800;
	s2 =	sadd.s32 $0xF0, s28  }
0x8f: {  	[tilespmem:s20], [sflag:$0x3] =	stream.indirect.gather [hbm4b:s1+s15], $0x80, s0, s15, $0xb8;
	v63 =	vld [tilespmem:$0x0]  }
0x90: {  	v0 =	vld [tilespmem:s2+$0xFFFFFF90];
	_ =	sdelay $0x4  }
0x91: {  	[tilespmem:$0x4F00] =	vst v0  }
0x92: {  	v0 =	vld [tilespmem:s2+$0xFFFFFFA0];
	_ =	sdelay $0x4  }
0x93: {  	[tilespmem:$0x4F10] =	vst v0  }
0x94: {  	v0 =	vld [tilespmem:s2+$0xFFFFFFB0];
	_ =	sdelay $0x4  }
0x95: {  	[tilespmem:$0x4F20] =	vst v0  }
0x96: {  	v0 =	vld [tilespmem:s2+$0xFFFFFFC0];
	_ =	sdelay $0x4  }
0x97: {  	[tilespmem:$0x4F30] =	vst v0  }
0x98: {  	v0 =	vld [tilespmem:s2+$0xFFFFFFD0];
	_ =	sdelay $0x4  }
0x99: {  	[tilespmem:$0x4F40] =	vst v0  }
0x9a: {  	_ =	swait.ge [sflag:s21], $0x2800  }
0x9b: {  	[sflag:s21] =	ssyncset.done $0x0  }
0x9c: {  	[sflag:s21] =	ssyncadd.s32 $0xFFFFD800  }
0x9d: {  	[spmem:s3] =	stream.indirect.scatter.add.f32 [tilespmem:s16], [sflag:$0x7], $0x80, s22, s15, $0xb8;
	v63 =	vld [tilespmem:$0x0]  }
0x9e: {  	_ =	swait.ge [sflag:s23], $0x2800  }
0x9f: {  	[sflag:s23] =	ssyncset.done $0x0  }
0xa0: {  	s28 =	sadd.s32 $0xFFFFFFB0, s29;
	[sflag:s23] =	ssyncadd.s32 $0xFFFFD800  }
0xa1: {  	[tilespmem:s16], [sflag:$0x1] =	stream.indirect.gather [hbm4b:s1+s15], $0x80, s28, s15, $0xb8;
	v63 =	vld [tilespmem:$0x0]  }
0xa2: {  	v55 =	vld [tilespmem:s2+$0xFFFFFFE0];
	_ =	sdelay $0x4  }
0xa3: {  	[tilespmem:$0x4F00] =	vst v55  }
0xa4: {  	v0 =	vld [tilespmem:s2+$0xFFFFFFF0];
	_ =	sdelay $0x4  }
0xa5: {  	[tilespmem:$0x4F10] =	vst v0  }
0xa6: {  	v0 =	vld [tilespmem:s2+$0x0];
	_ =	sdelay $0x4  }
0xa7: {  	s30 =	sand.u32 $0x3FF0, s30;
	[tilespmem:$0x4F20] =	vst v0  }
0xa8: {  	v0 =	vld [tilespmem:s30+$0x2800];
	_ =	sdelay $0x4  }
0xa9: {  	[tilespmem:$0x4F30] =	vst v0  }
0xaa: {  	v0 =	vld [tilespmem:s2+$0x20];
	_ =	sdelay $0x4  }
0xab: {  	[tilespmem:$0x4F40] =	vst v0  }
0xac: {  	_ =	swait.ge [sflag:s24], $0x2800  }
0xad: {  	[sflag:s24] =	ssyncset.done $0x0  }
0xae: {  	[sflag:s24] =	ssyncadd.s32 $0xFFFFD800  }
0xaf: {  	[spmem:s3] =	stream.indirect.scatter.add.f32 [tilespmem:s17], [sflag:$0x7], $0x80, s22, s15, $0xb8;
	v63 =	vld [tilespmem:$0x0]  }
0xb0: {  	_ =	swait.ge [sflag:s23], $0x2800  }
0xb1: {  	[sflag:s23] =	ssyncset.done $0x0  }
0xb2: {  	[sflag:s23] =	ssyncadd.s32 $0xFFFFD800  }
0xb3: {  	[tilespmem:s17], [sflag:$0x2] =	stream.indirect.gather [hbm4b:s1+s15], $0x80, s29, s15, $0xb8;
	v63 =	vld [tilespmem:$0x0]  }
0xb4: {  	v56 =	vld [tilespmem:s2+$0x30];
	_ =	sdelay $0x4  }
0xb5: {  	[tilespmem:$0x4F00] =	vst v56  }
0xb6: {  	v0 =	vld [tilespmem:s2+$0x40];
	_ =	sdelay $0x4  }
0xb7: {  	[tilespmem:$0x4F10] =	vst v0  }
0xb8: {  	v0 =	vld [tilespmem:s2+$0x50];
	_ =	sdelay $0x4  }
0xb9: {  	[tilespmem:$0x4F20] =	vst v0  }
0xba: {  	v0 =	vld [tilespmem:s2+$0x60];
	_ =	sdelay $0x4  }
0xbb: {  	[tilespmem:$0x4F30] =	vst v0  }
0xbc: {  	v0 =	vld [tilespmem:s2+$0x70];
	_ =	sdelay $0x4  }
0xbd: {  	[tilespmem:$0x4F40] =	vst v0  }
0xbe: {  	_ =	swait.ge [sflag:s25], $0x2800  }
0xbf: {  	[sflag:s25] =	ssyncset.done $0x0  }
0xc0: {  	[sflag:s25] =	ssyncadd.s32 $0xFFFFD800  }
0xc1: {  	[spmem:s3] =	stream.indirect.scatter.add.f32 [tilespmem:s20], [sflag:$0x7], $0x80, s22, s15, $0xb8;
	v63 =	vld [tilespmem:$0x0]  }
0xc2: {  	_ =	swait.ge [sflag:s23], $0x2800  }
0xc3: {  	[sflag:s23] =	ssyncset.done $0x0  }
0xc4: {  	[sflag:s23] =	ssyncadd.s32 $0xFFFFD800  }
0xc5: {  	v57 =	vld [tilespmem:$0x4DF0]  }
0xc6: {  	v1 =	vld [tilespmem:$0x4E00]  }
0xc7: {  	v2 =	vld [tilespmem:$0x4E10]  }
0xc8: {  	v3 =	vld [tilespmem:$0x4E20]  }
0xc9: {  	v4 =	vld [tilespmem:$0x4E30]  }
0xca: {  	[tilespmem:$0x4F00] =	vst v57  }
0xcb: {  	[tilespmem:$0x4F10] =	vst v1  }
0xcc: {  	[tilespmem:$0x4F20] =	vst v2  }
0xcd: {  	[tilespmem:$0x4F30] =	vst v3  }
0xce: {  	[tilespmem:$0x4F40] =	vst v4  }
0xcf: {  	_ =	swait.ge [sflag:s21], $0x2800  }
0xd0: {  	[sflag:s21] =	ssyncset.done $0x0  }
0xd1: {  	[sflag:s21] =	ssyncadd.s32 $0xFFFFD800  }
0xd2: {  	[spmem:s3] =	stream.indirect.scatter.add.f32 [tilespmem:s16], [sflag:$0x7], $0x80, s22, s15, $0xb8;
	v63 =	vld [tilespmem:$0x0]  }
0xd3: {  	_ =	swait.ge [sflag:s23], $0x2800  }
0xd4: {  	[sflag:s23] =	ssyncset.done $0x0  }
0xd5: {  	[sflag:s23] =	ssyncadd.s32 $0xFFFFD800  }
0xd6: {  	v58 =	vld [tilespmem:$0x4E40]  }
0xd7: {  	v59 =	vld [tilespmem:$0x4E50]  }
0xd8: {  	v60 =	vld [tilespmem:$0x4E60]  }
0xd9: {  	v61 =	vld [tilespmem:$0x4E70]  }
0xda: {  	v62 =	vld [tilespmem:$0x4E80]  }
0xdb: {  	[tilespmem:$0x4F00] =	vst v58  }
0xdc: {  	[tilespmem:$0x4F10] =	vst v59  }
0xdd: {  	[tilespmem:$0x4F20] =	vst v60  }
0xde: {  	[tilespmem:$0x4F30] =	vst v61  }
0xdf: {  	[tilespmem:$0x4F40] =	vst v62  }
0xe0: {  	_ =	swait.ge [sflag:s24], $0x2800  }
0xe1: {  	[sflag:s24] =	ssyncset.done $0x0  }
0xe2: {  	[sflag:s24] =	ssyncadd.s32 $0xFFFFD800  }
0xe3: {  	[spmem:s3] =	stream.indirect.scatter.add.f32 [tilespmem:s17], [sflag:$0x7], $0x80, s22, s15, $0xb8;
	v63 =	vld [tilespmem:$0x0]  }
0xe4: {  	_ =	swait.ge [sflag:s23], $0x2800  }
0xe5: {  	s26 =	sadd.s32 $0x1, s26;
	[sflag:s23] =	ssyncset.done $0x0  }
0xe6: {  	p0 =	sne.s32 s26, s11;
	[sflag:s23] =	ssyncadd.s32 $0xFFFFD800  }
.Ltmp1:
0xe7: {  	s31 =	sor.u32 $0x1C07, s8;
	[bflag:$0x0] =	sbarrier.arrive $0xFFFF;
	(pc) =	sbr.rel @p0 .LBB2_1-.Ltmp1, $4  }
0xe8: {  	[hbm:s10], [sflag:s31] =	dma.local [spmem:s13], $0x2800  }
0xe9: {  	_ =	swait.ge [sflag:s23], $0x2800  }
0xea: {  	[sflag:s23] =	ssyncset.done $0x0  }
0xeb: {  	[sflag:s23] =	ssyncadd.s32 $0xFFFFD800  }
0xec: {  	_ =	sfence.sel $0x180000  }
0xed: {  	[bflag:$0x0] =	sbarrier.arrive $0xFFFF  }
0xee: {  	_ =	strace $0x90000047  }
0xef: {  	s0 =	stileid.u32;
	[bflag:$0x2] =	sbarrier.arrive $0xFFFF  }
0xf0: {  	p0 =	sne.s32 s0, $0x0;
	s0 =	rddreg [dreg:$0x3]  }
0xf1: {  	s0 =	sadd.s32 @!p0 $0x100000, s0  }
0xf2: {  	[sflag:s0] =	ssyncadd.tile.s32 @!p0 $0x1;
	_ =	shalt  }
.Lfunc_end2:
_tile_overlayer_lowered:
.L_overlay_start_2:
0xf3: {  	(tag) =	ssettag $0x2  }
0xf4: {  	s0 =	rddreg [dreg:$0x0];
	s2 =	stileid.u32  }
0xf5: {  	s1 =	rddreg [dreg:$0x1];
	p0 =	sne.s32 s2, $0x0  }
0xf6: {  	s3 =	rddreg [dreg:$0x2];
	[bflag:$0x3] =	sbarrier.arrive $0xFFFF;
	s2 =	simm.s32 @!p0 $0x1C07  }
0xf7: {  	[timem:s3], [sflag:s2] =	dma.local @!p0 [hbm:s0], s1  }
0xf8: {  	s0 =	simm.s32 @!p0 $0x7  }
0xf9: {  	_ =	swait.ge @!p0 [sflag:s0], s1  }
0xfa: {  	s1 =	ssub.s32 @!p0 $0x0, s1;
	[sflag:s0] =	ssyncset.done @!p0 $0x0  }
0xfb: {  	[sflag:s0] =	ssyncadd.s32 @!p0 s1  }
0xfc: {  	[bflag:$0x3] =	sbarrier.arrive $0xFFFF  }
0xfd: {  	_ =	shalt  }

</sc_bundles>
